<compile_context>
chip_gen: v7x
topology: tpu7x:2x2x1
jax: 0.10.2.dev20260603
libtpu: 0.0.44.dev20260713+nightly
codegen_flags: <defaults>
</compile_context>

<pallas_src>
import functools

import jax
import jax.numpy as jnp
from jax import lax
from jax.experimental import pallas as pl
from jax.experimental.pallas import tpu as pltpu
from jax.experimental.pallas import tpu_sc as plsc

N_NODES = 10000
N_EDGES = 320000
D = 128
DH = D // 2
NPAD = 10240
NC = 2
NS = 16
CHUNK = 128
NBUF = 3
CPT = ((N_EDGES + NS * CHUNK - 1) // (NS * CHUNK) + NBUF - 1) // NBUF * NBUF
EPAD = NS * CPT * CHUNK
ROWS_PER_TILE = NPAD // NS
DROWS = NPAD // DH
DSTRIPE = DROWS // NS

_mesh = plsc.VectorSubcoreMesh(core_axis_name="c", subcore_axis_name="s")
_params = pltpu.CompilerParams(use_tc_tiling_on_sc=False,
                               needs_layout_passes=False)

def _scratch(pass2):
    return (
        [pltpu.VMEM((CHUNK,), jnp.int32) for _ in range(NBUF)]
        + [pltpu.VMEM((CHUNK,), jnp.int32) for _ in range(NBUF)]
        + [pltpu.VMEM((CHUNK, DH), jnp.float32) for _ in range(NBUF)]
        + [
            pltpu.VMEM((DROWS, DH), jnp.float32),
            pltpu.VMEM((DROWS // 2,), jnp.int32),
            pltpu.VMEM((DROWS // 2,), jnp.int32),
            pltpu.VMEM_SHARED((NPAD, DH), jnp.float32),
            pltpu.VMEM_SHARED((NPAD, DH), jnp.float32),
            pltpu.VMEM_SHARED((DROWS, DH), jnp.float32),
            pltpu.VMEM((DROWS, DH) if pass2 else (16,), jnp.float32),
        ]
        + [pltpu.SemaphoreType.DMA for _ in range(3 * NBUF)]
    )


def _sc_pass_body(pass2, table_h, src_h, dst_h, zeros_h, degin_h, out_h,
                  degout_h, *refs):
    srcbs = refs[0:NBUF]
    dstbs = refs[NBUF:2 * NBUF]
    bufs = refs[2 * NBUF:3 * NBUF]
    deg_v, idxa, idxb, tab_sh, acc_sh, deg_sh, degf_v = refs[3 * NBUF:
                                                            3 * NBUF + 7]
    semis = refs[3 * NBUF + 7:3 * NBUF + 7 + NBUF]
    semgs = refs[3 * NBUF + 7 + NBUF:3 * NBUF + 7 + 2 * NBUF]
    semss = refs[3 * NBUF + 7 + 2 * NBUF:3 * NBUF + 7 + 3 * NBUF]
    c = lax.axis_index("c")
    s = lax.axis_index("s")
    base = s * CPT
    stripe = pl.ds(s * ROWS_PER_TILE, ROWS_PER_TILE)

    if pass2:
        pltpu.sync_copy(table_h.at[c, stripe], tab_sh.at[stripe])
    else:
        nrpt = N_NODES // NS
        pltpu.sync_copy(
            table_h.at[pl.ds(s * nrpt, nrpt), pl.ds(c * DH, DH)],
            tab_sh.at[pl.ds(s * nrpt, nrpt)])
    pltpu.sync_copy(zeros_h, acc_sh.at[stripe])
    pltpu.sync_copy(zeros_h.at[pl.ds(0, DROWS)], deg_v)
    pltpu.sync_copy(zeros_h.at[pl.ds(0, DSTRIPE)],
                    deg_sh.at[pl.ds(s * DSTRIPE, DSTRIPE)])
    if pass2:
        pltpu.sync_copy(degin_h, degf_v)
    plsc.subcore_barrier()

    ones16 = jnp.ones((16,), jnp.float32)

    def deg_update(b):
        for j in range(CHUNK // 16):
            dd = dstbs[b][pl.ds(j * 16, 16)]
            rd = lax.shift_right_logical(dd, 6)
            cd = lax.bitwise_and(dd, 63)
            if pass2:
                ss = srcbs[b][pl.ds(j * 16, 16)]
                rs = lax.shift_right_logical(ss, 6)
                cs = lax.bitwise_and(ss, 63)
                val = plsc.load_gather(degf_v, [rs, cs])
            else:
                val = ones16
            plsc.addupdate_scatter(deg_v, [rd, cd], val)

    pltpu.sync_copy(src_h.at[base], srcbs[0])
    pltpu.sync_copy(dst_h.at[base], dstbs[0])
    pltpu.async_copy(src_h.at[base + 1], srcbs[1], semis[1])
    pltpu.async_copy(dst_h.at[base + 1], dstbs[1], semis[1])
    pltpu.async_copy(tab_sh.at[srcbs[0]], bufs[0], semgs[0])

    def tri_body(g, carry):
        for b in range(NBUF):
            i = g * NBUF + b
            p = (b + 2) % NBUF
            n = (b + 1) % NBUF

            @pl.when(i >= 1)
            def _():
                pltpu.make_async_copy(bufs[p], acc_sh.at[dstbs[p]],
                                      semss[p]).wait()

            @pl.when(i + 2 < CPT)
            def _():
                pltpu.async_copy(src_h.at[base + i + 2], srcbs[p], semis[p])
                pltpu.async_copy(dst_h.at[base + i + 2], dstbs[p], semis[p])

            pltpu.make_async_copy(tab_sh.at[srcbs[b]], bufs[b],
                                  semgs[b]).wait()
            pltpu.async_copy(bufs[b], acc_sh.at[dstbs[b]], semss[b],
                             add=True)

            @pl.when(i + 1 < CPT)
            def _():
                pltpu.make_async_copy(src_h.at[base], srcbs[n],
                                      semis[n]).wait()
                pltpu.make_async_copy(dst_h.at[base], dstbs[n],
                                      semis[n]).wait()
                pltpu.async_copy(tab_sh.at[srcbs[n]], bufs[n], semgs[n])

            deg_update(b)
        return carry

    lax.fori_loop(0, CPT // NBUF, tri_body, 0)
    pltpu.make_async_copy(bufs[(CPT - 1) % NBUF],
                          acc_sh.at[dstbs[(CPT - 1) % NBUF]],
                          semss[(CPT - 1) % NBUF]).wait()

    half = DROWS // 2
    iota16 = lax.iota(jnp.int32, 16)
    for k in range(half // 16):
        idxa[pl.ds(k * 16, 16)] = iota16 + (k * 16)
        idxb[pl.ds(k * 16, 16)] = iota16 + (half + k * 16)
    pltpu.sync_copy(deg_v.at[pl.ds(0, half)], deg_sh.at[idxa], add=True)
    pltpu.sync_copy(deg_v.at[pl.ds(half, half)], deg_sh.at[idxb], add=True)
    plsc.subcore_barrier()

    pltpu.sync_copy(acc_sh.at[stripe], out_h.at[c, stripe])

    @pl.when(c == 0)
    def _():
        pltpu.sync_copy(deg_sh.at[pl.ds(s * DSTRIPE, DSTRIPE)],
                        degout_h.at[pl.ds(s * DSTRIPE, DSTRIPE)])


_OUT_TYPES = (jax.ShapeDtypeStruct((NC, NPAD, DH), jnp.float32),
              jax.ShapeDtypeStruct((DROWS, DH), jnp.float32))

_sc_pass1 = functools.partial(
    pl.kernel, out_type=_OUT_TYPES, mesh=_mesh, compiler_params=_params,
    scratch_types=_scratch(False),
)(functools.partial(_sc_pass_body, False))

_sc_pass2 = functools.partial(
    pl.kernel, out_type=_OUT_TYPES, mesh=_mesh, compiler_params=_params,
    scratch_types=_scratch(True),
)(functools.partial(_sc_pass_body, True))


_ROWS_BLK = 400
_N_BLKS = N_NODES // _ROWS_BLK


def _dot_wt(a, w):
    return lax.dot_general(a, w, (((1,), (1,)), ((), ())),
                           preferred_element_type=jnp.float32)


def _final01_body(x_ref, y1_ref, dg_ref, w_ref, b_ref, o_ref):
    y1 = jnp.concatenate([y1_ref[0], y1_ref[1]], axis=1)
    o_ref[:, 0:D] = _dot_wt(x_ref[...], w_ref[0]) + b_ref[0, 0]
    o_ref[:, D:2 * D] = (_dot_wt(y1, w_ref[1])
                         + dg_ref[...] * b_ref[0, 1])


def _tc_final01(x, y1h, deg, w_all, b_all):
    return pl.pallas_call(
        _final01_body,
        grid=(_N_BLKS,),
        in_specs=[
            pl.BlockSpec((_ROWS_BLK, D), lambda i: (i, 0)),
            pl.BlockSpec((NC, _ROWS_BLK, DH), lambda i: (0, i, 0)),
            pl.BlockSpec((_ROWS_BLK, 1), lambda i: (i, 0)),
            pl.BlockSpec((3, D, D), lambda i: (0, 0, 0)),
            pl.BlockSpec((1, 3, D), lambda i: (0, 0, 0)),
        ],
        out_specs=pl.BlockSpec((_ROWS_BLK, 3 * D), lambda i: (i, 0)),
        out_shape=jax.ShapeDtypeStruct((N_NODES, 3 * D), jnp.float32),
    )(x, y1h, deg, w_all, b_all)


def _final2_body(y2_ref, dg2_ref, w_ref, b_ref, out01_ref, o_ref):
    del out01_ref
    y2 = jnp.concatenate([y2_ref[0], y2_ref[1]], axis=1)
    o_ref[...] = _dot_wt(y2, w_ref[2]) + dg2_ref[...] * b_ref[0, 2]


def _tc_final2(y2h, deg2, w_all, b_all, out01):
    return pl.pallas_call(
        _final2_body,
        grid=(_N_BLKS,),
        in_specs=[
            pl.BlockSpec((NC, _ROWS_BLK, DH), lambda i: (0, i, 0)),
            pl.BlockSpec((_ROWS_BLK, 1), lambda i: (i, 0)),
            pl.BlockSpec((3, D, D), lambda i: (0, 0, 0)),
            pl.BlockSpec((1, 3, D), lambda i: (0, 0, 0)),
            pl.BlockSpec(memory_space=pl.ANY),
        ],
        out_specs=pl.BlockSpec((_ROWS_BLK, D), lambda i: (i, 2)),
        out_shape=jax.ShapeDtypeStruct((N_NODES, 3 * D), jnp.float32),
        input_output_aliases={4: 0},
    )(y2h, deg2, w_all, b_all, out01)


def kernel(x, edge_index, W0, b0, W1, b1, W2, b2):
    x = x.astype(jnp.float32)

    src = edge_index[0].astype(jnp.int32)
    dst = edge_index[1].astype(jnp.int32)
    npad_e = EPAD - N_EDGES
    pad_dst = N_NODES + jnp.arange(npad_e, dtype=jnp.int32) % (NPAD - N_NODES)
    src2d = jnp.concatenate([src, jnp.zeros((npad_e,), jnp.int32)]
                            ).reshape(NS * CPT, CHUNK)
    dst2d = jnp.concatenate([dst, pad_dst]).reshape(NS * CPT, CHUNK)

    zeros = jnp.zeros((ROWS_PER_TILE, DH), jnp.float32)
    dummy_deg = jnp.zeros((DROWS, DH), jnp.float32)

    w_all = jnp.stack([W0, W1, W2]).astype(jnp.float32)
    b_all = jnp.stack([b0, b1, b2]).astype(jnp.float32)[None]

    y1h, deg = _sc_pass1(x, src2d, dst2d, zeros, dummy_deg)
    y2h, deg2 = _sc_pass2(y1h, src2d, dst2d, zeros, deg)
    out01 = _tc_final01(x, y1h, deg.reshape(NPAD, 1), w_all, b_all)
    return _tc_final2(y2h, deg2.reshape(NPAD, 1), w_all, b_all, out01)

# --- scband reference (transcript-rebuilt; emitter-appended) ---
"""Pipeline reference for scband-mix-hop-layer-69234872811809 (READ-ONLY COPY).

The authoritative reference and input builder live on the scoring server;
editing this copy changes nothing except your own understanding.
"""

import jax, jax.numpy as jnp
import numpy as np

N_NODES = 10000
N_EDGES = 320000
D_IN = 128
D_OUT = 128
HOPS = 2


def setup_inputs(seed: int = 0) -> dict:
    key = jax.random.key(seed)
    ks = jax.random.split(key, 10)
    x = jax.random.normal(ks[0], (N_NODES, D_IN), dtype=jnp.float32)
    edge_index = jax.random.randint(ks[1], (2, N_EDGES), 0, N_NODES).astype(jnp.int64)
    scale = 1.0 / np.sqrt(D_IN)
    # one Linear per hop (hops+1 = 3 linears), torch convention: y = x @ W.T + b
    W0 = jax.random.uniform(ks[2], (D_OUT, D_IN), dtype=jnp.float32, minval=-scale, maxval=scale)
    b0 = jax.random.uniform(ks[3], (D_OUT,), dtype=jnp.float32, minval=-scale, maxval=scale)
    W1 = jax.random.uniform(ks[4], (D_OUT, D_IN), dtype=jnp.float32, minval=-scale, maxval=scale)
    b1 = jax.random.uniform(ks[5], (D_OUT,), dtype=jnp.float32, minval=-scale, maxval=scale)
    W2 = jax.random.uniform(ks[6], (D_OUT, D_IN), dtype=jnp.float32, minval=-scale, maxval=scale)
    b2 = jax.random.uniform(ks[7], (D_OUT,), dtype=jnp.float32, minval=-scale, maxval=scale)
    return {"x": x, "edge_index": edge_index, "W0": W0, "b0": b0, "W1": W1, "b1": b1, "W2": W2, "b2": b2}


def reference(x, edge_index, W0, b0, W1, b1, W2, b2):
    # adj_t matmul == SpMM: out[dst] = sum over edges (src->dst) of h[src]
    src = edge_index[0]
    dst = edge_index[1]
    n = x.shape[0]

    def spmm(h):
        return jax.ops.segment_sum(h[src], dst, num_segments=n)

    # hop 0: plain linear
    x0 = x @ W0.T + b0
    # hop 1: linear then one SpMM
    x1 = spmm(x @ W1.T + b1)
    # hop 2: linear then two SpMMs
    x2 = spmm(spmm(x @ W2.T + b2))
    return jnp.concatenate([x0, x1, x2], axis=1)

if __name__ == "__main__":
    import jax
    _d = setup_inputs()
    print(jax.jit(kernel)(*tuple(_d.values())))

</pallas_src>

<mosaic_0001>
#map = affine_map<(d0, d1) -> (0, 0)>
#map1 = affine_map<(d0, d1) -> (0, 0, 0)>
module attributes {stable_mosaic.version = 14 : i64} {
  func.func @_sc_pass_body(%arg0: i32, %arg1: i32, %arg2: memref<10000x128xf32, #tpu.memory_space<hbm>>, %arg3: memref<2544x128xi32, #tpu.memory_space<hbm>>, %arg4: memref<2544x128xi32, #tpu.memory_space<hbm>>, %arg5: memref<640x64xf32, #tpu.memory_space<hbm>>, %arg6: memref<160x64xf32, #tpu.memory_space<hbm>>, %arg7: memref<2x10240x64xf32, #tpu.memory_space<hbm>>, %arg8: memref<160x64xf32, #tpu.memory_space<hbm>>, %arg9: memref<128xi32, #tpu.memory_space<vmem>>, %arg10: memref<128xi32, #tpu.memory_space<vmem>>, %arg11: memref<128xi32, #tpu.memory_space<vmem>>, %arg12: memref<128xi32, #tpu.memory_space<vmem>>, %arg13: memref<128xi32, #tpu.memory_space<vmem>>, %arg14: memref<128xi32, #tpu.memory_space<vmem>>, %arg15: memref<128x64xf32, #tpu.memory_space<vmem>>, %arg16: memref<128x64xf32, #tpu.memory_space<vmem>>, %arg17: memref<128x64xf32, #tpu.memory_space<vmem>>, %arg18: memref<160x64xf32, #tpu.memory_space<vmem>>, %arg19: memref<80xi32, #tpu.memory_space<vmem>>, %arg20: memref<80xi32, #tpu.memory_space<vmem>>, %arg21: memref<10240x64xf32, #tpu.memory_space<vmem_shared>>, %arg22: memref<10240x64xf32, #tpu.memory_space<vmem_shared>>, %arg23: memref<160x64xf32, #tpu.memory_space<vmem_shared>>, %arg24: memref<16xf32, #tpu.memory_space<vmem>>, %arg25: memref<!tpu.dma_semaphore, #tpu.memory_space<semaphore_mem>>, %arg26: memref<!tpu.dma_semaphore, #tpu.memory_space<semaphore_mem>>, %arg27: memref<!tpu.dma_semaphore, #tpu.memory_space<semaphore_mem>>, %arg28: memref<!tpu.dma_semaphore, #tpu.memory_space<semaphore_mem>>, %arg29: memref<!tpu.dma_semaphore, #tpu.memory_space<semaphore_mem>>, %arg30: memref<!tpu.dma_semaphore, #tpu.memory_space<semaphore_mem>>, %arg31: memref<!tpu.dma_semaphore, #tpu.memory_space<semaphore_mem>>, %arg32: memref<!tpu.dma_semaphore, #tpu.memory_space<semaphore_mem>>, %arg33: memref<!tpu.dma_semaphore, #tpu.memory_space<semaphore_mem>>) attributes {dimension_semantics = [#tpu.dimension_semantics<core_parallel>, #tpu.dimension_semantics<subcore_parallel>], iteration_bounds = array<i64: 2, 16>, scalar_prefetch = 0 : i64, scratch_operands = 25 : i64, tpu.core_type = #tpu.core_type<sc_vector_subcore>, window_params = [{transform_indices = #map}, {transform_indices = #map}, {transform_indices = #map}, {transform_indices = #map}, {transform_indices = #map}, {transform_indices = #map1}, {transform_indices = #map}]} {
    %mul3A = arith.constant 159 : i32
    %mul3A_0 = arith.muli %arg1, %mul3A : i32
    %mul3A_1 = arith.constant 640 : i32
    %mul3A_2 = arith.muli %arg1, %mul3A_1 : i32
    %mul3A_3 = arith.constant 625 : i32
    %mul3A_4 = arith.muli %arg1, %mul3A_3 : i32
    %mul3A_5 = arith.constant 64 : i32
    %mul3A_6 = arith.muli %arg0, %mul3A_5 : i32
    %mul3A_7 = arith.constant 625 : i32
    %mul3A_8 = arith.muli %arg1, %mul3A_7 : i32
    "tpu.region"() ({
      %run_scoped3A = tpu.sem_alloc : memref<!tpu.dma_semaphore, #tpu.memory_space<semaphore_mem>>
      %dma_start3A_88 = arith.constant 0 : i32
      %dma_start3A_89 = tpu.memref_slice %arg21[%mul3A_8, %dma_start3A_88] : memref<10240x64xf32, #tpu.memory_space<vmem_shared>> -> memref<625x64xf32, #tpu.memory_space<vmem_shared>>
      %dma_start3A_90 = tpu.memref_slice %arg2[%mul3A_4, %mul3A_6] : memref<10000x128xf32, #tpu.memory_space<hbm>> -> memref<625x64xf32, #tpu.memory_space<hbm>>
      tpu.enqueue_dma source(%dma_start3A_90 : memref<625x64xf32, #tpu.memory_space<hbm>>) target(%dma_start3A_89 : memref<625x64xf32, #tpu.memory_space<vmem_shared>>) target_semaphore(%run_scoped3A : memref<!tpu.dma_semaphore, #tpu.memory_space<semaphore_mem>>)
      %dma_wait3A_91 = arith.constant 0 : i32
      %dma_wait3A_92 = tpu.memref_slice %arg21[%mul3A_8, %dma_wait3A_91] : memref<10240x64xf32, #tpu.memory_space<vmem_shared>> -> memref<625x64xf32, #tpu.memory_space<vmem_shared>>
      %dma_wait3A_93 = tpu.memref_slice %arg2[%mul3A_4, %mul3A_6] : memref<10000x128xf32, #tpu.memory_space<hbm>> -> memref<625x64xf32, #tpu.memory_space<hbm>>
      tpu.wait_dma2 semaphore(%run_scoped3A : memref<!tpu.dma_semaphore, #tpu.memory_space<semaphore_mem>>) src(%dma_wait3A_93 : memref<625x64xf32, #tpu.memory_space<hbm>>) dst(%dma_wait3A_92 : memref<625x64xf32, #tpu.memory_space<vmem_shared>>)
      tpu.yield
    }) : () -> ()
    "tpu.region"() ({
      %run_scoped3A = tpu.sem_alloc : memref<!tpu.dma_semaphore, #tpu.memory_space<semaphore_mem>>
      %dma_start3A_88 = arith.constant 0 : i32
      %dma_start3A_89 = tpu.memref_slice %arg22[%mul3A_2, %dma_start3A_88] : memref<10240x64xf32, #tpu.memory_space<vmem_shared>> -> memref<640x64xf32, #tpu.memory_space<vmem_shared>>
      tpu.enqueue_dma source(%arg5 : memref<640x64xf32, #tpu.memory_space<hbm>>) target(%dma_start3A_89 : memref<640x64xf32, #tpu.memory_space<vmem_shared>>) target_semaphore(%run_scoped3A : memref<!tpu.dma_semaphore, #tpu.memory_space<semaphore_mem>>)
      %dma_wait3A_90 = arith.constant 0 : i32
      %dma_wait3A_91 = tpu.memref_slice %arg22[%mul3A_2, %dma_wait3A_90] : memref<10240x64xf32, #tpu.memory_space<vmem_shared>> -> memref<640x64xf32, #tpu.memory_space<vmem_shared>>
      tpu.wait_dma2 semaphore(%run_scoped3A : memref<!tpu.dma_semaphore, #tpu.memory_space<semaphore_mem>>) src(%arg5 : memref<640x64xf32, #tpu.memory_space<hbm>>) dst(%dma_wait3A_91 : memref<640x64xf32, #tpu.memory_space<vmem_shared>>)
      tpu.yield
    }) : () -> ()
    "tpu.region"() ({
      %run_scoped3A = tpu.sem_alloc : memref<!tpu.dma_semaphore, #tpu.memory_space<semaphore_mem>>
      %dma_start3A_88 = arith.constant 0 : i32
      %dma_start3A_89 = arith.constant 0 : i32
      %dma_start3A_90 = tpu.memref_slice %arg5[%dma_start3A_88, %dma_start3A_89] : memref<640x64xf32, #tpu.memory_space<hbm>> -> memref<160x64xf32, #tpu.memory_space<hbm>>
      %dma_start3A_91 = arith.constant 0 : i32
      %dma_start3A_92 = arith.constant 0 : i32
      %dma_start3A_93 = tpu.memref_slice %arg5[%dma_start3A_91, %dma_start3A_92] : memref<640x64xf32, #tpu.memory_space<hbm>> -> memref<160x64xf32, #tpu.memory_space<hbm>>
      tpu.enqueue_dma source(%dma_start3A_93 : memref<160x64xf32, #tpu.memory_space<hbm>>) target(%arg18 : memref<160x64xf32, #tpu.memory_space<vmem>>) target_semaphore(%run_scoped3A : memref<!tpu.dma_semaphore, #tpu.memory_space<semaphore_mem>>)
      %dma_wait3A_94 = arith.constant 0 : i32
      %dma_wait3A_95 = arith.constant 0 : i32
      %dma_wait3A_96 = tpu.memref_slice %arg5[%dma_wait3A_94, %dma_wait3A_95] : memref<640x64xf32, #tpu.memory_space<hbm>> -> memref<160x64xf32, #tpu.memory_space<hbm>>
      %dma_wait3A_97 = arith.constant 0 : i32
      %dma_wait3A_98 = arith.constant 0 : i32
      %dma_wait3A_99 = tpu.memref_slice %arg5[%dma_wait3A_97, %dma_wait3A_98] : memref<640x64xf32, #tpu.memory_space<hbm>> -> memref<160x64xf32, #tpu.memory_space<hbm>>
      tpu.wait_dma2 semaphore(%run_scoped3A : memref<!tpu.dma_semaphore, #tpu.memory_space<semaphore_mem>>) src(%dma_wait3A_99 : memref<160x64xf32, #tpu.memory_space<hbm>>) dst(%arg18 : memref<160x64xf32, #tpu.memory_space<vmem>>)
      tpu.yield
    }) : () -> ()
    %mul3A_9 = arith.constant 10 : i32
    %mul3A_10 = arith.muli %arg1, %mul3A_9 : i32
    "tpu.region"() ({
      %run_scoped3A = tpu.sem_alloc : memref<!tpu.dma_semaphore, #tpu.memory_space<semaphore_mem>>
      %dma_start3A_88 = arith.constant 0 : i32
      %dma_start3A_89 = tpu.memref_slice %arg23[%mul3A_10, %dma_start3A_88] : memref<160x64xf32, #tpu.memory_space<vmem_shared>> -> memref<10x64xf32, #tpu.memory_space<vmem_shared>>
      %dma_start3A_90 = arith.constant 0 : i32
      %dma_start3A_91 = arith.constant 0 : i32
      %dma_start3A_92 = tpu.memref_slice %arg5[%dma_start3A_90, %dma_start3A_91] : memref<640x64xf32, #tpu.memory_space<hbm>> -> memref<10x64xf32, #tpu.memory_space<hbm>>
      tpu.enqueue_dma source(%dma_start3A_92 : memref<10x64xf32, #tpu.memory_space<hbm>>) target(%dma_start3A_89 : memref<10x64xf32, #tpu.memory_space<vmem_shared>>) target_semaphore(%run_scoped3A : memref<!tpu.dma_semaphore, #tpu.memory_space<semaphore_mem>>)
      %dma_wait3A_93 = arith.constant 0 : i32
      %dma_wait3A_94 = tpu.memref_slice %arg23[%mul3A_10, %dma_wait3A_93] : memref<160x64xf32, #tpu.memory_space<vmem_shared>> -> memref<10x64xf32, #tpu.memory_space<vmem_shared>>
      %dma_wait3A_95 = arith.constant 0 : i32
      %dma_wait3A_96 = arith.constant 0 : i32
      %dma_wait3A_97 = tpu.memref_slice %arg5[%dma_wait3A_95, %dma_wait3A_96] : memref<640x64xf32, #tpu.memory_space<hbm>> -> memref<10x64xf32, #tpu.memory_space<hbm>>
      tpu.wait_dma2 semaphore(%run_scoped3A : memref<!tpu.dma_semaphore, #tpu.memory_space<semaphore_mem>>) src(%dma_wait3A_97 : memref<10x64xf32, #tpu.memory_space<hbm>>) dst(%dma_wait3A_94 : memref<10x64xf32, #tpu.memory_space<vmem_shared>>)
      tpu.yield
    }) : () -> ()
    %barrier3A = arith.constant 0 : index
    tpu.barrier barrier_id(%barrier3A)
    %broadcast_in_dim3A = arith.constant 1.000000e+00 : f32
    %broadcast_in_dim3A_11 = vector.broadcast %broadcast_in_dim3A : f32 to vector<16xf32>
    "tpu.region"() ({
      %run_scoped3A = tpu.sem_alloc : memref<!tpu.dma_semaphore, #tpu.memory_space<semaphore_mem>>
      %dma_start3A_88 = arith.constant 0 : i32
      %dma_start3A_89 = tpu.memref_slice %arg3[%mul3A_0, %dma_start3A_88] : memref<2544x128xi32, #tpu.memory_space<hbm>> -> memref<1x128xi32, #tpu.memory_space<hbm>>
      %dma_start3A_90 = tpu.memref_squeeze %dma_start3A_89 : memref<1x128xi32, #tpu.memory_space<hbm>> -> memref<128xi32, #tpu.memory_space<hbm>>
      %dma_start3A_91 = arith.constant 0 : i32
      %dma_start3A_92 = tpu.memref_slice %arg3[%mul3A_0, %dma_start3A_91] : memref<2544x128xi32, #tpu.memory_space<hbm>> -> memref<1x128xi32, #tpu.memory_space<hbm>>
      %dma_start3A_93 = tpu.memref_squeeze %dma_start3A_92 : memref<1x128xi32, #tpu.memory_space<hbm>> -> memref<128xi32, #tpu.memory_space<hbm>>
      tpu.enqueue_dma source(%dma_start3A_93 : memref<128xi32, #tpu.memory_space<hbm>>) target(%arg9 : memref<128xi32, #tpu.memory_space<vmem>>) target_semaphore(%run_scoped3A : memref<!tpu.dma_semaphore, #tpu.memory_space<semaphore_mem>>)
      %dma_wait3A_94 = arith.constant 0 : i32
      %dma_wait3A_95 = tpu.memref_slice %arg3[%mul3A_0, %dma_wait3A_94] : memref<2544x128xi32, #tpu.memory_space<hbm>> -> memref<1x128xi32, #tpu.memory_space<hbm>>
      %dma_wait3A_96 = tpu.memref_squeeze %dma_wait3A_95 : memref<1x128xi32, #tpu.memory_space<hbm>> -> memref<128xi32, #tpu.memory_space<hbm>>
      %dma_wait3A_97 = arith.constant 0 : i32
      %dma_wait3A_98 = tpu.memref_slice %arg3[%mul3A_0, %dma_wait3A_97] : memref<2544x128xi32, #tpu.memory_space<hbm>> -> memref<1x128xi32, #tpu.memory_space<hbm>>
      %dma_wait3A_99 = tpu.memref_squeeze %dma_wait3A_98 : memref<1x128xi32, #tpu.memory_space<hbm>> -> memref<128xi32, #tpu.memory_space<hbm>>
      tpu.wait_dma2 semaphore(%run_scoped3A : memref<!tpu.dma_semaphore, #tpu.memory_space<semaphore_mem>>) src(%dma_wait3A_99 : memref<128xi32, #tpu.memory_space<hbm>>) dst(%arg9 : memref<128xi32, #tpu.memory_space<vmem>>)
      tpu.yield
    }) : () -> ()
    "tpu.region"() ({
      %run_scoped3A = tpu.sem_alloc : memref<!tpu.dma_semaphore, #tpu.memory_space<semaphore_mem>>
      %dma_start3A_88 = arith.constant 0 : i32
      %dma_start3A_89 = tpu.memref_slice %arg4[%mul3A_0, %dma_start3A_88] : memref<2544x128xi32, #tpu.memory_space<hbm>> -> memref<1x128xi32, #tpu.memory_space<hbm>>
      %dma_start3A_90 = tpu.memref_squeeze %dma_start3A_89 : memref<1x128xi32, #tpu.memory_space<hbm>> -> memref<128xi32, #tpu.memory_space<hbm>>
      %dma_start3A_91 = arith.constant 0 : i32
      %dma_start3A_92 = tpu.memref_slice %arg4[%mul3A_0, %dma_start3A_91] : memref<2544x128xi32, #tpu.memory_space<hbm>> -> memref<1x128xi32, #tpu.memory_space<hbm>>
      %dma_start3A_93 = tpu.memref_squeeze %dma_start3A_92 : memref<1x128xi32, #tpu.memory_space<hbm>> -> memref<128xi32, #tpu.memory_space<hbm>>
      tpu.enqueue_dma source(%dma_start3A_93 : memref<128xi32, #tpu.memory_space<hbm>>) target(%arg12 : memref<128xi32, #tpu.memory_space<vmem>>) target_semaphore(%run_scoped3A : memref<!tpu.dma_semaphore, #tpu.memory_space<semaphore_mem>>)
      %dma_wait3A_94 = arith.constant 0 : i32
      %dma_wait3A_95 = tpu.memref_slice %arg4[%mul3A_0, %dma_wait3A_94] : memref<2544x128xi32, #tpu.memory_space<hbm>> -> memref<1x128xi32, #tpu.memory_space<hbm>>
      %dma_wait3A_96 = tpu.memref_squeeze %dma_wait3A_95 : memref<1x128xi32, #tpu.memory_space<hbm>> -> memref<128xi32, #tpu.memory_space<hbm>>
      %dma_wait3A_97 = arith.constant 0 : i32
      %dma_wait3A_98 = tpu.memref_slice %arg4[%mul3A_0, %dma_wait3A_97] : memref<2544x128xi32, #tpu.memory_space<hbm>> -> memref<1x128xi32, #tpu.memory_space<hbm>>
      %dma_wait3A_99 = tpu.memref_squeeze %dma_wait3A_98 : memref<1x128xi32, #tpu.memory_space<hbm>> -> memref<128xi32, #tpu.memory_space<hbm>>
      tpu.wait_dma2 semaphore(%run_scoped3A : memref<!tpu.dma_semaphore, #tpu.memory_space<semaphore_mem>>) src(%dma_wait3A_99 : memref<128xi32, #tpu.memory_space<hbm>>) dst(%arg12 : memref<128xi32, #tpu.memory_space<vmem>>)
      tpu.yield
    }) : () -> ()
    %add3A = arith.constant 1 : i32
    %add3A_12 = arith.addi %mul3A_0, %add3A : i32
    %dma_start3A = arith.constant 0 : i32
    %dma_start3A_13 = tpu.memref_slice %arg3[%add3A_12, %dma_start3A] : memref<2544x128xi32, #tpu.memory_space<hbm>> -> memref<1x128xi32, #tpu.memory_space<hbm>>
    %dma_start3A_14 = tpu.memref_squeeze %dma_start3A_13 : memref<1x128xi32, #tpu.memory_space<hbm>> -> memref<128xi32, #tpu.memory_space<hbm>>
    %dma_start3A_15 = arith.constant 0 : i32
    %dma_start3A_16 = tpu.memref_slice %arg3[%add3A_12, %dma_start3A_15] : memref<2544x128xi32, #tpu.memory_space<hbm>> -> memref<1x128xi32, #tpu.memory_space<hbm>>
    %dma_start3A_17 = tpu.memref_squeeze %dma_start3A_16 : memref<1x128xi32, #tpu.memory_space<hbm>> -> memref<128xi32, #tpu.memory_space<hbm>>
    tpu.enqueue_dma source(%dma_start3A_17 : memref<128xi32, #tpu.memory_space<hbm>>) target(%arg10 : memref<128xi32, #tpu.memory_space<vmem>>) target_semaphore(%arg26 : memref<!tpu.dma_semaphore, #tpu.memory_space<semaphore_mem>>)
    %add3A_18 = arith.constant 1 : i32
    %add3A_19 = arith.addi %mul3A_0, %add3A_18 : i32
    %dma_start3A_20 = arith.constant 0 : i32
    %dma_start3A_21 = tpu.memref_slice %arg4[%add3A_19, %dma_start3A_20] : memref<2544x128xi32, #tpu.memory_space<hbm>> -> memref<1x128xi32, #tpu.memory_space<hbm>>
    %dma_start3A_22 = tpu.memref_squeeze %dma_start3A_21 : memref<1x128xi32, #tpu.memory_space<hbm>> -> memref<128xi32, #tpu.memory_space<hbm>>
    %dma_start3A_23 = arith.constant 0 : i32
    %dma_start3A_24 = tpu.memref_slice %arg4[%add3A_19, %dma_start3A_23] : memref<2544x128xi32, #tpu.memory_space<hbm>> -> memref<1x128xi32, #tpu.memory_space<hbm>>
    %dma_start3A_25 = tpu.memref_squeeze %dma_start3A_24 : memref<1x128xi32, #tpu.memory_space<hbm>> -> memref<128xi32, #tpu.memory_space<hbm>>
    tpu.enqueue_dma source(%dma_start3A_25 : memref<128xi32, #tpu.memory_space<hbm>>) target(%arg13 : memref<128xi32, #tpu.memory_space<vmem>>) target_semaphore(%arg26 : memref<!tpu.dma_semaphore, #tpu.memory_space<semaphore_mem>>)
    %dma_start3A_26 = arith.constant 0 : i32
    %dma_start3A_27 = arith.constant 0 : i32
    %dma_start3A_28 = tpu.memref_slice %arg21[%dma_start3A_26, %dma_start3A_27] : memref<10240x64xf32, #tpu.memory_space<vmem_shared>> -> memref<10240x64xf32, #tpu.memory_space<vmem_shared>>
    tpu.enqueue_indirect_dma source(%dma_start3A_28 : memref<10240x64xf32, #tpu.memory_space<vmem_shared>>) target(%arg15 : memref<128x64xf32, #tpu.memory_space<vmem>>) offsets(%arg9 : memref<128xi32, #tpu.memory_space<vmem>>) semaphore(%arg28 : memref<!tpu.dma_semaphore, #tpu.memory_space<semaphore_mem>>)
    %scan3A = arith.constant 0 : i32
    %scan3A_29 = arith.constant 0 : i32
    %scan3A_30 = arith.constant 53 : i32
    %scan3A_31 = arith.addi %scan3A_29, %scan3A_30 : i32
    %scan3A_32 = arith.constant 1 : i32
    scf.for %scan3A_88 = %scan3A_29 to %scan3A_31 step %scan3A_32  : i32 {
      %mul3A_89 = arith.constant 3 : i32
      %mul3A_90 = arith.muli %scan3A_88, %mul3A_89 : i32
      %add3A_91 = arith.constant 0 : i32
      %add3A_92 = arith.addi %mul3A_90, %add3A_91 : i32
      %ge3A = arith.constant 1 : i32
      %ge3A_93 = arith.cmpi sge, %add3A_92, %ge3A : i32
      %convert_element_type3A_94 = arith.extui %ge3A_93 : i1 to i32
      %cond3A_95 = arith.constant 0 : i32
      %cond3A_96 = arith.cmpi ne, %convert_element_type3A_94, %cond3A_95 : i32
      scf.if %cond3A_96 {
        %dma_wait3A_363 = arith.constant 0 : i32
        %dma_wait3A_364 = arith.constant 0 : i32
        %dma_wait3A_365 = tpu.memref_slice %arg22[%dma_wait3A_363, %dma_wait3A_364] : memref<10240x64xf32, #tpu.memory_space<vmem_shared>> -> memref<10240x64xf32, #tpu.memory_space<vmem_shared>>
        tpu.wait_indirect_dma semaphore(%arg33 : memref<!tpu.dma_semaphore, #tpu.memory_space<semaphore_mem>>) src(%arg17 : memref<128x64xf32, #tpu.memory_space<vmem>>) dst(%dma_wait3A_365 : memref<10240x64xf32, #tpu.memory_space<vmem_shared>>)
      } else {
      }
      %add3A_97 = arith.constant 2 : i32
      %add3A_98 = arith.addi %add3A_92, %add3A_97 : i32
      %lt3A = arith.constant 159 : i32
      %lt3A_99 = arith.cmpi slt, %add3A_98, %lt3A : i32
      %convert_element_type3A_100 = arith.extui %lt3A_99 : i1 to i32
      %cond3A_101 = arith.constant 0 : i32
      %cond3A_102 = arith.cmpi ne, %convert_element_type3A_100, %cond3A_101 : i32
      scf.if %cond3A_102 {
        %add3A_363 = arith.addi %mul3A_0, %add3A_92 : i32
        %add3A_364 = arith.constant 2 : i32
        %add3A_365 = arith.addi %add3A_363, %add3A_364 : i32
        %dma_start3A_366 = arith.constant 0 : i32
        %dma_start3A_367 = tpu.memref_slice %arg3[%add3A_365, %dma_start3A_366] : memref<2544x128xi32, #tpu.memory_space<hbm>> -> memref<1x128xi32, #tpu.memory_space<hbm>>
        %dma_start3A_368 = tpu.memref_squeeze %dma_start3A_367 : memref<1x128xi32, #tpu.memory_space<hbm>> -> memref<128xi32, #tpu.memory_space<hbm>>
        %dma_start3A_369 = arith.constant 0 : i32
        %dma_start3A_370 = tpu.memref_slice %arg3[%add3A_365, %dma_start3A_369] : memref<2544x128xi32, #tpu.memory_space<hbm>> -> memref<1x128xi32, #tpu.memory_space<hbm>>
        %dma_start3A_371 = tpu.memref_squeeze %dma_start3A_370 : memref<1x128xi32, #tpu.memory_space<hbm>> -> memref<128xi32, #tpu.memory_space<hbm>>
        tpu.enqueue_dma source(%dma_start3A_371 : memref<128xi32, #tpu.memory_space<hbm>>) target(%arg11 : memref<128xi32, #tpu.memory_space<vmem>>) target_semaphore(%arg27 : memref<!tpu.dma_semaphore, #tpu.memory_space<semaphore_mem>>)
        %add3A_372 = arith.addi %mul3A_0, %add3A_92 : i32
        %add3A_373 = arith.constant 2 : i32
        %add3A_374 = arith.addi %add3A_372, %add3A_373 : i32
        %dma_start3A_375 = arith.constant 0 : i32
        %dma_start3A_376 = tpu.memref_slice %arg4[%add3A_374, %dma_start3A_375] : memref<2544x128xi32, #tpu.memory_space<hbm>> -> memref<1x128xi32, #tpu.memory_space<hbm>>
        %dma_start3A_377 = tpu.memref_squeeze %dma_start3A_376 : memref<1x128xi32, #tpu.memory_space<hbm>> -> memref<128xi32, #tpu.memory_space<hbm>>
        %dma_start3A_378 = arith.constant 0 : i32
        %dma_start3A_379 = tpu.memref_slice %arg4[%add3A_374, %dma_start3A_378] : memref<2544x128xi32, #tpu.memory_space<hbm>> -> memref<1x128xi32, #tpu.memory_space<hbm>>
        %dma_start3A_380 = tpu.memref_squeeze %dma_start3A_379 : memref<1x128xi32, #tpu.memory_space<hbm>> -> memref<128xi32, #tpu.memory_space<hbm>>
        tpu.enqueue_dma source(%dma_start3A_380 : memref<128xi32, #tpu.memory_space<hbm>>) target(%arg14 : memref<128xi32, #tpu.memory_space<vmem>>) target_semaphore(%arg27 : memref<!tpu.dma_semaphore, #tpu.memory_space<semaphore_mem>>)
      } else {
      }
      %dma_wait3A_103 = arith.constant 0 : i32
      %dma_wait3A_104 = arith.constant 0 : i32
      %dma_wait3A_105 = tpu.memref_slice %arg21[%dma_wait3A_103, %dma_wait3A_104] : memref<10240x64xf32, #tpu.memory_space<vmem_shared>> -> memref<10240x64xf32, #tpu.memory_space<vmem_shared>>
      tpu.wait_indirect_dma semaphore(%arg28 : memref<!tpu.dma_semaphore, #tpu.memory_space<semaphore_mem>>) src(%dma_wait3A_105 : memref<10240x64xf32, #tpu.memory_space<vmem_shared>>) dst(%arg15 : memref<128x64xf32, #tpu.memory_space<vmem>>)
      %dma_start3A_106 = arith.constant 0 : i32
      %dma_start3A_107 = arith.constant 0 : i32
      %dma_start3A_108 = tpu.memref_slice %arg22[%dma_start3A_106, %dma_start3A_107] : memref<10240x64xf32, #tpu.memory_space<vmem_shared>> -> memref<10240x64xf32, #tpu.memory_space<vmem_shared>>
      tpu.enqueue_indirect_dma source(%arg15 : memref<128x64xf32, #tpu.memory_space<vmem>>) target(%dma_start3A_108 : memref<10240x64xf32, #tpu.memory_space<vmem_shared>>) offsets(%arg12 : memref<128xi32, #tpu.memory_space<vmem>>) semaphore(%arg31 : memref<!tpu.dma_semaphore, #tpu.memory_space<semaphore_mem>>) {add = true}
      %add3A_109 = arith.constant 1 : i32
      %add3A_110 = arith.addi %add3A_92, %add3A_109 : i32
      %lt3A_111 = arith.constant 159 : i32
      %lt3A_112 = arith.cmpi slt, %add3A_110, %lt3A_111 : i32
      %convert_element_type3A_113 = arith.extui %lt3A_112 : i1 to i32
      %cond3A_114 = arith.constant 0 : i32
      %cond3A_115 = arith.cmpi ne, %convert_element_type3A_113, %cond3A_114 : i32
      scf.if %cond3A_115 {
        %dma_wait3A_363 = arith.constant 0 : i32
        %dma_wait3A_364 = tpu.memref_slice %arg3[%mul3A_0, %dma_wait3A_363] : memref<2544x128xi32, #tpu.memory_space<hbm>> -> memref<1x128xi32, #tpu.memory_space<hbm>>
        %dma_wait3A_365 = tpu.memref_squeeze %dma_wait3A_364 : memref<1x128xi32, #tpu.memory_space<hbm>> -> memref<128xi32, #tpu.memory_space<hbm>>
        %dma_wait3A_366 = arith.constant 0 : i32
        %dma_wait3A_367 = tpu.memref_slice %arg3[%mul3A_0, %dma_wait3A_366] : memref<2544x128xi32, #tpu.memory_space<hbm>> -> memref<1x128xi32, #tpu.memory_space<hbm>>
        %dma_wait3A_368 = tpu.memref_squeeze %dma_wait3A_367 : memref<1x128xi32, #tpu.memory_space<hbm>> -> memref<128xi32, #tpu.memory_space<hbm>>
        tpu.wait_dma2 semaphore(%arg26 : memref<!tpu.dma_semaphore, #tpu.memory_space<semaphore_mem>>) src(%dma_wait3A_368 : memref<128xi32, #tpu.memory_space<hbm>>) dst(%arg10 : memref<128xi32, #tpu.memory_space<vmem>>)
        %dma_wait3A_369 = arith.constant 0 : i32
        %dma_wait3A_370 = tpu.memref_slice %arg4[%mul3A_0, %dma_wait3A_369] : memref<2544x128xi32, #tpu.memory_space<hbm>> -> memref<1x128xi32, #tpu.memory_space<hbm>>
        %dma_wait3A_371 = tpu.memref_squeeze %dma_wait3A_370 : memref<1x128xi32, #tpu.memory_space<hbm>> -> memref<128xi32, #tpu.memory_space<hbm>>
        %dma_wait3A_372 = arith.constant 0 : i32
        %dma_wait3A_373 = tpu.memref_slice %arg4[%mul3A_0, %dma_wait3A_372] : memref<2544x128xi32, #tpu.memory_space<hbm>> -> memref<1x128xi32, #tpu.memory_space<hbm>>
        %dma_wait3A_374 = tpu.memref_squeeze %dma_wait3A_373 : memref<1x128xi32, #tpu.memory_space<hbm>> -> memref<128xi32, #tpu.memory_space<hbm>>
        tpu.wait_dma2 semaphore(%arg26 : memref<!tpu.dma_semaphore, #tpu.memory_space<semaphore_mem>>) src(%dma_wait3A_374 : memref<128xi32, #tpu.memory_space<hbm>>) dst(%arg13 : memref<128xi32, #tpu.memory_space<vmem>>)
        %dma_start3A_375 = arith.constant 0 : i32
        %dma_start3A_376 = arith.constant 0 : i32
        %dma_start3A_377 = tpu.memref_slice %arg21[%dma_start3A_375, %dma_start3A_376] : memref<10240x64xf32, #tpu.memory_space<vmem_shared>> -> memref<10240x64xf32, #tpu.memory_space<vmem_shared>>
        tpu.enqueue_indirect_dma source(%dma_start3A_377 : memref<10240x64xf32, #tpu.memory_space<vmem_shared>>) target(%arg16 : memref<128x64xf32, #tpu.memory_space<vmem>>) offsets(%arg10 : memref<128xi32, #tpu.memory_space<vmem>>) semaphore(%arg29 : memref<!tpu.dma_semaphore, #tpu.memory_space<semaphore_mem>>)
      } else {
      }
      %get3A = arith.constant 0 : index
      %get3A_116 = tpu.vector_load %arg12[%get3A] {strides = array<i32>} : memref<128xi32, #tpu.memory_space<vmem>>, vector<16xi32>,
      %shift_right_logical3A = arith.constant 6 : i32
      %shift_right_logical3A_117 = vector.broadcast %shift_right_logical3A : i32 to vector<16xi32>
      %shift_right_logical3A_118 = arith.shrui %get3A_116, %shift_right_logical3A_117 : vector<16xi32>
      %and3A = arith.constant 63 : i32
      %and3A_119 = vector.broadcast %and3A : i32 to vector<16xi32>
      %and3A_120 = arith.andi %get3A_116, %and3A_119 : vector<16xi32>
      tpu.vector_store_idx %arg18[%shift_right_logical3A_118, %and3A_120], %broadcast_in_dim3A_11 {add = true} : memref<160x64xf32, #tpu.memory_space<vmem>>[vector<16xi32>, vector<16xi32>], vector<16xf32>,
      %get3A_121 = arith.constant 16 : index
      %get3A_122 = tpu.vector_load %arg12[%get3A_121] {strides = array<i32>} : memref<128xi32, #tpu.memory_space<vmem>>, vector<16xi32>,
      %shift_right_logical3A_123 = arith.constant 6 : i32
      %shift_right_logical3A_124 = vector.broadcast %shift_right_logical3A_123 : i32 to vector<16xi32>
      %shift_right_logical3A_125 = arith.shrui %get3A_122, %shift_right_logical3A_124 : vector<16xi32>
      %and3A_126 = arith.constant 63 : i32
      %and3A_127 = vector.broadcast %and3A_126 : i32 to vector<16xi32>
      %and3A_128 = arith.andi %get3A_122, %and3A_127 : vector<16xi32>
      tpu.vector_store_idx %arg18[%shift_right_logical3A_125, %and3A_128], %broadcast_in_dim3A_11 {add = true} : memref<160x64xf32, #tpu.memory_space<vmem>>[vector<16xi32>, vector<16xi32>], vector<16xf32>,
      %get3A_129 = arith.constant 32 : index
      %get3A_130 = tpu.vector_load %arg12[%get3A_129] {strides = array<i32>} : memref<128xi32, #tpu.memory_space<vmem>>, vector<16xi32>,
      %shift_right_logical3A_131 = arith.constant 6 : i32
      %shift_right_logical3A_132 = vector.broadcast %shift_right_logical3A_131 : i32 to vector<16xi32>
      %shift_right_logical3A_133 = arith.shrui %get3A_130, %shift_right_logical3A_132 : vector<16xi32>
      %and3A_134 = arith.constant 63 : i32
      %and3A_135 = vector.broadcast %and3A_134 : i32 to vector<16xi32>
      %and3A_136 = arith.andi %get3A_130, %and3A_135 : vector<16xi32>
      tpu.vector_store_idx %arg18[%shift_right_logical3A_133, %and3A_136], %broadcast_in_dim3A_11 {add = true} : memref<160x64xf32, #tpu.memory_space<vmem>>[vector<16xi32>, vector<16xi32>], vector<16xf32>,
      %get3A_137 = arith.constant 48 : index
      %get3A_138 = tpu.vector_load %arg12[%get3A_137] {strides = array<i32>} : memref<128xi32, #tpu.memory_space<vmem>>, vector<16xi32>,
      %shift_right_logical3A_139 = arith.constant 6 : i32
      %shift_right_logical3A_140 = vector.broadcast %shift_right_logical3A_139 : i32 to vector<16xi32>
      %shift_right_logical3A_141 = arith.shrui %get3A_138, %shift_right_logical3A_140 : vector<16xi32>
      %and3A_142 = arith.constant 63 : i32
      %and3A_143 = vector.broadcast %and3A_142 : i32 to vector<16xi32>
      %and3A_144 = arith.andi %get3A_138, %and3A_143 : vector<16xi32>
      tpu.vector_store_idx %arg18[%shift_right_logical3A_141, %and3A_144], %broadcast_in_dim3A_11 {add = true} : memref<160x64xf32, #tpu.memory_space<vmem>>[vector<16xi32>, vector<16xi32>], vector<16xf32>,
      %get3A_145 = arith.constant 64 : index
      %get3A_146 = tpu.vector_load %arg12[%get3A_145] {strides = array<i32>} : memref<128xi32, #tpu.memory_space<vmem>>, vector<16xi32>,
      %shift_right_logical3A_147 = arith.constant 6 : i32
      %shift_right_logical3A_148 = vector.broadcast %shift_right_logical3A_147 : i32 to vector<16xi32>
      %shift_right_logical3A_149 = arith.shrui %get3A_146, %shift_right_logical3A_148 : vector<16xi32>
      %and3A_150 = arith.constant 63 : i32
      %and3A_151 = vector.broadcast %and3A_150 : i32 to vector<16xi32>
      %and3A_152 = arith.andi %get3A_146, %and3A_151 : vector<16xi32>
      tpu.vector_store_idx %arg18[%shift_right_logical3A_149, %and3A_152], %broadcast_in_dim3A_11 {add = true} : memref<160x64xf32, #tpu.memory_space<vmem>>[vector<16xi32>, vector<16xi32>], vector<16xf32>,
      %get3A_153 = arith.constant 80 : index
      %get3A_154 = tpu.vector_load %arg12[%get3A_153] {strides = array<i32>} : memref<128xi32, #tpu.memory_space<vmem>>, vector<16xi32>,
      %shift_right_logical3A_155 = arith.constant 6 : i32
      %shift_right_logical3A_156 = vector.broadcast %shift_right_logical3A_155 : i32 to vector<16xi32>
      %shift_right_logical3A_157 = arith.shrui %get3A_154, %shift_right_logical3A_156 : vector<16xi32>
      %and3A_158 = arith.constant 63 : i32
      %and3A_159 = vector.broadcast %and3A_158 : i32 to vector<16xi32>
      %and3A_160 = arith.andi %get3A_154, %and3A_159 : vector<16xi32>
      tpu.vector_store_idx %arg18[%shift_right_logical3A_157, %and3A_160], %broadcast_in_dim3A_11 {add = true} : memref<160x64xf32, #tpu.memory_space<vmem>>[vector<16xi32>, vector<16xi32>], vector<16xf32>,
      %get3A_161 = arith.constant 96 : index
      %get3A_162 = tpu.vector_load %arg12[%get3A_161] {strides = array<i32>} : memref<128xi32, #tpu.memory_space<vmem>>, vector<16xi32>,
      %shift_right_logical3A_163 = arith.constant 6 : i32
      %shift_right_logical3A_164 = vector.broadcast %shift_right_logical3A_163 : i32 to vector<16xi32>
      %shift_right_logical3A_165 = arith.shrui %get3A_162, %shift_right_logical3A_164 : vector<16xi32>
      %and3A_166 = arith.constant 63 : i32
      %and3A_167 = vector.broadcast %and3A_166 : i32 to vector<16xi32>
      %and3A_168 = arith.andi %get3A_162, %and3A_167 : vector<16xi32>
      tpu.vector_store_idx %arg18[%shift_right_logical3A_165, %and3A_168], %broadcast_in_dim3A_11 {add = true} : memref<160x64xf32, #tpu.memory_space<vmem>>[vector<16xi32>, vector<16xi32>], vector<16xf32>,
      %get3A_169 = arith.constant 112 : index
      %get3A_170 = tpu.vector_load %arg12[%get3A_169] {strides = array<i32>} : memref<128xi32, #tpu.memory_space<vmem>>, vector<16xi32>,
      %shift_right_logical3A_171 = arith.constant 6 : i32
      %shift_right_logical3A_172 = vector.broadcast %shift_right_logical3A_171 : i32 to vector<16xi32>
      %shift_right_logical3A_173 = arith.shrui %get3A_170, %shift_right_logical3A_172 : vector<16xi32>
      %and3A_174 = arith.constant 63 : i32
      %and3A_175 = vector.broadcast %and3A_174 : i32 to vector<16xi32>
      %and3A_176 = arith.andi %get3A_170, %and3A_175 : vector<16xi32>
      tpu.vector_store_idx %arg18[%shift_right_logical3A_173, %and3A_176], %broadcast_in_dim3A_11 {add = true} : memref<160x64xf32, #tpu.memory_space<vmem>>[vector<16xi32>, vector<16xi32>], vector<16xf32>,
      %mul3A_177 = arith.constant 3 : i32
      %mul3A_178 = arith.muli %scan3A_88, %mul3A_177 : i32
      %add3A_179 = arith.constant 1 : i32
      %add3A_180 = arith.addi %mul3A_178, %add3A_179 : i32
      %ge3A_181 = arith.constant 1 : i32
      %ge3A_182 = arith.cmpi sge, %add3A_180, %ge3A_181 : i32
      %convert_element_type3A_183 = arith.extui %ge3A_182 : i1 to i32
      %cond3A_184 = arith.constant 0 : i32
      %cond3A_185 = arith.cmpi ne, %convert_element_type3A_183, %cond3A_184 : i32
      scf.if %cond3A_185 {
        %dma_wait3A_363 = arith.constant 0 : i32
        %dma_wait3A_364 = arith.constant 0 : i32
        %dma_wait3A_365 = tpu.memref_slice %arg22[%dma_wait3A_363, %dma_wait3A_364] : memref<10240x64xf32, #tpu.memory_space<vmem_shared>> -> memref<10240x64xf32, #tpu.memory_space<vmem_shared>>
        tpu.wait_indirect_dma semaphore(%arg31 : memref<!tpu.dma_semaphore, #tpu.memory_space<semaphore_mem>>) src(%arg15 : memref<128x64xf32, #tpu.memory_space<vmem>>) dst(%dma_wait3A_365 : memref<10240x64xf32, #tpu.memory_space<vmem_shared>>)
      } else {
      }
      %add3A_186 = arith.constant 2 : i32
      %add3A_187 = arith.addi %add3A_180, %add3A_186 : i32
      %lt3A_188 = arith.constant 159 : i32
      %lt3A_189 = arith.cmpi slt, %add3A_187, %lt3A_188 : i32
      %convert_element_type3A_190 = arith.extui %lt3A_189 : i1 to i32
      %cond3A_191 = arith.constant 0 : i32
      %cond3A_192 = arith.cmpi ne, %convert_element_type3A_190, %cond3A_191 : i32
      scf.if %cond3A_192 {
        %add3A_363 = arith.addi %mul3A_0, %add3A_180 : i32
        %add3A_364 = arith.constant 2 : i32
        %add3A_365 = arith.addi %add3A_363, %add3A_364 : i32
        %dma_start3A_366 = arith.constant 0 : i32
        %dma_start3A_367 = tpu.memref_slice %arg3[%add3A_365, %dma_start3A_366] : memref<2544x128xi32, #tpu.memory_space<hbm>> -> memref<1x128xi32, #tpu.memory_space<hbm>>
        %dma_start3A_368 = tpu.memref_squeeze %dma_start3A_367 : memref<1x128xi32, #tpu.memory_space<hbm>> -> memref<128xi32, #tpu.memory_space<hbm>>
        %dma_start3A_369 = arith.constant 0 : i32
        %dma_start3A_370 = tpu.memref_slice %arg3[%add3A_365, %dma_start3A_369] : memref<2544x128xi32, #tpu.memory_space<hbm>> -> memref<1x128xi32, #tpu.memory_space<hbm>>
        %dma_start3A_371 = tpu.memref_squeeze %dma_start3A_370 : memref<1x128xi32, #tpu.memory_space<hbm>> -> memref<128xi32, #tpu.memory_space<hbm>>
        tpu.enqueue_dma source(%dma_start3A_371 : memref<128xi32, #tpu.memory_space<hbm>>) target(%arg9 : memref<128xi32, #tpu.memory_space<vmem>>) target_semaphore(%arg25 : memref<!tpu.dma_semaphore, #tpu.memory_space<semaphore_mem>>)
        %add3A_372 = arith.addi %mul3A_0, %add3A_180 : i32
        %add3A_373 = arith.constant 2 : i32
        %add3A_374 = arith.addi %add3A_372, %add3A_373 : i32
        %dma_start3A_375 = arith.constant 0 : i32
        %dma_start3A_376 = tpu.memref_slice %arg4[%add3A_374, %dma_start3A_375] : memref<2544x128xi32, #tpu.memory_space<hbm>> -> memref<1x128xi32, #tpu.memory_space<hbm>>
        %dma_start3A_377 = tpu.memref_squeeze %dma_start3A_376 : memref<1x128xi32, #tpu.memory_space<hbm>> -> memref<128xi32, #tpu.memory_space<hbm>>
        %dma_start3A_378 = arith.constant 0 : i32
        %dma_start3A_379 = tpu.memref_slice %arg4[%add3A_374, %dma_start3A_378] : memref<2544x128xi32, #tpu.memory_space<hbm>> -> memref<1x128xi32, #tpu.memory_space<hbm>>
        %dma_start3A_380 = tpu.memref_squeeze %dma_start3A_379 : memref<1x128xi32, #tpu.memory_space<hbm>> -> memref<128xi32, #tpu.memory_space<hbm>>
        tpu.enqueue_dma source(%dma_start3A_380 : memref<128xi32, #tpu.memory_space<hbm>>) target(%arg12 : memref<128xi32, #tpu.memory_space<vmem>>) target_semaphore(%arg25 : memref<!tpu.dma_semaphore, #tpu.memory_space<semaphore_mem>>)
      } else {
      }
      %dma_wait3A_193 = arith.constant 0 : i32
      %dma_wait3A_194 = arith.constant 0 : i32
      %dma_wait3A_195 = tpu.memref_slice %arg21[%dma_wait3A_193, %dma_wait3A_194] : memref<10240x64xf32, #tpu.memory_space<vmem_shared>> -> memref<10240x64xf32, #tpu.memory_space<vmem_shared>>
      tpu.wait_indirect_dma semaphore(%arg29 : memref<!tpu.dma_semaphore, #tpu.memory_space<semaphore_mem>>) src(%dma_wait3A_195 : memref<10240x64xf32, #tpu.memory_space<vmem_shared>>) dst(%arg16 : memref<128x64xf32, #tpu.memory_space<vmem>>)
      %dma_start3A_196 = arith.constant 0 : i32
      %dma_start3A_197 = arith.constant 0 : i32
      %dma_start3A_198 = tpu.memref_slice %arg22[%dma_start3A_196, %dma_start3A_197] : memref<10240x64xf32, #tpu.memory_space<vmem_shared>> -> memref<10240x64xf32, #tpu.memory_space<vmem_shared>>
      tpu.enqueue_indirect_dma source(%arg16 : memref<128x64xf32, #tpu.memory_space<vmem>>) target(%dma_start3A_198 : memref<10240x64xf32, #tpu.memory_space<vmem_shared>>) offsets(%arg13 : memref<128xi32, #tpu.memory_space<vmem>>) semaphore(%arg32 : memref<!tpu.dma_semaphore, #tpu.memory_space<semaphore_mem>>) {add = true}
      %add3A_199 = arith.constant 1 : i32
      %add3A_200 = arith.addi %add3A_180, %add3A_199 : i32
      %lt3A_201 = arith.constant 159 : i32
      %lt3A_202 = arith.cmpi slt, %add3A_200, %lt3A_201 : i32
      %convert_element_type3A_203 = arith.extui %lt3A_202 : i1 to i32
      %cond3A_204 = arith.constant 0 : i32
      %cond3A_205 = arith.cmpi ne, %convert_element_type3A_203, %cond3A_204 : i32
      scf.if %cond3A_205 {
        %dma_wait3A_363 = arith.constant 0 : i32
        %dma_wait3A_364 = tpu.memref_slice %arg3[%mul3A_0, %dma_wait3A_363] : memref<2544x128xi32, #tpu.memory_space<hbm>> -> memref<1x128xi32, #tpu.memory_space<hbm>>
        %dma_wait3A_365 = tpu.memref_squeeze %dma_wait3A_364 : memref<1x128xi32, #tpu.memory_space<hbm>> -> memref<128xi32, #tpu.memory_space<hbm>>
        %dma_wait3A_366 = arith.constant 0 : i32
        %dma_wait3A_367 = tpu.memref_slice %arg3[%mul3A_0, %dma_wait3A_366] : memref<2544x128xi32, #tpu.memory_space<hbm>> -> memref<1x128xi32, #tpu.memory_space<hbm>>
        %dma_wait3A_368 = tpu.memref_squeeze %dma_wait3A_367 : memref<1x128xi32, #tpu.memory_space<hbm>> -> memref<128xi32, #tpu.memory_space<hbm>>
        tpu.wait_dma2 semaphore(%arg27 : memref<!tpu.dma_semaphore, #tpu.memory_space<semaphore_mem>>) src(%dma_wait3A_368 : memref<128xi32, #tpu.memory_space<hbm>>) dst(%arg11 : memref<128xi32, #tpu.memory_space<vmem>>)
        %dma_wait3A_369 = arith.constant 0 : i32
        %dma_wait3A_370 = tpu.memref_slice %arg4[%mul3A_0, %dma_wait3A_369] : memref<2544x128xi32, #tpu.memory_space<hbm>> -> memref<1x128xi32, #tpu.memory_space<hbm>>
        %dma_wait3A_371 = tpu.memref_squeeze %dma_wait3A_370 : memref<1x128xi32, #tpu.memory_space<hbm>> -> memref<128xi32, #tpu.memory_space<hbm>>
        %dma_wait3A_372 = arith.constant 0 : i32
        %dma_wait3A_373 = tpu.memref_slice %arg4[%mul3A_0, %dma_wait3A_372] : memref<2544x128xi32, #tpu.memory_space<hbm>> -> memref<1x128xi32, #tpu.memory_space<hbm>>
        %dma_wait3A_374 = tpu.memref_squeeze %dma_wait3A_373 : memref<1x128xi32, #tpu.memory_space<hbm>> -> memref<128xi32, #tpu.memory_space<hbm>>
        tpu.wait_dma2 semaphore(%arg27 : memref<!tpu.dma_semaphore, #tpu.memory_space<semaphore_mem>>) src(%dma_wait3A_374 : memref<128xi32, #tpu.memory_space<hbm>>) dst(%arg14 : memref<128xi32, #tpu.memory_space<vmem>>)
        %dma_start3A_375 = arith.constant 0 : i32
        %dma_start3A_376 = arith.constant 0 : i32
        %dma_start3A_377 = tpu.memref_slice %arg21[%dma_start3A_375, %dma_start3A_376] : memref<10240x64xf32, #tpu.memory_space<vmem_shared>> -> memref<10240x64xf32, #tpu.memory_space<vmem_shared>>
        tpu.enqueue_indirect_dma source(%dma_start3A_377 : memref<10240x64xf32, #tpu.memory_space<vmem_shared>>) target(%arg17 : memref<128x64xf32, #tpu.memory_space<vmem>>) offsets(%arg11 : memref<128xi32, #tpu.memory_space<vmem>>) semaphore(%arg30 : memref<!tpu.dma_semaphore, #tpu.memory_space<semaphore_mem>>)
      } else {
      }
      %get3A_206 = arith.constant 0 : index
      %get3A_207 = tpu.vector_load %arg13[%get3A_206] {strides = array<i32>} : memref<128xi32, #tpu.memory_space<vmem>>, vector<16xi32>,
      %shift_right_logical3A_208 = arith.constant 6 : i32
      %shift_right_logical3A_209 = vector.broadcast %shift_right_logical3A_208 : i32 to vector<16xi32>
      %shift_right_logical3A_210 = arith.shrui %get3A_207, %shift_right_logical3A_209 : vector<16xi32>
      %and3A_211 = arith.constant 63 : i32
      %and3A_212 = vector.broadcast %and3A_211 : i32 to vector<16xi32>
      %and3A_213 = arith.andi %get3A_207, %and3A_212 : vector<16xi32>
      tpu.vector_store_idx %arg18[%shift_right_logical3A_210, %and3A_213], %broadcast_in_dim3A_11 {add = true} : memref<160x64xf32, #tpu.memory_space<vmem>>[vector<16xi32>, vector<16xi32>], vector<16xf32>,
      %get3A_214 = arith.constant 16 : index
      %get3A_215 = tpu.vector_load %arg13[%get3A_214] {strides = array<i32>} : memref<128xi32, #tpu.memory_space<vmem>>, vector<16xi32>,
      %shift_right_logical3A_216 = arith.constant 6 : i32
      %shift_right_logical3A_217 = vector.broadcast %shift_right_logical3A_216 : i32 to vector<16xi32>
      %shift_right_logical3A_218 = arith.shrui %get3A_215, %shift_right_logical3A_217 : vector<16xi32>
      %and3A_219 = arith.constant 63 : i32
      %and3A_220 = vector.broadcast %and3A_219 : i32 to vector<16xi32>
      %and3A_221 = arith.andi %get3A_215, %and3A_220 : vector<16xi32>
      tpu.vector_store_idx %arg18[%shift_right_logical3A_218, %and3A_221], %broadcast_in_dim3A_11 {add = true} : memref<160x64xf32, #tpu.memory_space<vmem>>[vector<16xi32>, vector<16xi32>], vector<16xf32>,
      %get3A_222 = arith.constant 32 : index
      %get3A_223 = tpu.vector_load %arg13[%get3A_222] {strides = array<i32>} : memref<128xi32, #tpu.memory_space<vmem>>, vector<16xi32>,
      %shift_right_logical3A_224 = arith.constant 6 : i32
      %shift_right_logical3A_225 = vector.broadcast %shift_right_logical3A_224 : i32 to vector<16xi32>
      %shift_right_logical3A_226 = arith.shrui %get3A_223, %shift_right_logical3A_225 : vector<16xi32>
      %and3A_227 = arith.constant 63 : i32
      %and3A_228 = vector.broadcast %and3A_227 : i32 to vector<16xi32>
      %and3A_229 = arith.andi %get3A_223, %and3A_228 : vector<16xi32>
      tpu.vector_store_idx %arg18[%shift_right_logical3A_226, %and3A_229], %broadcast_in_dim3A_11 {add = true} : memref<160x64xf32, #tpu.memory_space<vmem>>[vector<16xi32>, vector<16xi32>], vector<16xf32>,
      %get3A_230 = arith.constant 48 : index
      %get3A_231 = tpu.vector_load %arg13[%get3A_230] {strides = array<i32>} : memref<128xi32, #tpu.memory_space<vmem>>, vector<16xi32>,
      %shift_right_logical3A_232 = arith.constant 6 : i32
      %shift_right_logical3A_233 = vector.broadcast %shift_right_logical3A_232 : i32 to vector<16xi32>
      %shift_right_logical3A_234 = arith.shrui %get3A_231, %shift_right_logical3A_233 : vector<16xi32>
      %and3A_235 = arith.constant 63 : i32
      %and3A_236 = vector.broadcast %and3A_235 : i32 to vector<16xi32>
      %and3A_237 = arith.andi %get3A_231, %and3A_236 : vector<16xi32>
      tpu.vector_store_idx %arg18[%shift_right_logical3A_234, %and3A_237], %broadcast_in_dim3A_11 {add = true} : memref<160x64xf32, #tpu.memory_space<vmem>>[vector<16xi32>, vector<16xi32>], vector<16xf32>,
      %get3A_238 = arith.constant 64 : index
      %get3A_239 = tpu.vector_load %arg13[%get3A_238] {strides = array<i32>} : memref<128xi32, #tpu.memory_space<vmem>>, vector<16xi32>,
      %shift_right_logical3A_240 = arith.constant 6 : i32
      %shift_right_logical3A_241 = vector.broadcast %shift_right_logical3A_240 : i32 to vector<16xi32>
      %shift_right_logical3A_242 = arith.shrui %get3A_239, %shift_right_logical3A_241 : vector<16xi32>
      %and3A_243 = arith.constant 63 : i32
      %and3A_244 = vector.broadcast %and3A_243 : i32 to vector<16xi32>
      %and3A_245 = arith.andi %get3A_239, %and3A_244 : vector<16xi32>
      tpu.vector_store_idx %arg18[%shift_right_logical3A_242, %and3A_245], %broadcast_in_dim3A_11 {add = true} : memref<160x64xf32, #tpu.memory_space<vmem>>[vector<16xi32>, vector<16xi32>], vector<16xf32>,
      %get3A_246 = arith.constant 80 : index
      %get3A_247 = tpu.vector_load %arg13[%get3A_246] {strides = array<i32>} : memref<128xi32, #tpu.memory_space<vmem>>, vector<16xi32>,
      %shift_right_logical3A_248 = arith.constant 6 : i32
      %shift_right_logical3A_249 = vector.broadcast %shift_right_logical3A_248 : i32 to vector<16xi32>
      %shift_right_logical3A_250 = arith.shrui %get3A_247, %shift_right_logical3A_249 : vector<16xi32>
      %and3A_251 = arith.constant 63 : i32
      %and3A_252 = vector.broadcast %and3A_251 : i32 to vector<16xi32>
      %and3A_253 = arith.andi %get3A_247, %and3A_252 : vector<16xi32>
      tpu.vector_store_idx %arg18[%shift_right_logical3A_250, %and3A_253], %broadcast_in_dim3A_11 {add = true} : memref<160x64xf32, #tpu.memory_space<vmem>>[vector<16xi32>, vector<16xi32>], vector<16xf32>,
      %get3A_254 = arith.constant 96 : index
      %get3A_255 = tpu.vector_load %arg13[%get3A_254] {strides = array<i32>} : memref<128xi32, #tpu.memory_space<vmem>>, vector<16xi32>,
      %shift_right_logical3A_256 = arith.constant 6 : i32
      %shift_right_logical3A_257 = vector.broadcast %shift_right_logical3A_256 : i32 to vector<16xi32>
      %shift_right_logical3A_258 = arith.shrui %get3A_255, %shift_right_logical3A_257 : vector<16xi32>
      %and3A_259 = arith.constant 63 : i32
      %and3A_260 = vector.broadcast %and3A_259 : i32 to vector<16xi32>
      %and3A_261 = arith.andi %get3A_255, %and3A_260 : vector<16xi32>
      tpu.vector_store_idx %arg18[%shift_right_logical3A_258, %and3A_261], %broadcast_in_dim3A_11 {add = true} : memref<160x64xf32, #tpu.memory_space<vmem>>[vector<16xi32>, vector<16xi32>], vector<16xf32>,
      %get3A_262 = arith.constant 112 : index
      %get3A_263 = tpu.vector_load %arg13[%get3A_262] {strides = array<i32>} : memref<128xi32, #tpu.memory_space<vmem>>, vector<16xi32>,
      %shift_right_logical3A_264 = arith.constant 6 : i32
      %shift_right_logical3A_265 = vector.broadcast %shift_right_logical3A_264 : i32 to vector<16xi32>
      %shift_right_logical3A_266 = arith.shrui %get3A_263, %shift_right_logical3A_265 : vector<16xi32>
      %and3A_267 = arith.constant 63 : i32
      %and3A_268 = vector.broadcast %and3A_267 : i32 to vector<16xi32>
      %and3A_269 = arith.andi %get3A_263, %and3A_268 : vector<16xi32>
      tpu.vector_store_idx %arg18[%shift_right_logical3A_266, %and3A_269], %broadcast_in_dim3A_11 {add = true} : memref<160x64xf32, #tpu.memory_space<vmem>>[vector<16xi32>, vector<16xi32>], vector<16xf32>,
      %mul3A_270 = arith.constant 3 : i32
      %mul3A_271 = arith.muli %scan3A_88, %mul3A_270 : i32
      %add3A_272 = arith.constant 2 : i32
      %add3A_273 = arith.addi %mul3A_271, %add3A_272 : i32
      %ge3A_274 = arith.constant 1 : i32
      %ge3A_275 = arith.cmpi sge, %add3A_273, %ge3A_274 : i32
      %convert_element_type3A_276 = arith.extui %ge3A_275 : i1 to i32
      %cond3A_277 = arith.constant 0 : i32
      %cond3A_278 = arith.cmpi ne, %convert_element_type3A_276, %cond3A_277 : i32
      scf.if %cond3A_278 {
        %dma_wait3A_363 = arith.constant 0 : i32
        %dma_wait3A_364 = arith.constant 0 : i32
        %dma_wait3A_365 = tpu.memref_slice %arg22[%dma_wait3A_363, %dma_wait3A_364] : memref<10240x64xf32, #tpu.memory_space<vmem_shared>> -> memref<10240x64xf32, #tpu.memory_space<vmem_shared>>
        tpu.wait_indirect_dma semaphore(%arg32 : memref<!tpu.dma_semaphore, #tpu.memory_space<semaphore_mem>>) src(%arg16 : memref<128x64xf32, #tpu.memory_space<vmem>>) dst(%dma_wait3A_365 : memref<10240x64xf32, #tpu.memory_space<vmem_shared>>)
      } else {
      }
      %add3A_279 = arith.constant 2 : i32
      %add3A_280 = arith.addi %add3A_273, %add3A_279 : i32
      %lt3A_281 = arith.constant 159 : i32
      %lt3A_282 = arith.cmpi slt, %add3A_280, %lt3A_281 : i32
      %convert_element_type3A_283 = arith.extui %lt3A_282 : i1 to i32
      %cond3A_284 = arith.constant 0 : i32
      %cond3A_285 = arith.cmpi ne, %convert_element_type3A_283, %cond3A_284 : i32
      scf.if %cond3A_285 {
        %add3A_363 = arith.addi %mul3A_0, %add3A_273 : i32
        %add3A_364 = arith.constant 2 : i32
        %add3A_365 = arith.addi %add3A_363, %add3A_364 : i32
        %dma_start3A_366 = arith.constant 0 : i32
        %dma_start3A_367 = tpu.memref_slice %arg3[%add3A_365, %dma_start3A_366] : memref<2544x128xi32, #tpu.memory_space<hbm>> -> memref<1x128xi32, #tpu.memory_space<hbm>>
        %dma_start3A_368 = tpu.memref_squeeze %dma_start3A_367 : memref<1x128xi32, #tpu.memory_space<hbm>> -> memref<128xi32, #tpu.memory_space<hbm>>
        %dma_start3A_369 = arith.constant 0 : i32
        %dma_start3A_370 = tpu.memref_slice %arg3[%add3A_365, %dma_start3A_369] : memref<2544x128xi32, #tpu.memory_space<hbm>> -> memref<1x128xi32, #tpu.memory_space<hbm>>
        %dma_start3A_371 = tpu.memref_squeeze %dma_start3A_370 : memref<1x128xi32, #tpu.memory_space<hbm>> -> memref<128xi32, #tpu.memory_space<hbm>>
        tpu.enqueue_dma source(%dma_start3A_371 : memref<128xi32, #tpu.memory_space<hbm>>) target(%arg10 : memref<128xi32, #tpu.memory_space<vmem>>) target_semaphore(%arg26 : memref<!tpu.dma_semaphore, #tpu.memory_space<semaphore_mem>>)
        %add3A_372 = arith.addi %mul3A_0, %add3A_273 : i32
        %add3A_373 = arith.constant 2 : i32
        %add3A_374 = arith.addi %add3A_372, %add3A_373 : i32
        %dma_start3A_375 = arith.constant 0 : i32
        %dma_start3A_376 = tpu.memref_slice %arg4[%add3A_374, %dma_start3A_375] : memref<2544x128xi32, #tpu.memory_space<hbm>> -> memref<1x128xi32, #tpu.memory_space<hbm>>
        %dma_start3A_377 = tpu.memref_squeeze %dma_start3A_376 : memref<1x128xi32, #tpu.memory_space<hbm>> -> memref<128xi32, #tpu.memory_space<hbm>>
        %dma_start3A_378 = arith.constant 0 : i32
        %dma_start3A_379 = tpu.memref_slice %arg4[%add3A_374, %dma_start3A_378] : memref<2544x128xi32, #tpu.memory_space<hbm>> -> memref<1x128xi32, #tpu.memory_space<hbm>>
        %dma_start3A_380 = tpu.memref_squeeze %dma_start3A_379 : memref<1x128xi32, #tpu.memory_space<hbm>> -> memref<128xi32, #tpu.memory_space<hbm>>
        tpu.enqueue_dma source(%dma_start3A_380 : memref<128xi32, #tpu.memory_space<hbm>>) target(%arg13 : memref<128xi32, #tpu.memory_space<vmem>>) target_semaphore(%arg26 : memref<!tpu.dma_semaphore, #tpu.memory_space<semaphore_mem>>)
      } else {
      }
      %dma_wait3A_286 = arith.constant 0 : i32
      %dma_wait3A_287 = arith.constant 0 : i32
      %dma_wait3A_288 = tpu.memref_slice %arg21[%dma_wait3A_286, %dma_wait3A_287] : memref<10240x64xf32, #tpu.memory_space<vmem_shared>> -> memref<10240x64xf32, #tpu.memory_space<vmem_shared>>
      tpu.wait_indirect_dma semaphore(%arg30 : memref<!tpu.dma_semaphore, #tpu.memory_space<semaphore_mem>>) src(%dma_wait3A_288 : memref<10240x64xf32, #tpu.memory_space<vmem_shared>>) dst(%arg17 : memref<128x64xf32, #tpu.memory_space<vmem>>)
      %dma_start3A_289 = arith.constant 0 : i32
      %dma_start3A_290 = arith.constant 0 : i32
      %dma_start3A_291 = tpu.memref_slice %arg22[%dma_start3A_289, %dma_start3A_290] : memref<10240x64xf32, #tpu.memory_space<vmem_shared>> -> memref<10240x64xf32, #tpu.memory_space<vmem_shared>>
      tpu.enqueue_indirect_dma source(%arg17 : memref<128x64xf32, #tpu.memory_space<vmem>>) target(%dma_start3A_291 : memref<10240x64xf32, #tpu.memory_space<vmem_shared>>) offsets(%arg14 : memref<128xi32, #tpu.memory_space<vmem>>) semaphore(%arg33 : memref<!tpu.dma_semaphore, #tpu.memory_space<semaphore_mem>>) {add = true}
      %add3A_292 = arith.constant 1 : i32
      %add3A_293 = arith.addi %add3A_273, %add3A_292 : i32
      %lt3A_294 = arith.constant 159 : i32
      %lt3A_295 = arith.cmpi slt, %add3A_293, %lt3A_294 : i32
      %convert_element_type3A_296 = arith.extui %lt3A_295 : i1 to i32
      %cond3A_297 = arith.constant 0 : i32
      %cond3A_298 = arith.cmpi ne, %convert_element_type3A_296, %cond3A_297 : i32
      scf.if %cond3A_298 {
        %dma_wait3A_363 = arith.constant 0 : i32
        %dma_wait3A_364 = tpu.memref_slice %arg3[%mul3A_0, %dma_wait3A_363] : memref<2544x128xi32, #tpu.memory_space<hbm>> -> memref<1x128xi32, #tpu.memory_space<hbm>>
        %dma_wait3A_365 = tpu.memref_squeeze %dma_wait3A_364 : memref<1x128xi32, #tpu.memory_space<hbm>> -> memref<128xi32, #tpu.memory_space<hbm>>
        %dma_wait3A_366 = arith.constant 0 : i32
        %dma_wait3A_367 = tpu.memref_slice %arg3[%mul3A_0, %dma_wait3A_366] : memref<2544x128xi32, #tpu.memory_space<hbm>> -> memref<1x128xi32, #tpu.memory_space<hbm>>
        %dma_wait3A_368 = tpu.memref_squeeze %dma_wait3A_367 : memref<1x128xi32, #tpu.memory_space<hbm>> -> memref<128xi32, #tpu.memory_space<hbm>>
        tpu.wait_dma2 semaphore(%arg25 : memref<!tpu.dma_semaphore, #tpu.memory_space<semaphore_mem>>) src(%dma_wait3A_368 : memref<128xi32, #tpu.memory_space<hbm>>) dst(%arg9 : memref<128xi32, #tpu.memory_space<vmem>>)
        %dma_wait3A_369 = arith.constant 0 : i32
        %dma_wait3A_370 = tpu.memref_slice %arg4[%mul3A_0, %dma_wait3A_369] : memref<2544x128xi32, #tpu.memory_space<hbm>> -> memref<1x128xi32, #tpu.memory_space<hbm>>
        %dma_wait3A_371 = tpu.memref_squeeze %dma_wait3A_370 : memref<1x128xi32, #tpu.memory_space<hbm>> -> memref<128xi32, #tpu.memory_space<hbm>>
        %dma_wait3A_372 = arith.constant 0 : i32
        %dma_wait3A_373 = tpu.memref_slice %arg4[%mul3A_0, %dma_wait3A_372] : memref<2544x128xi32, #tpu.memory_space<hbm>> -> memref<1x128xi32, #tpu.memory_space<hbm>>
        %dma_wait3A_374 = tpu.memref_squeeze %dma_wait3A_373 : memref<1x128xi32, #tpu.memory_space<hbm>> -> memref<128xi32, #tpu.memory_space<hbm>>
        tpu.wait_dma2 semaphore(%arg25 : memref<!tpu.dma_semaphore, #tpu.memory_space<semaphore_mem>>) src(%dma_wait3A_374 : memref<128xi32, #tpu.memory_space<hbm>>) dst(%arg12 : memref<128xi32, #tpu.memory_space<vmem>>)
        %dma_start3A_375 = arith.constant 0 : i32
        %dma_start3A_376 = arith.constant 0 : i32
        %dma_start3A_377 = tpu.memref_slice %arg21[%dma_start3A_375, %dma_start3A_376] : memref<10240x64xf32, #tpu.memory_space<vmem_shared>> -> memref<10240x64xf32, #tpu.memory_space<vmem_shared>>
        tpu.enqueue_indirect_dma source(%dma_start3A_377 : memref<10240x64xf32, #tpu.memory_space<vmem_shared>>) target(%arg15 : memref<128x64xf32, #tpu.memory_space<vmem>>) offsets(%arg9 : memref<128xi32, #tpu.memory_space<vmem>>) semaphore(%arg28 : memref<!tpu.dma_semaphore, #tpu.memory_space<semaphore_mem>>)
      } else {
      }
      %get3A_299 = arith.constant 0 : index
      %get3A_300 = tpu.vector_load %arg14[%get3A_299] {strides = array<i32>} : memref<128xi32, #tpu.memory_space<vmem>>, vector<16xi32>,
      %shift_right_logical3A_301 = arith.constant 6 : i32
      %shift_right_logical3A_302 = vector.broadcast %shift_right_logical3A_301 : i32 to vector<16xi32>
      %shift_right_logical3A_303 = arith.shrui %get3A_300, %shift_right_logical3A_302 : vector<16xi32>
      %and3A_304 = arith.constant 63 : i32
      %and3A_305 = vector.broadcast %and3A_304 : i32 to vector<16xi32>
      %and3A_306 = arith.andi %get3A_300, %and3A_305 : vector<16xi32>
      tpu.vector_store_idx %arg18[%shift_right_logical3A_303, %and3A_306], %broadcast_in_dim3A_11 {add = true} : memref<160x64xf32, #tpu.memory_space<vmem>>[vector<16xi32>, vector<16xi32>], vector<16xf32>,
      %get3A_307 = arith.constant 16 : index
      %get3A_308 = tpu.vector_load %arg14[%get3A_307] {strides = array<i32>} : memref<128xi32, #tpu.memory_space<vmem>>, vector<16xi32>,
      %shift_right_logical3A_309 = arith.constant 6 : i32
      %shift_right_logical3A_310 = vector.broadcast %shift_right_logical3A_309 : i32 to vector<16xi32>
      %shift_right_logical3A_311 = arith.shrui %get3A_308, %shift_right_logical3A_310 : vector<16xi32>
      %and3A_312 = arith.constant 63 : i32
      %and3A_313 = vector.broadcast %and3A_312 : i32 to vector<16xi32>
      %and3A_314 = arith.andi %get3A_308, %and3A_313 : vector<16xi32>
      tpu.vector_store_idx %arg18[%shift_right_logical3A_311, %and3A_314], %broadcast_in_dim3A_11 {add = true} : memref<160x64xf32, #tpu.memory_space<vmem>>[vector<16xi32>, vector<16xi32>], vector<16xf32>,
      %get3A_315 = arith.constant 32 : index
      %get3A_316 = tpu.vector_load %arg14[%get3A_315] {strides = array<i32>} : memref<128xi32, #tpu.memory_space<vmem>>, vector<16xi32>,
      %shift_right_logical3A_317 = arith.constant 6 : i32
      %shift_right_logical3A_318 = vector.broadcast %shift_right_logical3A_317 : i32 to vector<16xi32>
      %shift_right_logical3A_319 = arith.shrui %get3A_316, %shift_right_logical3A_318 : vector<16xi32>
      %and3A_320 = arith.constant 63 : i32
      %and3A_321 = vector.broadcast %and3A_320 : i32 to vector<16xi32>
      %and3A_322 = arith.andi %get3A_316, %and3A_321 : vector<16xi32>
      tpu.vector_store_idx %arg18[%shift_right_logical3A_319, %and3A_322], %broadcast_in_dim3A_11 {add = true} : memref<160x64xf32, #tpu.memory_space<vmem>>[vector<16xi32>, vector<16xi32>], vector<16xf32>,
      %get3A_323 = arith.constant 48 : index
      %get3A_324 = tpu.vector_load %arg14[%get3A_323] {strides = array<i32>} : memref<128xi32, #tpu.memory_space<vmem>>, vector<16xi32>,
      %shift_right_logical3A_325 = arith.constant 6 : i32
      %shift_right_logical3A_326 = vector.broadcast %shift_right_logical3A_325 : i32 to vector<16xi32>
      %shift_right_logical3A_327 = arith.shrui %get3A_324, %shift_right_logical3A_326 : vector<16xi32>
      %and3A_328 = arith.constant 63 : i32
      %and3A_329 = vector.broadcast %and3A_328 : i32 to vector<16xi32>
      %and3A_330 = arith.andi %get3A_324, %and3A_329 : vector<16xi32>
      tpu.vector_store_idx %arg18[%shift_right_logical3A_327, %and3A_330], %broadcast_in_dim3A_11 {add = true} : memref<160x64xf32, #tpu.memory_space<vmem>>[vector<16xi32>, vector<16xi32>], vector<16xf32>,
      %get3A_331 = arith.constant 64 : index
      %get3A_332 = tpu.vector_load %arg14[%get3A_331] {strides = array<i32>} : memref<128xi32, #tpu.memory_space<vmem>>, vector<16xi32>,
      %shift_right_logical3A_333 = arith.constant 6 : i32
      %shift_right_logical3A_334 = vector.broadcast %shift_right_logical3A_333 : i32 to vector<16xi32>
      %shift_right_logical3A_335 = arith.shrui %get3A_332, %shift_right_logical3A_334 : vector<16xi32>
      %and3A_336 = arith.constant 63 : i32
      %and3A_337 = vector.broadcast %and3A_336 : i32 to vector<16xi32>
      %and3A_338 = arith.andi %get3A_332, %and3A_337 : vector<16xi32>
      tpu.vector_store_idx %arg18[%shift_right_logical3A_335, %and3A_338], %broadcast_in_dim3A_11 {add = true} : memref<160x64xf32, #tpu.memory_space<vmem>>[vector<16xi32>, vector<16xi32>], vector<16xf32>,
      %get3A_339 = arith.constant 80 : index
      %get3A_340 = tpu.vector_load %arg14[%get3A_339] {strides = array<i32>} : memref<128xi32, #tpu.memory_space<vmem>>, vector<16xi32>,
      %shift_right_logical3A_341 = arith.constant 6 : i32
      %shift_right_logical3A_342 = vector.broadcast %shift_right_logical3A_341 : i32 to vector<16xi32>
      %shift_right_logical3A_343 = arith.shrui %get3A_340, %shift_right_logical3A_342 : vector<16xi32>
      %and3A_344 = arith.constant 63 : i32
      %and3A_345 = vector.broadcast %and3A_344 : i32 to vector<16xi32>
      %and3A_346 = arith.andi %get3A_340, %and3A_345 : vector<16xi32>
      tpu.vector_store_idx %arg18[%shift_right_logical3A_343, %and3A_346], %broadcast_in_dim3A_11 {add = true} : memref<160x64xf32, #tpu.memory_space<vmem>>[vector<16xi32>, vector<16xi32>], vector<16xf32>,
      %get3A_347 = arith.constant 96 : index
      %get3A_348 = tpu.vector_load %arg14[%get3A_347] {strides = array<i32>} : memref<128xi32, #tpu.memory_space<vmem>>, vector<16xi32>,
      %shift_right_logical3A_349 = arith.constant 6 : i32
      %shift_right_logical3A_350 = vector.broadcast %shift_right_logical3A_349 : i32 to vector<16xi32>
      %shift_right_logical3A_351 = arith.shrui %get3A_348, %shift_right_logical3A_350 : vector<16xi32>
      %and3A_352 = arith.constant 63 : i32
      %and3A_353 = vector.broadcast %and3A_352 : i32 to vector<16xi32>
      %and3A_354 = arith.andi %get3A_348, %and3A_353 : vector<16xi32>
      tpu.vector_store_idx %arg18[%shift_right_logical3A_351, %and3A_354], %broadcast_in_dim3A_11 {add = true} : memref<160x64xf32, #tpu.memory_space<vmem>>[vector<16xi32>, vector<16xi32>], vector<16xf32>,
      %get3A_355 = arith.constant 112 : index
      %get3A_356 = tpu.vector_load %arg14[%get3A_355] {strides = array<i32>} : memref<128xi32, #tpu.memory_space<vmem>>, vector<16xi32>,
      %shift_right_logical3A_357 = arith.constant 6 : i32
      %shift_right_logical3A_358 = vector.broadcast %shift_right_logical3A_357 : i32 to vector<16xi32>
      %shift_right_logical3A_359 = arith.shrui %get3A_356, %shift_right_logical3A_358 : vector<16xi32>
      %and3A_360 = arith.constant 63 : i32
      %and3A_361 = vector.broadcast %and3A_360 : i32 to vector<16xi32>
      %and3A_362 = arith.andi %get3A_356, %and3A_361 : vector<16xi32>
      tpu.vector_store_idx %arg18[%shift_right_logical3A_359, %and3A_362], %broadcast_in_dim3A_11 {add = true} : memref<160x64xf32, #tpu.memory_space<vmem>>[vector<16xi32>, vector<16xi32>], vector<16xf32>,
    }
    %scan3A_33 = arith.constant 53 : i32
    %dma_wait3A = arith.constant 0 : i32
    %dma_wait3A_34 = arith.constant 0 : i32
    %dma_wait3A_35 = tpu.memref_slice %arg22[%dma_wait3A, %dma_wait3A_34] : memref<10240x64xf32, #tpu.memory_space<vmem_shared>> -> memref<10240x64xf32, #tpu.memory_space<vmem_shared>>
    tpu.wait_indirect_dma semaphore(%arg33 : memref<!tpu.dma_semaphore, #tpu.memory_space<semaphore_mem>>) src(%arg17 : memref<128x64xf32, #tpu.memory_space<vmem>>) dst(%dma_wait3A_35 : memref<10240x64xf32, #tpu.memory_space<vmem_shared>>)
    %iota3A = tpu.iota {dimensions = array<i32: 0>} : vector<16xi32>
    %add3A_36 = arith.constant 0 : i32
    %add3A_37 = vector.broadcast %add3A_36 : i32 to vector<16xi32>
    %add3A_38 = arith.addi %iota3A, %add3A_37 : vector<16xi32>
    %swap3A = arith.constant 0 : index
    %swap3A_39 = tpu.vector_load %arg19[%swap3A] {strides = array<i32>} : memref<80xi32, #tpu.memory_space<vmem>>, vector<16xi32>,
    tpu.vector_store %arg19[%swap3A], %add3A_38 {strides = array<i32>} : memref<80xi32, #tpu.memory_space<vmem>>, vector<16xi32>,
    %add3A_40 = arith.constant 80 : i32
    %add3A_41 = vector.broadcast %add3A_40 : i32 to vector<16xi32>
    %add3A_42 = arith.addi %iota3A, %add3A_41 : vector<16xi32>
    %swap3A_43 = arith.constant 0 : index
    %swap3A_44 = tpu.vector_load %arg20[%swap3A_43] {strides = array<i32>} : memref<80xi32, #tpu.memory_space<vmem>>, vector<16xi32>,
    tpu.vector_store %arg20[%swap3A_43], %add3A_42 {strides = array<i32>} : memref<80xi32, #tpu.memory_space<vmem>>, vector<16xi32>,
    %add3A_45 = arith.constant 16 : i32
    %add3A_46 = vector.broadcast %add3A_45 : i32 to vector<16xi32>
    %add3A_47 = arith.addi %iota3A, %add3A_46 : vector<16xi32>
    %swap3A_48 = arith.constant 16 : index
    %swap3A_49 = tpu.vector_load %arg19[%swap3A_48] {strides = array<i32>} : memref<80xi32, #tpu.memory_space<vmem>>, vector<16xi32>,
    tpu.vector_store %arg19[%swap3A_48], %add3A_47 {strides = array<i32>} : memref<80xi32, #tpu.memory_space<vmem>>, vector<16xi32>,
    %add3A_50 = arith.constant 96 : i32
    %add3A_51 = vector.broadcast %add3A_50 : i32 to vector<16xi32>
    %add3A_52 = arith.addi %iota3A, %add3A_51 : vector<16xi32>
    %swap3A_53 = arith.constant 16 : index
    %swap3A_54 = tpu.vector_load %arg20[%swap3A_53] {strides = array<i32>} : memref<80xi32, #tpu.memory_space<vmem>>, vector<16xi32>,
    tpu.vector_store %arg20[%swap3A_53], %add3A_52 {strides = array<i32>} : memref<80xi32, #tpu.memory_space<vmem>>, vector<16xi32>,
    %add3A_55 = arith.constant 32 : i32
    %add3A_56 = vector.broadcast %add3A_55 : i32 to vector<16xi32>
    %add3A_57 = arith.addi %iota3A, %add3A_56 : vector<16xi32>
    %swap3A_58 = arith.constant 32 : index
    %swap3A_59 = tpu.vector_load %arg19[%swap3A_58] {strides = array<i32>} : memref<80xi32, #tpu.memory_space<vmem>>, vector<16xi32>,
    tpu.vector_store %arg19[%swap3A_58], %add3A_57 {strides = array<i32>} : memref<80xi32, #tpu.memory_space<vmem>>, vector<16xi32>,
    %add3A_60 = arith.constant 112 : i32
    %add3A_61 = vector.broadcast %add3A_60 : i32 to vector<16xi32>
    %add3A_62 = arith.addi %iota3A, %add3A_61 : vector<16xi32>
    %swap3A_63 = arith.constant 32 : index
    %swap3A_64 = tpu.vector_load %arg20[%swap3A_63] {strides = array<i32>} : memref<80xi32, #tpu.memory_space<vmem>>, vector<16xi32>,
    tpu.vector_store %arg20[%swap3A_63], %add3A_62 {strides = array<i32>} : memref<80xi32, #tpu.memory_space<vmem>>, vector<16xi32>,
    %add3A_65 = arith.constant 48 : i32
    %add3A_66 = vector.broadcast %add3A_65 : i32 to vector<16xi32>
    %add3A_67 = arith.addi %iota3A, %add3A_66 : vector<16xi32>
    %swap3A_68 = arith.constant 48 : index
    %swap3A_69 = tpu.vector_load %arg19[%swap3A_68] {strides = array<i32>} : memref<80xi32, #tpu.memory_space<vmem>>, vector<16xi32>,
    tpu.vector_store %arg19[%swap3A_68], %add3A_67 {strides = array<i32>} : memref<80xi32, #tpu.memory_space<vmem>>, vector<16xi32>,
    %add3A_70 = arith.constant 128 : i32
    %add3A_71 = vector.broadcast %add3A_70 : i32 to vector<16xi32>
    %add3A_72 = arith.addi %iota3A, %add3A_71 : vector<16xi32>
    %swap3A_73 = arith.constant 48 : index
    %swap3A_74 = tpu.vector_load %arg20[%swap3A_73] {strides = array<i32>} : memref<80xi32, #tpu.memory_space<vmem>>, vector<16xi32>,
    tpu.vector_store %arg20[%swap3A_73], %add3A_72 {strides = array<i32>} : memref<80xi32, #tpu.memory_space<vmem>>, vector<16xi32>,
    %add3A_75 = arith.constant 64 : i32
    %add3A_76 = vector.broadcast %add3A_75 : i32 to vector<16xi32>
    %add3A_77 = arith.addi %iota3A, %add3A_76 : vector<16xi32>
    %swap3A_78 = arith.constant 64 : index
    %swap3A_79 = tpu.vector_load %arg19[%swap3A_78] {strides = array<i32>} : memref<80xi32, #tpu.memory_space<vmem>>, vector<16xi32>,
    tpu.vector_store %arg19[%swap3A_78], %add3A_77 {strides = array<i32>} : memref<80xi32, #tpu.memory_space<vmem>>, vector<16xi32>,
    %add3A_80 = arith.constant 144 : i32
    %add3A_81 = vector.broadcast %add3A_80 : i32 to vector<16xi32>
    %add3A_82 = arith.addi %iota3A, %add3A_81 : vector<16xi32>
    %swap3A_83 = arith.constant 64 : index
    %swap3A_84 = tpu.vector_load %arg20[%swap3A_83] {strides = array<i32>} : memref<80xi32, #tpu.memory_space<vmem>>, vector<16xi32>,
    tpu.vector_store %arg20[%swap3A_83], %add3A_82 {strides = array<i32>} : memref<80xi32, #tpu.memory_space<vmem>>, vector<16xi32>,
    "tpu.region"() ({
      %run_scoped3A = tpu.sem_alloc : memref<!tpu.dma_semaphore, #tpu.memory_space<semaphore_mem>>
      %dma_start3A_88 = arith.constant 0 : i32
      %dma_start3A_89 = arith.constant 0 : i32
      %dma_start3A_90 = tpu.memref_slice %arg18[%dma_start3A_88, %dma_start3A_89] : memref<160x64xf32, #tpu.memory_space<vmem>> -> memref<80x64xf32, #tpu.memory_space<vmem>>
      %dma_start3A_91 = arith.constant 0 : i32
      %dma_start3A_92 = arith.constant 0 : i32
      %dma_start3A_93 = tpu.memref_slice %arg23[%dma_start3A_91, %dma_start3A_92] : memref<160x64xf32, #tpu.memory_space<vmem_shared>> -> memref<160x64xf32, #tpu.memory_space<vmem_shared>>
      tpu.enqueue_indirect_dma source(%dma_start3A_90 : memref<80x64xf32, #tpu.memory_space<vmem>>) target(%dma_start3A_93 : memref<160x64xf32, #tpu.memory_space<vmem_shared>>) offsets(%arg19 : memref<80xi32, #tpu.memory_space<vmem>>) semaphore(%run_scoped3A : memref<!tpu.dma_semaphore, #tpu.memory_space<semaphore_mem>>) {add = true}
      %dma_wait3A_94 = arith.constant 0 : i32
      %dma_wait3A_95 = arith.constant 0 : i32
      %dma_wait3A_96 = tpu.memref_slice %arg18[%dma_wait3A_94, %dma_wait3A_95] : memref<160x64xf32, #tpu.memory_space<vmem>> -> memref<80x64xf32, #tpu.memory_space<vmem>>
      %dma_wait3A_97 = arith.constant 0 : i32
      %dma_wait3A_98 = arith.constant 0 : i32
      %dma_wait3A_99 = tpu.memref_slice %arg23[%dma_wait3A_97, %dma_wait3A_98] : memref<160x64xf32, #tpu.memory_space<vmem_shared>> -> memref<160x64xf32, #tpu.memory_space<vmem_shared>>
      tpu.wait_indirect_dma semaphore(%run_scoped3A : memref<!tpu.dma_semaphore, #tpu.memory_space<semaphore_mem>>) src(%dma_wait3A_96 : memref<80x64xf32, #tpu.memory_space<vmem>>) dst(%dma_wait3A_99 : memref<160x64xf32, #tpu.memory_space<vmem_shared>>)
      tpu.yield
    }) : () -> ()
    "tpu.region"() ({
      %run_scoped3A = tpu.sem_alloc : memref<!tpu.dma_semaphore, #tpu.memory_space<semaphore_mem>>
      %dma_start3A_88 = arith.constant 80 : i32
      %dma_start3A_89 = arith.constant 0 : i32
      %dma_start3A_90 = tpu.memref_slice %arg18[%dma_start3A_88, %dma_start3A_89] : memref<160x64xf32, #tpu.memory_space<vmem>> -> memref<80x64xf32, #tpu.memory_space<vmem>>
      %dma_start3A_91 = arith.constant 0 : i32
      %dma_start3A_92 = arith.constant 0 : i32
      %dma_start3A_93 = tpu.memref_slice %arg23[%dma_start3A_91, %dma_start3A_92] : memref<160x64xf32, #tpu.memory_space<vmem_shared>> -> memref<160x64xf32, #tpu.memory_space<vmem_shared>>
      tpu.enqueue_indirect_dma source(%dma_start3A_90 : memref<80x64xf32, #tpu.memory_space<vmem>>) target(%dma_start3A_93 : memref<160x64xf32, #tpu.memory_space<vmem_shared>>) offsets(%arg20 : memref<80xi32, #tpu.memory_space<vmem>>) semaphore(%run_scoped3A : memref<!tpu.dma_semaphore, #tpu.memory_space<semaphore_mem>>) {add = true}
      %dma_wait3A_94 = arith.constant 80 : i32
      %dma_wait3A_95 = arith.constant 0 : i32
      %dma_wait3A_96 = tpu.memref_slice %arg18[%dma_wait3A_94, %dma_wait3A_95] : memref<160x64xf32, #tpu.memory_space<vmem>> -> memref<80x64xf32, #tpu.memory_space<vmem>>
      %dma_wait3A_97 = arith.constant 0 : i32
      %dma_wait3A_98 = arith.constant 0 : i32
      %dma_wait3A_99 = tpu.memref_slice %arg23[%dma_wait3A_97, %dma_wait3A_98] : memref<160x64xf32, #tpu.memory_space<vmem_shared>> -> memref<160x64xf32, #tpu.memory_space<vmem_shared>>
      tpu.wait_indirect_dma semaphore(%run_scoped3A : memref<!tpu.dma_semaphore, #tpu.memory_space<semaphore_mem>>) src(%dma_wait3A_96 : memref<80x64xf32, #tpu.memory_space<vmem>>) dst(%dma_wait3A_99 : memref<160x64xf32, #tpu.memory_space<vmem_shared>>)
      tpu.yield
    }) : () -> ()
    %barrier3A_85 = arith.constant 0 : index
    tpu.barrier barrier_id(%barrier3A_85)
    "tpu.region"() ({
      %run_scoped3A = tpu.sem_alloc : memref<!tpu.dma_semaphore, #tpu.memory_space<semaphore_mem>>
      %dma_start3A_88 = arith.constant 0 : i32
      %dma_start3A_89 = tpu.memref_slice %arg7[%arg0, %mul3A_2, %dma_start3A_88] : memref<2x10240x64xf32, #tpu.memory_space<hbm>> -> memref<1x640x64xf32, #tpu.memory_space<hbm>>
      %dma_start3A_90 = tpu.memref_squeeze %dma_start3A_89 : memref<1x640x64xf32, #tpu.memory_space<hbm>> -> memref<640x64xf32, #tpu.memory_space<hbm>>
      %dma_start3A_91 = arith.constant 0 : i32
      %dma_start3A_92 = tpu.memref_slice %arg22[%mul3A_2, %dma_start3A_91] : memref<10240x64xf32, #tpu.memory_space<vmem_shared>> -> memref<640x64xf32, #tpu.memory_space<vmem_shared>>
      tpu.enqueue_dma source(%dma_start3A_92 : memref<640x64xf32, #tpu.memory_space<vmem_shared>>) target(%dma_start3A_90 : memref<640x64xf32, #tpu.memory_space<hbm>>) target_semaphore(%run_scoped3A : memref<!tpu.dma_semaphore, #tpu.memory_space<semaphore_mem>>)
      %dma_wait3A_93 = arith.constant 0 : i32
      %dma_wait3A_94 = tpu.memref_slice %arg7[%arg0, %mul3A_2, %dma_wait3A_93] : memref<2x10240x64xf32, #tpu.memory_space<hbm>> -> memref<1x640x64xf32, #tpu.memory_space<hbm>>
      %dma_wait3A_95 = tpu.memref_squeeze %dma_wait3A_94 : memref<1x640x64xf32, #tpu.memory_space<hbm>> -> memref<640x64xf32, #tpu.memory_space<hbm>>
      %dma_wait3A_96 = arith.constant 0 : i32
      %dma_wait3A_97 = tpu.memref_slice %arg22[%mul3A_2, %dma_wait3A_96] : memref<10240x64xf32, #tpu.memory_space<vmem_shared>> -> memref<640x64xf32, #tpu.memory_space<vmem_shared>>
      tpu.wait_dma2 semaphore(%run_scoped3A : memref<!tpu.dma_semaphore, #tpu.memory_space<semaphore_mem>>) src(%dma_wait3A_97 : memref<640x64xf32, #tpu.memory_space<vmem_shared>>) dst(%dma_wait3A_95 : memref<640x64xf32, #tpu.memory_space<hbm>>)
      tpu.yield
    }) : () -> ()
    %eq3A = arith.constant 0 : i32
    %eq3A_86 = arith.cmpi eq, %arg0, %eq3A : i32
    %convert_element_type3A = arith.extui %eq3A_86 : i1 to i32
    %cond3A = arith.constant 0 : i32
    %cond3A_87 = arith.cmpi ne, %convert_element_type3A, %cond3A : i32
    scf.if %cond3A_87 {
      %mul3A_88 = arith.constant 10 : i32
      %mul3A_89 = arith.muli %arg1, %mul3A_88 : i32
      %mul3A_90 = arith.constant 10 : i32
      %mul3A_91 = arith.muli %arg1, %mul3A_90 : i32
      "tpu.region"() ({
        %run_scoped3A = tpu.sem_alloc : memref<!tpu.dma_semaphore, #tpu.memory_space<semaphore_mem>>
        %dma_start3A_92 = arith.constant 0 : i32
        %dma_start3A_93 = tpu.memref_slice %arg8[%mul3A_91, %dma_start3A_92] : memref<160x64xf32, #tpu.memory_space<hbm>> -> memref<10x64xf32, #tpu.memory_space<hbm>>
        %dma_start3A_94 = arith.constant 0 : i32
        %dma_start3A_95 = tpu.memref_slice %arg23[%mul3A_89, %dma_start3A_94] : memref<160x64xf32, #tpu.memory_space<vmem_shared>> -> memref<10x64xf32, #tpu.memory_space<vmem_shared>>
        tpu.enqueue_dma source(%dma_start3A_95 : memref<10x64xf32, #tpu.memory_space<vmem_shared>>) target(%dma_start3A_93 : memref<10x64xf32, #tpu.memory_space<hbm>>) target_semaphore(%run_scoped3A : memref<!tpu.dma_semaphore, #tpu.memory_space<semaphore_mem>>)
        %dma_wait3A_96 = arith.constant 0 : i32
        %dma_wait3A_97 = tpu.memref_slice %arg8[%mul3A_91, %dma_wait3A_96] : memref<160x64xf32, #tpu.memory_space<hbm>> -> memref<10x64xf32, #tpu.memory_space<hbm>>
        %dma_wait3A_98 = arith.constant 0 : i32
        %dma_wait3A_99 = tpu.memref_slice %arg23[%mul3A_89, %dma_wait3A_98] : memref<160x64xf32, #tpu.memory_space<vmem_shared>> -> memref<10x64xf32, #tpu.memory_space<vmem_shared>>
        tpu.wait_dma2 semaphore(%run_scoped3A : memref<!tpu.dma_semaphore, #tpu.memory_space<semaphore_mem>>) src(%dma_wait3A_99 : memref<10x64xf32, #tpu.memory_space<vmem_shared>>) dst(%dma_wait3A_97 : memref<10x64xf32, #tpu.memory_space<hbm>>)
        tpu.yield
      }) : () -> ()
    } else {
    }
    return
  }
}

#map = affine_map<(d0, d1) -> (0, 0, 0)>
#map1 = affine_map<(d0, d1) -> (0, 0)>
module attributes {stable_mosaic.version = 14 : i64} {
  func.func @_sc_pass_body(%arg0: i32, %arg1: i32, %arg2: memref<2x10240x64xf32, #tpu.memory_space<hbm>>, %arg3: memref<2544x128xi32, #tpu.memory_space<hbm>>, %arg4: memref<2544x128xi32, #tpu.memory_space<hbm>>, %arg5: memref<640x64xf32, #tpu.memory_space<hbm>>, %arg6: memref<160x64xf32, #tpu.memory_space<hbm>>, %arg7: memref<2x10240x64xf32, #tpu.memory_space<hbm>>, %arg8: memref<160x64xf32, #tpu.memory_space<hbm>>, %arg9: memref<128xi32, #tpu.memory_space<vmem>>, %arg10: memref<128xi32, #tpu.memory_space<vmem>>, %arg11: memref<128xi32, #tpu.memory_space<vmem>>, %arg12: memref<128xi32, #tpu.memory_space<vmem>>, %arg13: memref<128xi32, #tpu.memory_space<vmem>>, %arg14: memref<128xi32, #tpu.memory_space<vmem>>, %arg15: memref<128x64xf32, #tpu.memory_space<vmem>>, %arg16: memref<128x64xf32, #tpu.memory_space<vmem>>, %arg17: memref<128x64xf32, #tpu.memory_space<vmem>>, %arg18: memref<160x64xf32, #tpu.memory_space<vmem>>, %arg19: memref<80xi32, #tpu.memory_space<vmem>>, %arg20: memref<80xi32, #tpu.memory_space<vmem>>, %arg21: memref<10240x64xf32, #tpu.memory_space<vmem_shared>>, %arg22: memref<10240x64xf32, #tpu.memory_space<vmem_shared>>, %arg23: memref<160x64xf32, #tpu.memory_space<vmem_shared>>, %arg24: memref<160x64xf32, #tpu.memory_space<vmem>>, %arg25: memref<!tpu.dma_semaphore, #tpu.memory_space<semaphore_mem>>, %arg26: memref<!tpu.dma_semaphore, #tpu.memory_space<semaphore_mem>>, %arg27: memref<!tpu.dma_semaphore, #tpu.memory_space<semaphore_mem>>, %arg28: memref<!tpu.dma_semaphore, #tpu.memory_space<semaphore_mem>>, %arg29: memref<!tpu.dma_semaphore, #tpu.memory_space<semaphore_mem>>, %arg30: memref<!tpu.dma_semaphore, #tpu.memory_space<semaphore_mem>>, %arg31: memref<!tpu.dma_semaphore, #tpu.memory_space<semaphore_mem>>, %arg32: memref<!tpu.dma_semaphore, #tpu.memory_space<semaphore_mem>>, %arg33: memref<!tpu.dma_semaphore, #tpu.memory_space<semaphore_mem>>) attributes {dimension_semantics = [#tpu.dimension_semantics<core_parallel>, #tpu.dimension_semantics<subcore_parallel>], iteration_bounds = array<i64: 2, 16>, scalar_prefetch = 0 : i64, scratch_operands = 25 : i64, tpu.core_type = #tpu.core_type<sc_vector_subcore>, window_params = [{transform_indices = #map}, {transform_indices = #map1}, {transform_indices = #map1}, {transform_indices = #map1}, {transform_indices = #map1}, {transform_indices = #map}, {transform_indices = #map1}]} {
    %mul3A = arith.constant 159 : i32
    %mul3A_0 = arith.muli %arg1, %mul3A : i32
    %mul3A_1 = arith.constant 640 : i32
    %mul3A_2 = arith.muli %arg1, %mul3A_1 : i32
    "tpu.region"() ({
      %run_scoped3A = tpu.sem_alloc : memref<!tpu.dma_semaphore, #tpu.memory_space<semaphore_mem>>
      %dma_start3A_82 = arith.constant 0 : i32
      %dma_start3A_83 = tpu.memref_slice %arg21[%mul3A_2, %dma_start3A_82] : memref<10240x64xf32, #tpu.memory_space<vmem_shared>> -> memref<640x64xf32, #tpu.memory_space<vmem_shared>>
      %dma_start3A_84 = arith.constant 0 : i32
      %dma_start3A_85 = tpu.memref_slice %arg2[%arg0, %mul3A_2, %dma_start3A_84] : memref<2x10240x64xf32, #tpu.memory_space<hbm>> -> memref<1x640x64xf32, #tpu.memory_space<hbm>>
      %dma_start3A_86 = tpu.memref_squeeze %dma_start3A_85 : memref<1x640x64xf32, #tpu.memory_space<hbm>> -> memref<640x64xf32, #tpu.memory_space<hbm>>
      tpu.enqueue_dma source(%dma_start3A_86 : memref<640x64xf32, #tpu.memory_space<hbm>>) target(%dma_start3A_83 : memref<640x64xf32, #tpu.memory_space<vmem_shared>>) target_semaphore(%run_scoped3A : memref<!tpu.dma_semaphore, #tpu.memory_space<semaphore_mem>>)
      %dma_wait3A_87 = arith.constant 0 : i32
      %dma_wait3A_88 = tpu.memref_slice %arg21[%mul3A_2, %dma_wait3A_87] : memref<10240x64xf32, #tpu.memory_space<vmem_shared>> -> memref<640x64xf32, #tpu.memory_space<vmem_shared>>
      %dma_wait3A_89 = arith.constant 0 : i32
      %dma_wait3A_90 = tpu.memref_slice %arg2[%arg0, %mul3A_2, %dma_wait3A_89] : memref<2x10240x64xf32, #tpu.memory_space<hbm>> -> memref<1x640x64xf32, #tpu.memory_space<hbm>>
      %dma_wait3A_91 = tpu.memref_squeeze %dma_wait3A_90 : memref<1x640x64xf32, #tpu.memory_space<hbm>> -> memref<640x64xf32, #tpu.memory_space<hbm>>
      tpu.wait_dma2 semaphore(%run_scoped3A : memref<!tpu.dma_semaphore, #tpu.memory_space<semaphore_mem>>) src(%dma_wait3A_91 : memref<640x64xf32, #tpu.memory_space<hbm>>) dst(%dma_wait3A_88 : memref<640x64xf32, #tpu.memory_space<vmem_shared>>)
      tpu.yield
    }) : () -> ()
    "tpu.region"() ({
      %run_scoped3A = tpu.sem_alloc : memref<!tpu.dma_semaphore, #tpu.memory_space<semaphore_mem>>
      %dma_start3A_82 = arith.constant 0 : i32
      %dma_start3A_83 = tpu.memref_slice %arg22[%mul3A_2, %dma_start3A_82] : memref<10240x64xf32, #tpu.memory_space<vmem_shared>> -> memref<640x64xf32, #tpu.memory_space<vmem_shared>>
      tpu.enqueue_dma source(%arg5 : memref<640x64xf32, #tpu.memory_space<hbm>>) target(%dma_start3A_83 : memref<640x64xf32, #tpu.memory_space<vmem_shared>>) target_semaphore(%run_scoped3A : memref<!tpu.dma_semaphore, #tpu.memory_space<semaphore_mem>>)
      %dma_wait3A_84 = arith.constant 0 : i32
      %dma_wait3A_85 = tpu.memref_slice %arg22[%mul3A_2, %dma_wait3A_84] : memref<10240x64xf32, #tpu.memory_space<vmem_shared>> -> memref<640x64xf32, #tpu.memory_space<vmem_shared>>
      tpu.wait_dma2 semaphore(%run_scoped3A : memref<!tpu.dma_semaphore, #tpu.memory_space<semaphore_mem>>) src(%arg5 : memref<640x64xf32, #tpu.memory_space<hbm>>) dst(%dma_wait3A_85 : memref<640x64xf32, #tpu.memory_space<vmem_shared>>)
      tpu.yield
    }) : () -> ()
    "tpu.region"() ({
      %run_scoped3A = tpu.sem_alloc : memref<!tpu.dma_semaphore, #tpu.memory_space<semaphore_mem>>
      %dma_start3A_82 = arith.constant 0 : i32
      %dma_start3A_83 = arith.constant 0 : i32
      %dma_start3A_84 = tpu.memref_slice %arg5[%dma_start3A_82, %dma_start3A_83] : memref<640x64xf32, #tpu.memory_space<hbm>> -> memref<160x64xf32, #tpu.memory_space<hbm>>
      %dma_start3A_85 = arith.constant 0 : i32
      %dma_start3A_86 = arith.constant 0 : i32
      %dma_start3A_87 = tpu.memref_slice %arg5[%dma_start3A_85, %dma_start3A_86] : memref<640x64xf32, #tpu.memory_space<hbm>> -> memref<160x64xf32, #tpu.memory_space<hbm>>
      tpu.enqueue_dma source(%dma_start3A_87 : memref<160x64xf32, #tpu.memory_space<hbm>>) target(%arg18 : memref<160x64xf32, #tpu.memory_space<vmem>>) target_semaphore(%run_scoped3A : memref<!tpu.dma_semaphore, #tpu.memory_space<semaphore_mem>>)
      %dma_wait3A_88 = arith.constant 0 : i32
      %dma_wait3A_89 = arith.constant 0 : i32
      %dma_wait3A_90 = tpu.memref_slice %arg5[%dma_wait3A_88, %dma_wait3A_89] : memref<640x64xf32, #tpu.memory_space<hbm>> -> memref<160x64xf32, #tpu.memory_space<hbm>>
      %dma_wait3A_91 = arith.constant 0 : i32
      %dma_wait3A_92 = arith.constant 0 : i32
      %dma_wait3A_93 = tpu.memref_slice %arg5[%dma_wait3A_91, %dma_wait3A_92] : memref<640x64xf32, #tpu.memory_space<hbm>> -> memref<160x64xf32, #tpu.memory_space<hbm>>
      tpu.wait_dma2 semaphore(%run_scoped3A : memref<!tpu.dma_semaphore, #tpu.memory_space<semaphore_mem>>) src(%dma_wait3A_93 : memref<160x64xf32, #tpu.memory_space<hbm>>) dst(%arg18 : memref<160x64xf32, #tpu.memory_space<vmem>>)
      tpu.yield
    }) : () -> ()
    %mul3A_3 = arith.constant 10 : i32
    %mul3A_4 = arith.muli %arg1, %mul3A_3 : i32
    "tpu.region"() ({
      %run_scoped3A = tpu.sem_alloc : memref<!tpu.dma_semaphore, #tpu.memory_space<semaphore_mem>>
      %dma_start3A_82 = arith.constant 0 : i32
      %dma_start3A_83 = tpu.memref_slice %arg23[%mul3A_4, %dma_start3A_82] : memref<160x64xf32, #tpu.memory_space<vmem_shared>> -> memref<10x64xf32, #tpu.memory_space<vmem_shared>>
      %dma_start3A_84 = arith.constant 0 : i32
      %dma_start3A_85 = arith.constant 0 : i32
      %dma_start3A_86 = tpu.memref_slice %arg5[%dma_start3A_84, %dma_start3A_85] : memref<640x64xf32, #tpu.memory_space<hbm>> -> memref<10x64xf32, #tpu.memory_space<hbm>>
      tpu.enqueue_dma source(%dma_start3A_86 : memref<10x64xf32, #tpu.memory_space<hbm>>) target(%dma_start3A_83 : memref<10x64xf32, #tpu.memory_space<vmem_shared>>) target_semaphore(%run_scoped3A : memref<!tpu.dma_semaphore, #tpu.memory_space<semaphore_mem>>)
      %dma_wait3A_87 = arith.constant 0 : i32
      %dma_wait3A_88 = tpu.memref_slice %arg23[%mul3A_4, %dma_wait3A_87] : memref<160x64xf32, #tpu.memory_space<vmem_shared>> -> memref<10x64xf32, #tpu.memory_space<vmem_shared>>
      %dma_wait3A_89 = arith.constant 0 : i32
      %dma_wait3A_90 = arith.constant 0 : i32
      %dma_wait3A_91 = tpu.memref_slice %arg5[%dma_wait3A_89, %dma_wait3A_90] : memref<640x64xf32, #tpu.memory_space<hbm>> -> memref<10x64xf32, #tpu.memory_space<hbm>>
      tpu.wait_dma2 semaphore(%run_scoped3A : memref<!tpu.dma_semaphore, #tpu.memory_space<semaphore_mem>>) src(%dma_wait3A_91 : memref<10x64xf32, #tpu.memory_space<hbm>>) dst(%dma_wait3A_88 : memref<10x64xf32, #tpu.memory_space<vmem_shared>>)
      tpu.yield
    }) : () -> ()
    "tpu.region"() ({
      %run_scoped3A = tpu.sem_alloc : memref<!tpu.dma_semaphore, #tpu.memory_space<semaphore_mem>>
      tpu.enqueue_dma source(%arg6 : memref<160x64xf32, #tpu.memory_space<hbm>>) target(%arg24 : memref<160x64xf32, #tpu.memory_space<vmem>>) target_semaphore(%run_scoped3A : memref<!tpu.dma_semaphore, #tpu.memory_space<semaphore_mem>>)
      tpu.wait_dma2 semaphore(%run_scoped3A : memref<!tpu.dma_semaphore, #tpu.memory_space<semaphore_mem>>) src(%arg6 : memref<160x64xf32, #tpu.memory_space<hbm>>) dst(%arg24 : memref<160x64xf32, #tpu.memory_space<vmem>>)
      tpu.yield
    }) : () -> ()
    %barrier3A = arith.constant 0 : index
    tpu.barrier barrier_id(%barrier3A)
    %broadcast_in_dim3A = arith.constant 1.000000e+00 : f32
    %broadcast_in_dim3A_5 = vector.broadcast %broadcast_in_dim3A : f32 to vector<16xf32>
    "tpu.region"() ({
      %run_scoped3A = tpu.sem_alloc : memref<!tpu.dma_semaphore, #tpu.memory_space<semaphore_mem>>
      %dma_start3A_82 = arith.constant 0 : i32
      %dma_start3A_83 = tpu.memref_slice %arg3[%mul3A_0, %dma_start3A_82] : memref<2544x128xi32, #tpu.memory_space<hbm>> -> memref<1x128xi32, #tpu.memory_space<hbm>>
      %dma_start3A_84 = tpu.memref_squeeze %dma_start3A_83 : memref<1x128xi32, #tpu.memory_space<hbm>> -> memref<128xi32, #tpu.memory_space<hbm>>
      %dma_start3A_85 = arith.constant 0 : i32
      %dma_start3A_86 = tpu.memref_slice %arg3[%mul3A_0, %dma_start3A_85] : memref<2544x128xi32, #tpu.memory_space<hbm>> -> memref<1x128xi32, #tpu.memory_space<hbm>>
      %dma_start3A_87 = tpu.memref_squeeze %dma_start3A_86 : memref<1x128xi32, #tpu.memory_space<hbm>> -> memref<128xi32, #tpu.memory_space<hbm>>
      tpu.enqueue_dma source(%dma_start3A_87 : memref<128xi32, #tpu.memory_space<hbm>>) target(%arg9 : memref<128xi32, #tpu.memory_space<vmem>>) target_semaphore(%run_scoped3A : memref<!tpu.dma_semaphore, #tpu.memory_space<semaphore_mem>>)
      %dma_wait3A_88 = arith.constant 0 : i32
      %dma_wait3A_89 = tpu.memref_slice %arg3[%mul3A_0, %dma_wait3A_88] : memref<2544x128xi32, #tpu.memory_space<hbm>> -> memref<1x128xi32, #tpu.memory_space<hbm>>
      %dma_wait3A_90 = tpu.memref_squeeze %dma_wait3A_89 : memref<1x128xi32, #tpu.memory_space<hbm>> -> memref<128xi32, #tpu.memory_space<hbm>>
      %dma_wait3A_91 = arith.constant 0 : i32
      %dma_wait3A_92 = tpu.memref_slice %arg3[%mul3A_0, %dma_wait3A_91] : memref<2544x128xi32, #tpu.memory_space<hbm>> -> memref<1x128xi32, #tpu.memory_space<hbm>>
      %dma_wait3A_93 = tpu.memref_squeeze %dma_wait3A_92 : memref<1x128xi32, #tpu.memory_space<hbm>> -> memref<128xi32, #tpu.memory_space<hbm>>
      tpu.wait_dma2 semaphore(%run_scoped3A : memref<!tpu.dma_semaphore, #tpu.memory_space<semaphore_mem>>) src(%dma_wait3A_93 : memref<128xi32, #tpu.memory_space<hbm>>) dst(%arg9 : memref<128xi32, #tpu.memory_space<vmem>>)
      tpu.yield
    }) : () -> ()
    "tpu.region"() ({
      %run_scoped3A = tpu.sem_alloc : memref<!tpu.dma_semaphore, #tpu.memory_space<semaphore_mem>>
      %dma_start3A_82 = arith.constant 0 : i32
      %dma_start3A_83 = tpu.memref_slice %arg4[%mul3A_0, %dma_start3A_82] : memref<2544x128xi32, #tpu.memory_space<hbm>> -> memref<1x128xi32, #tpu.memory_space<hbm>>
      %dma_start3A_84 = tpu.memref_squeeze %dma_start3A_83 : memref<1x128xi32, #tpu.memory_space<hbm>> -> memref<128xi32, #tpu.memory_space<hbm>>
      %dma_start3A_85 = arith.constant 0 : i32
      %dma_start3A_86 = tpu.memref_slice %arg4[%mul3A_0, %dma_start3A_85] : memref<2544x128xi32, #tpu.memory_space<hbm>> -> memref<1x128xi32, #tpu.memory_space<hbm>>
      %dma_start3A_87 = tpu.memref_squeeze %dma_start3A_86 : memref<1x128xi32, #tpu.memory_space<hbm>> -> memref<128xi32, #tpu.memory_space<hbm>>
      tpu.enqueue_dma source(%dma_start3A_87 : memref<128xi32, #tpu.memory_space<hbm>>) target(%arg12 : memref<128xi32, #tpu.memory_space<vmem>>) target_semaphore(%run_scoped3A : memref<!tpu.dma_semaphore, #tpu.memory_space<semaphore_mem>>)
      %dma_wait3A_88 = arith.constant 0 : i32
      %dma_wait3A_89 = tpu.memref_slice %arg4[%mul3A_0, %dma_wait3A_88] : memref<2544x128xi32, #tpu.memory_space<hbm>> -> memref<1x128xi32, #tpu.memory_space<hbm>>
      %dma_wait3A_90 = tpu.memref_squeeze %dma_wait3A_89 : memref<1x128xi32, #tpu.memory_space<hbm>> -> memref<128xi32, #tpu.memory_space<hbm>>
      %dma_wait3A_91 = arith.constant 0 : i32
      %dma_wait3A_92 = tpu.memref_slice %arg4[%mul3A_0, %dma_wait3A_91] : memref<2544x128xi32, #tpu.memory_space<hbm>> -> memref<1x128xi32, #tpu.memory_space<hbm>>
      %dma_wait3A_93 = tpu.memref_squeeze %dma_wait3A_92 : memref<1x128xi32, #tpu.memory_space<hbm>> -> memref<128xi32, #tpu.memory_space<hbm>>
      tpu.wait_dma2 semaphore(%run_scoped3A : memref<!tpu.dma_semaphore, #tpu.memory_space<semaphore_mem>>) src(%dma_wait3A_93 : memref<128xi32, #tpu.memory_space<hbm>>) dst(%arg12 : memref<128xi32, #tpu.memory_space<vmem>>)
      tpu.yield
    }) : () -> ()
    %add3A = arith.constant 1 : i32
    %add3A_6 = arith.addi %mul3A_0, %add3A : i32
    %dma_start3A = arith.constant 0 : i32
    %dma_start3A_7 = tpu.memref_slice %arg3[%add3A_6, %dma_start3A] : memref<2544x128xi32, #tpu.memory_space<hbm>> -> memref<1x128xi32, #tpu.memory_space<hbm>>
    %dma_start3A_8 = tpu.memref_squeeze %dma_start3A_7 : memref<1x128xi32, #tpu.memory_space<hbm>> -> memref<128xi32, #tpu.memory_space<hbm>>
    %dma_start3A_9 = arith.constant 0 : i32
    %dma_start3A_10 = tpu.memref_slice %arg3[%add3A_6, %dma_start3A_9] : memref<2544x128xi32, #tpu.memory_space<hbm>> -> memref<1x128xi32, #tpu.memory_space<hbm>>
    %dma_start3A_11 = tpu.memref_squeeze %dma_start3A_10 : memref<1x128xi32, #tpu.memory_space<hbm>> -> memref<128xi32, #tpu.memory_space<hbm>>
    tpu.enqueue_dma source(%dma_start3A_11 : memref<128xi32, #tpu.memory_space<hbm>>) target(%arg10 : memref<128xi32, #tpu.memory_space<vmem>>) target_semaphore(%arg26 : memref<!tpu.dma_semaphore, #tpu.memory_space<semaphore_mem>>)
    %add3A_12 = arith.constant 1 : i32
    %add3A_13 = arith.addi %mul3A_0, %add3A_12 : i32
    %dma_start3A_14 = arith.constant 0 : i32
    %dma_start3A_15 = tpu.memref_slice %arg4[%add3A_13, %dma_start3A_14] : memref<2544x128xi32, #tpu.memory_space<hbm>> -> memref<1x128xi32, #tpu.memory_space<hbm>>
    %dma_start3A_16 = tpu.memref_squeeze %dma_start3A_15 : memref<1x128xi32, #tpu.memory_space<hbm>> -> memref<128xi32, #tpu.memory_space<hbm>>
    %dma_start3A_17 = arith.constant 0 : i32
    %dma_start3A_18 = tpu.memref_slice %arg4[%add3A_13, %dma_start3A_17] : memref<2544x128xi32, #tpu.memory_space<hbm>> -> memref<1x128xi32, #tpu.memory_space<hbm>>
    %dma_start3A_19 = tpu.memref_squeeze %dma_start3A_18 : memref<1x128xi32, #tpu.memory_space<hbm>> -> memref<128xi32, #tpu.memory_space<hbm>>
    tpu.enqueue_dma source(%dma_start3A_19 : memref<128xi32, #tpu.memory_space<hbm>>) target(%arg13 : memref<128xi32, #tpu.memory_space<vmem>>) target_semaphore(%arg26 : memref<!tpu.dma_semaphore, #tpu.memory_space<semaphore_mem>>)
    %dma_start3A_20 = arith.constant 0 : i32
    %dma_start3A_21 = arith.constant 0 : i32
    %dma_start3A_22 = tpu.memref_slice %arg21[%dma_start3A_20, %dma_start3A_21] : memref<10240x64xf32, #tpu.memory_space<vmem_shared>> -> memref<10240x64xf32, #tpu.memory_space<vmem_shared>>
    tpu.enqueue_indirect_dma source(%dma_start3A_22 : memref<10240x64xf32, #tpu.memory_space<vmem_shared>>) target(%arg15 : memref<128x64xf32, #tpu.memory_space<vmem>>) offsets(%arg9 : memref<128xi32, #tpu.memory_space<vmem>>) semaphore(%arg28 : memref<!tpu.dma_semaphore, #tpu.memory_space<semaphore_mem>>)
    %scan3A = arith.constant 0 : i32
    %scan3A_23 = arith.constant 0 : i32
    %scan3A_24 = arith.constant 53 : i32
    %scan3A_25 = arith.addi %scan3A_23, %scan3A_24 : i32
    %scan3A_26 = arith.constant 1 : i32
    scf.for %scan3A_82 = %scan3A_23 to %scan3A_25 step %scan3A_26  : i32 {
      %mul3A_83 = arith.constant 3 : i32
      %mul3A_84 = arith.muli %scan3A_82, %mul3A_83 : i32
      %add3A_85 = arith.constant 0 : i32
      %add3A_86 = arith.addi %mul3A_84, %add3A_85 : i32
      %ge3A = arith.constant 1 : i32
      %ge3A_87 = arith.cmpi sge, %add3A_86, %ge3A : i32
      %convert_element_type3A_88 = arith.extui %ge3A_87 : i1 to i32
      %cond3A_89 = arith.constant 0 : i32
      %cond3A_90 = arith.cmpi ne, %convert_element_type3A_88, %cond3A_89 : i32
      scf.if %cond3A_90 {
        %dma_wait3A_572 = arith.constant 0 : i32
        %dma_wait3A_573 = arith.constant 0 : i32
        %dma_wait3A_574 = tpu.memref_slice %arg22[%dma_wait3A_572, %dma_wait3A_573] : memref<10240x64xf32, #tpu.memory_space<vmem_shared>> -> memref<10240x64xf32, #tpu.memory_space<vmem_shared>>
        tpu.wait_indirect_dma semaphore(%arg33 : memref<!tpu.dma_semaphore, #tpu.memory_space<semaphore_mem>>) src(%arg17 : memref<128x64xf32, #tpu.memory_space<vmem>>) dst(%dma_wait3A_574 : memref<10240x64xf32, #tpu.memory_space<vmem_shared>>)
      } else {
      }
      %add3A_91 = arith.constant 2 : i32
      %add3A_92 = arith.addi %add3A_86, %add3A_91 : i32
      %lt3A = arith.constant 159 : i32
      %lt3A_93 = arith.cmpi slt, %add3A_92, %lt3A : i32
      %convert_element_type3A_94 = arith.extui %lt3A_93 : i1 to i32
      %cond3A_95 = arith.constant 0 : i32
      %cond3A_96 = arith.cmpi ne, %convert_element_type3A_94, %cond3A_95 : i32
      scf.if %cond3A_96 {
        %add3A_572 = arith.addi %mul3A_0, %add3A_86 : i32
        %add3A_573 = arith.constant 2 : i32
        %add3A_574 = arith.addi %add3A_572, %add3A_573 : i32
        %dma_start3A_575 = arith.constant 0 : i32
        %dma_start3A_576 = tpu.memref_slice %arg3[%add3A_574, %dma_start3A_575] : memref<2544x128xi32, #tpu.memory_space<hbm>> -> memref<1x128xi32, #tpu.memory_space<hbm>>
        %dma_start3A_577 = tpu.memref_squeeze %dma_start3A_576 : memref<1x128xi32, #tpu.memory_space<hbm>> -> memref<128xi32, #tpu.memory_space<hbm>>
        %dma_start3A_578 = arith.constant 0 : i32
        %dma_start3A_579 = tpu.memref_slice %arg3[%add3A_574, %dma_start3A_578] : memref<2544x128xi32, #tpu.memory_space<hbm>> -> memref<1x128xi32, #tpu.memory_space<hbm>>
        %dma_start3A_580 = tpu.memref_squeeze %dma_start3A_579 : memref<1x128xi32, #tpu.memory_space<hbm>> -> memref<128xi32, #tpu.memory_space<hbm>>
        tpu.enqueue_dma source(%dma_start3A_580 : memref<128xi32, #tpu.memory_space<hbm>>) target(%arg11 : memref<128xi32, #tpu.memory_space<vmem>>) target_semaphore(%arg27 : memref<!tpu.dma_semaphore, #tpu.memory_space<semaphore_mem>>)
        %add3A_581 = arith.addi %mul3A_0, %add3A_86 : i32
        %add3A_582 = arith.constant 2 : i32
        %add3A_583 = arith.addi %add3A_581, %add3A_582 : i32
        %dma_start3A_584 = arith.constant 0 : i32
        %dma_start3A_585 = tpu.memref_slice %arg4[%add3A_583, %dma_start3A_584] : memref<2544x128xi32, #tpu.memory_space<hbm>> -> memref<1x128xi32, #tpu.memory_space<hbm>>
        %dma_start3A_586 = tpu.memref_squeeze %dma_start3A_585 : memref<1x128xi32, #tpu.memory_space<hbm>> -> memref<128xi32, #tpu.memory_space<hbm>>
        %dma_start3A_587 = arith.constant 0 : i32
        %dma_start3A_588 = tpu.memref_slice %arg4[%add3A_583, %dma_start3A_587] : memref<2544x128xi32, #tpu.memory_space<hbm>> -> memref<1x128xi32, #tpu.memory_space<hbm>>
        %dma_start3A_589 = tpu.memref_squeeze %dma_start3A_588 : memref<1x128xi32, #tpu.memory_space<hbm>> -> memref<128xi32, #tpu.memory_space<hbm>>
        tpu.enqueue_dma source(%dma_start3A_589 : memref<128xi32, #tpu.memory_space<hbm>>) target(%arg14 : memref<128xi32, #tpu.memory_space<vmem>>) target_semaphore(%arg27 : memref<!tpu.dma_semaphore, #tpu.memory_space<semaphore_mem>>)
      } else {
      }
      %dma_wait3A_97 = arith.constant 0 : i32
      %dma_wait3A_98 = arith.constant 0 : i32
      %dma_wait3A_99 = tpu.memref_slice %arg21[%dma_wait3A_97, %dma_wait3A_98] : memref<10240x64xf32, #tpu.memory_space<vmem_shared>> -> memref<10240x64xf32, #tpu.memory_space<vmem_shared>>
      tpu.wait_indirect_dma semaphore(%arg28 : memref<!tpu.dma_semaphore, #tpu.memory_space<semaphore_mem>>) src(%dma_wait3A_99 : memref<10240x64xf32, #tpu.memory_space<vmem_shared>>) dst(%arg15 : memref<128x64xf32, #tpu.memory_space<vmem>>)
      %dma_start3A_100 = arith.constant 0 : i32
      %dma_start3A_101 = arith.constant 0 : i32
      %dma_start3A_102 = tpu.memref_slice %arg22[%dma_start3A_100, %dma_start3A_101] : memref<10240x64xf32, #tpu.memory_space<vmem_shared>> -> memref<10240x64xf32, #tpu.memory_space<vmem_shared>>
      tpu.enqueue_indirect_dma source(%arg15 : memref<128x64xf32, #tpu.memory_space<vmem>>) target(%dma_start3A_102 : memref<10240x64xf32, #tpu.memory_space<vmem_shared>>) offsets(%arg12 : memref<128xi32, #tpu.memory_space<vmem>>) semaphore(%arg31 : memref<!tpu.dma_semaphore, #tpu.memory_space<semaphore_mem>>) {add = true}
      %add3A_103 = arith.constant 1 : i32
      %add3A_104 = arith.addi %add3A_86, %add3A_103 : i32
      %lt3A_105 = arith.constant 159 : i32
      %lt3A_106 = arith.cmpi slt, %add3A_104, %lt3A_105 : i32
      %convert_element_type3A_107 = arith.extui %lt3A_106 : i1 to i32
      %cond3A_108 = arith.constant 0 : i32
      %cond3A_109 = arith.cmpi ne, %convert_element_type3A_107, %cond3A_108 : i32
      scf.if %cond3A_109 {
        %dma_wait3A_572 = arith.constant 0 : i32
        %dma_wait3A_573 = tpu.memref_slice %arg3[%mul3A_0, %dma_wait3A_572] : memref<2544x128xi32, #tpu.memory_space<hbm>> -> memref<1x128xi32, #tpu.memory_space<hbm>>
        %dma_wait3A_574 = tpu.memref_squeeze %dma_wait3A_573 : memref<1x128xi32, #tpu.memory_space<hbm>> -> memref<128xi32, #tpu.memory_space<hbm>>
        %dma_wait3A_575 = arith.constant 0 : i32
        %dma_wait3A_576 = tpu.memref_slice %arg3[%mul3A_0, %dma_wait3A_575] : memref<2544x128xi32, #tpu.memory_space<hbm>> -> memref<1x128xi32, #tpu.memory_space<hbm>>
        %dma_wait3A_577 = tpu.memref_squeeze %dma_wait3A_576 : memref<1x128xi32, #tpu.memory_space<hbm>> -> memref<128xi32, #tpu.memory_space<hbm>>
        tpu.wait_dma2 semaphore(%arg26 : memref<!tpu.dma_semaphore, #tpu.memory_space<semaphore_mem>>) src(%dma_wait3A_577 : memref<128xi32, #tpu.memory_space<hbm>>) dst(%arg10 : memref<128xi32, #tpu.memory_space<vmem>>)
        %dma_wait3A_578 = arith.constant 0 : i32
        %dma_wait3A_579 = tpu.memref_slice %arg4[%mul3A_0, %dma_wait3A_578] : memref<2544x128xi32, #tpu.memory_space<hbm>> -> memref<1x128xi32, #tpu.memory_space<hbm>>
        %dma_wait3A_580 = tpu.memref_squeeze %dma_wait3A_579 : memref<1x128xi32, #tpu.memory_space<hbm>> -> memref<128xi32, #tpu.memory_space<hbm>>
        %dma_wait3A_581 = arith.constant 0 : i32
        %dma_wait3A_582 = tpu.memref_slice %arg4[%mul3A_0, %dma_wait3A_581] : memref<2544x128xi32, #tpu.memory_space<hbm>> -> memref<1x128xi32, #tpu.memory_space<hbm>>
        %dma_wait3A_583 = tpu.memref_squeeze %dma_wait3A_582 : memref<1x128xi32, #tpu.memory_space<hbm>> -> memref<128xi32, #tpu.memory_space<hbm>>
        tpu.wait_dma2 semaphore(%arg26 : memref<!tpu.dma_semaphore, #tpu.memory_space<semaphore_mem>>) src(%dma_wait3A_583 : memref<128xi32, #tpu.memory_space<hbm>>) dst(%arg13 : memref<128xi32, #tpu.memory_space<vmem>>)
        %dma_start3A_584 = arith.constant 0 : i32
        %dma_start3A_585 = arith.constant 0 : i32
        %dma_start3A_586 = tpu.memref_slice %arg21[%dma_start3A_584, %dma_start3A_585] : memref<10240x64xf32, #tpu.memory_space<vmem_shared>> -> memref<10240x64xf32, #tpu.memory_space<vmem_shared>>
        tpu.enqueue_indirect_dma source(%dma_start3A_586 : memref<10240x64xf32, #tpu.memory_space<vmem_shared>>) target(%arg16 : memref<128x64xf32, #tpu.memory_space<vmem>>) offsets(%arg10 : memref<128xi32, #tpu.memory_space<vmem>>) semaphore(%arg29 : memref<!tpu.dma_semaphore, #tpu.memory_space<semaphore_mem>>)
      } else {
      }
      %get3A = arith.constant 0 : index
      %get3A_110 = tpu.vector_load %arg12[%get3A] {strides = array<i32>} : memref<128xi32, #tpu.memory_space<vmem>>, vector<16xi32>,
      %shift_right_logical3A = arith.constant 6 : i32
      %shift_right_logical3A_111 = vector.broadcast %shift_right_logical3A : i32 to vector<16xi32>
      %shift_right_logical3A_112 = arith.shrui %get3A_110, %shift_right_logical3A_111 : vector<16xi32>
      %and3A = arith.constant 63 : i32
      %and3A_113 = vector.broadcast %and3A : i32 to vector<16xi32>
      %and3A_114 = arith.andi %get3A_110, %and3A_113 : vector<16xi32>
      %get3A_115 = arith.constant 0 : index
      %get3A_116 = tpu.vector_load %arg9[%get3A_115] {strides = array<i32>} : memref<128xi32, #tpu.memory_space<vmem>>, vector<16xi32>,
      %shift_right_logical3A_117 = arith.constant 6 : i32
      %shift_right_logical3A_118 = vector.broadcast %shift_right_logical3A_117 : i32 to vector<16xi32>
      %shift_right_logical3A_119 = arith.shrui %get3A_116, %shift_right_logical3A_118 : vector<16xi32>
      %and3A_120 = arith.constant 63 : i32
      %and3A_121 = vector.broadcast %and3A_120 : i32 to vector<16xi32>
      %and3A_122 = arith.andi %get3A_116, %and3A_121 : vector<16xi32>
      %gather3A = tpu.vector_load_idx %arg24[%shift_right_logical3A_119, %and3A_122] : memref<160x64xf32, #tpu.memory_space<vmem>>[vector<16xi32>, vector<16xi32>], vector<16xf32>,
      tpu.vector_store_idx %arg18[%shift_right_logical3A_112, %and3A_114], %gather3A {add = true} : memref<160x64xf32, #tpu.memory_space<vmem>>[vector<16xi32>, vector<16xi32>], vector<16xf32>,
      %get3A_123 = arith.constant 16 : index
      %get3A_124 = tpu.vector_load %arg12[%get3A_123] {strides = array<i32>} : memref<128xi32, #tpu.memory_space<vmem>>, vector<16xi32>,
      %shift_right_logical3A_125 = arith.constant 6 : i32
      %shift_right_logical3A_126 = vector.broadcast %shift_right_logical3A_125 : i32 to vector<16xi32>
      %shift_right_logical3A_127 = arith.shrui %get3A_124, %shift_right_logical3A_126 : vector<16xi32>
      %and3A_128 = arith.constant 63 : i32
      %and3A_129 = vector.broadcast %and3A_128 : i32 to vector<16xi32>
      %and3A_130 = arith.andi %get3A_124, %and3A_129 : vector<16xi32>
      %get3A_131 = arith.constant 16 : index
      %get3A_132 = tpu.vector_load %arg9[%get3A_131] {strides = array<i32>} : memref<128xi32, #tpu.memory_space<vmem>>, vector<16xi32>,
      %shift_right_logical3A_133 = arith.constant 6 : i32
      %shift_right_logical3A_134 = vector.broadcast %shift_right_logical3A_133 : i32 to vector<16xi32>
      %shift_right_logical3A_135 = arith.shrui %get3A_132, %shift_right_logical3A_134 : vector<16xi32>
      %and3A_136 = arith.constant 63 : i32
      %and3A_137 = vector.broadcast %and3A_136 : i32 to vector<16xi32>
      %and3A_138 = arith.andi %get3A_132, %and3A_137 : vector<16xi32>
      %gather3A_139 = tpu.vector_load_idx %arg24[%shift_right_logical3A_135, %and3A_138] : memref<160x64xf32, #tpu.memory_space<vmem>>[vector<16xi32>, vector<16xi32>], vector<16xf32>,
      tpu.vector_store_idx %arg18[%shift_right_logical3A_127, %and3A_130], %gather3A_139 {add = true} : memref<160x64xf32, #tpu.memory_space<vmem>>[vector<16xi32>, vector<16xi32>], vector<16xf32>,
      %get3A_140 = arith.constant 32 : index
      %get3A_141 = tpu.vector_load %arg12[%get3A_140] {strides = array<i32>} : memref<128xi32, #tpu.memory_space<vmem>>, vector<16xi32>,
      %shift_right_logical3A_142 = arith.constant 6 : i32
      %shift_right_logical3A_143 = vector.broadcast %shift_right_logical3A_142 : i32 to vector<16xi32>
      %shift_right_logical3A_144 = arith.shrui %get3A_141, %shift_right_logical3A_143 : vector<16xi32>
      %and3A_145 = arith.constant 63 : i32
      %and3A_146 = vector.broadcast %and3A_145 : i32 to vector<16xi32>
      %and3A_147 = arith.andi %get3A_141, %and3A_146 : vector<16xi32>
      %get3A_148 = arith.constant 32 : index
      %get3A_149 = tpu.vector_load %arg9[%get3A_148] {strides = array<i32>} : memref<128xi32, #tpu.memory_space<vmem>>, vector<16xi32>,
      %shift_right_logical3A_150 = arith.constant 6 : i32
      %shift_right_logical3A_151 = vector.broadcast %shift_right_logical3A_150 : i32 to vector<16xi32>
      %shift_right_logical3A_152 = arith.shrui %get3A_149, %shift_right_logical3A_151 : vector<16xi32>
      %and3A_153 = arith.constant 63 : i32
      %and3A_154 = vector.broadcast %and3A_153 : i32 to vector<16xi32>
      %and3A_155 = arith.andi %get3A_149, %and3A_154 : vector<16xi32>
      %gather3A_156 = tpu.vector_load_idx %arg24[%shift_right_logical3A_152, %and3A_155] : memref<160x64xf32, #tpu.memory_space<vmem>>[vector<16xi32>, vector<16xi32>], vector<16xf32>,
      tpu.vector_store_idx %arg18[%shift_right_logical3A_144, %and3A_147], %gather3A_156 {add = true} : memref<160x64xf32, #tpu.memory_space<vmem>>[vector<16xi32>, vector<16xi32>], vector<16xf32>,
      %get3A_157 = arith.constant 48 : index
      %get3A_158 = tpu.vector_load %arg12[%get3A_157] {strides = array<i32>} : memref<128xi32, #tpu.memory_space<vmem>>, vector<16xi32>,
      %shift_right_logical3A_159 = arith.constant 6 : i32
      %shift_right_logical3A_160 = vector.broadcast %shift_right_logical3A_159 : i32 to vector<16xi32>
      %shift_right_logical3A_161 = arith.shrui %get3A_158, %shift_right_logical3A_160 : vector<16xi32>
      %and3A_162 = arith.constant 63 : i32
      %and3A_163 = vector.broadcast %and3A_162 : i32 to vector<16xi32>
      %and3A_164 = arith.andi %get3A_158, %and3A_163 : vector<16xi32>
      %get3A_165 = arith.constant 48 : index
      %get3A_166 = tpu.vector_load %arg9[%get3A_165] {strides = array<i32>} : memref<128xi32, #tpu.memory_space<vmem>>, vector<16xi32>,
      %shift_right_logical3A_167 = arith.constant 6 : i32
      %shift_right_logical3A_168 = vector.broadcast %shift_right_logical3A_167 : i32 to vector<16xi32>
      %shift_right_logical3A_169 = arith.shrui %get3A_166, %shift_right_logical3A_168 : vector<16xi32>
      %and3A_170 = arith.constant 63 : i32
      %and3A_171 = vector.broadcast %and3A_170 : i32 to vector<16xi32>
      %and3A_172 = arith.andi %get3A_166, %and3A_171 : vector<16xi32>
      %gather3A_173 = tpu.vector_load_idx %arg24[%shift_right_logical3A_169, %and3A_172] : memref<160x64xf32, #tpu.memory_space<vmem>>[vector<16xi32>, vector<16xi32>], vector<16xf32>,
      tpu.vector_store_idx %arg18[%shift_right_logical3A_161, %and3A_164], %gather3A_173 {add = true} : memref<160x64xf32, #tpu.memory_space<vmem>>[vector<16xi32>, vector<16xi32>], vector<16xf32>,
      %get3A_174 = arith.constant 64 : index
      %get3A_175 = tpu.vector_load %arg12[%get3A_174] {strides = array<i32>} : memref<128xi32, #tpu.memory_space<vmem>>, vector<16xi32>,
      %shift_right_logical3A_176 = arith.constant 6 : i32
      %shift_right_logical3A_177 = vector.broadcast %shift_right_logical3A_176 : i32 to vector<16xi32>
      %shift_right_logical3A_178 = arith.shrui %get3A_175, %shift_right_logical3A_177 : vector<16xi32>
      %and3A_179 = arith.constant 63 : i32
      %and3A_180 = vector.broadcast %and3A_179 : i32 to vector<16xi32>
      %and3A_181 = arith.andi %get3A_175, %and3A_180 : vector<16xi32>
      %get3A_182 = arith.constant 64 : index
      %get3A_183 = tpu.vector_load %arg9[%get3A_182] {strides = array<i32>} : memref<128xi32, #tpu.memory_space<vmem>>, vector<16xi32>,
      %shift_right_logical3A_184 = arith.constant 6 : i32
      %shift_right_logical3A_185 = vector.broadcast %shift_right_logical3A_184 : i32 to vector<16xi32>
      %shift_right_logical3A_186 = arith.shrui %get3A_183, %shift_right_logical3A_185 : vector<16xi32>
      %and3A_187 = arith.constant 63 : i32
      %and3A_188 = vector.broadcast %and3A_187 : i32 to vector<16xi32>
      %and3A_189 = arith.andi %get3A_183, %and3A_188 : vector<16xi32>
      %gather3A_190 = tpu.vector_load_idx %arg24[%shift_right_logical3A_186, %and3A_189] : memref<160x64xf32, #tpu.memory_space<vmem>>[vector<16xi32>, vector<16xi32>], vector<16xf32>,
      tpu.vector_store_idx %arg18[%shift_right_logical3A_178, %and3A_181], %gather3A_190 {add = true} : memref<160x64xf32, #tpu.memory_space<vmem>>[vector<16xi32>, vector<16xi32>], vector<16xf32>,
      %get3A_191 = arith.constant 80 : index
      %get3A_192 = tpu.vector_load %arg12[%get3A_191] {strides = array<i32>} : memref<128xi32, #tpu.memory_space<vmem>>, vector<16xi32>,
      %shift_right_logical3A_193 = arith.constant 6 : i32
      %shift_right_logical3A_194 = vector.broadcast %shift_right_logical3A_193 : i32 to vector<16xi32>
      %shift_right_logical3A_195 = arith.shrui %get3A_192, %shift_right_logical3A_194 : vector<16xi32>
      %and3A_196 = arith.constant 63 : i32
      %and3A_197 = vector.broadcast %and3A_196 : i32 to vector<16xi32>
      %and3A_198 = arith.andi %get3A_192, %and3A_197 : vector<16xi32>
      %get3A_199 = arith.constant 80 : index
      %get3A_200 = tpu.vector_load %arg9[%get3A_199] {strides = array<i32>} : memref<128xi32, #tpu.memory_space<vmem>>, vector<16xi32>,
      %shift_right_logical3A_201 = arith.constant 6 : i32
      %shift_right_logical3A_202 = vector.broadcast %shift_right_logical3A_201 : i32 to vector<16xi32>
      %shift_right_logical3A_203 = arith.shrui %get3A_200, %shift_right_logical3A_202 : vector<16xi32>
      %and3A_204 = arith.constant 63 : i32
      %and3A_205 = vector.broadcast %and3A_204 : i32 to vector<16xi32>
      %and3A_206 = arith.andi %get3A_200, %and3A_205 : vector<16xi32>
      %gather3A_207 = tpu.vector_load_idx %arg24[%shift_right_logical3A_203, %and3A_206] : memref<160x64xf32, #tpu.memory_space<vmem>>[vector<16xi32>, vector<16xi32>], vector<16xf32>,
      tpu.vector_store_idx %arg18[%shift_right_logical3A_195, %and3A_198], %gather3A_207 {add = true} : memref<160x64xf32, #tpu.memory_space<vmem>>[vector<16xi32>, vector<16xi32>], vector<16xf32>,
      %get3A_208 = arith.constant 96 : index
      %get3A_209 = tpu.vector_load %arg12[%get3A_208] {strides = array<i32>} : memref<128xi32, #tpu.memory_space<vmem>>, vector<16xi32>,
      %shift_right_logical3A_210 = arith.constant 6 : i32
      %shift_right_logical3A_211 = vector.broadcast %shift_right_logical3A_210 : i32 to vector<16xi32>
      %shift_right_logical3A_212 = arith.shrui %get3A_209, %shift_right_logical3A_211 : vector<16xi32>
      %and3A_213 = arith.constant 63 : i32
      %and3A_214 = vector.broadcast %and3A_213 : i32 to vector<16xi32>
      %and3A_215 = arith.andi %get3A_209, %and3A_214 : vector<16xi32>
      %get3A_216 = arith.constant 96 : index
      %get3A_217 = tpu.vector_load %arg9[%get3A_216] {strides = array<i32>} : memref<128xi32, #tpu.memory_space<vmem>>, vector<16xi32>,
      %shift_right_logical3A_218 = arith.constant 6 : i32
      %shift_right_logical3A_219 = vector.broadcast %shift_right_logical3A_218 : i32 to vector<16xi32>
      %shift_right_logical3A_220 = arith.shrui %get3A_217, %shift_right_logical3A_219 : vector<16xi32>
      %and3A_221 = arith.constant 63 : i32
      %and3A_222 = vector.broadcast %and3A_221 : i32 to vector<16xi32>
      %and3A_223 = arith.andi %get3A_217, %and3A_222 : vector<16xi32>
      %gather3A_224 = tpu.vector_load_idx %arg24[%shift_right_logical3A_220, %and3A_223] : memref<160x64xf32, #tpu.memory_space<vmem>>[vector<16xi32>, vector<16xi32>], vector<16xf32>,
      tpu.vector_store_idx %arg18[%shift_right_logical3A_212, %and3A_215], %gather3A_224 {add = true} : memref<160x64xf32, #tpu.memory_space<vmem>>[vector<16xi32>, vector<16xi32>], vector<16xf32>,
      %get3A_225 = arith.constant 112 : index
      %get3A_226 = tpu.vector_load %arg12[%get3A_225] {strides = array<i32>} : memref<128xi32, #tpu.memory_space<vmem>>, vector<16xi32>,
      %shift_right_logical3A_227 = arith.constant 6 : i32
      %shift_right_logical3A_228 = vector.broadcast %shift_right_logical3A_227 : i32 to vector<16xi32>
      %shift_right_logical3A_229 = arith.shrui %get3A_226, %shift_right_logical3A_228 : vector<16xi32>
      %and3A_230 = arith.constant 63 : i32
      %and3A_231 = vector.broadcast %and3A_230 : i32 to vector<16xi32>
      %and3A_232 = arith.andi %get3A_226, %and3A_231 : vector<16xi32>
      %get3A_233 = arith.constant 112 : index
      %get3A_234 = tpu.vector_load %arg9[%get3A_233] {strides = array<i32>} : memref<128xi32, #tpu.memory_space<vmem>>, vector<16xi32>,
      %shift_right_logical3A_235 = arith.constant 6 : i32
      %shift_right_logical3A_236 = vector.broadcast %shift_right_logical3A_235 : i32 to vector<16xi32>
      %shift_right_logical3A_237 = arith.shrui %get3A_234, %shift_right_logical3A_236 : vector<16xi32>
      %and3A_238 = arith.constant 63 : i32
      %and3A_239 = vector.broadcast %and3A_238 : i32 to vector<16xi32>
      %and3A_240 = arith.andi %get3A_234, %and3A_239 : vector<16xi32>
      %gather3A_241 = tpu.vector_load_idx %arg24[%shift_right_logical3A_237, %and3A_240] : memref<160x64xf32, #tpu.memory_space<vmem>>[vector<16xi32>, vector<16xi32>], vector<16xf32>,
      tpu.vector_store_idx %arg18[%shift_right_logical3A_229, %and3A_232], %gather3A_241 {add = true} : memref<160x64xf32, #tpu.memory_space<vmem>>[vector<16xi32>, vector<16xi32>], vector<16xf32>,
      %mul3A_242 = arith.constant 3 : i32
      %mul3A_243 = arith.muli %scan3A_82, %mul3A_242 : i32
      %add3A_244 = arith.constant 1 : i32
      %add3A_245 = arith.addi %mul3A_243, %add3A_244 : i32
      %ge3A_246 = arith.constant 1 : i32
      %ge3A_247 = arith.cmpi sge, %add3A_245, %ge3A_246 : i32
      %convert_element_type3A_248 = arith.extui %ge3A_247 : i1 to i32
      %cond3A_249 = arith.constant 0 : i32
      %cond3A_250 = arith.cmpi ne, %convert_element_type3A_248, %cond3A_249 : i32
      scf.if %cond3A_250 {
        %dma_wait3A_572 = arith.constant 0 : i32
        %dma_wait3A_573 = arith.constant 0 : i32
        %dma_wait3A_574 = tpu.memref_slice %arg22[%dma_wait3A_572, %dma_wait3A_573] : memref<10240x64xf32, #tpu.memory_space<vmem_shared>> -> memref<10240x64xf32, #tpu.memory_space<vmem_shared>>
        tpu.wait_indirect_dma semaphore(%arg31 : memref<!tpu.dma_semaphore, #tpu.memory_space<semaphore_mem>>) src(%arg15 : memref<128x64xf32, #tpu.memory_space<vmem>>) dst(%dma_wait3A_574 : memref<10240x64xf32, #tpu.memory_space<vmem_shared>>)
      } else {
      }
      %add3A_251 = arith.constant 2 : i32
      %add3A_252 = arith.addi %add3A_245, %add3A_251 : i32
      %lt3A_253 = arith.constant 159 : i32
      %lt3A_254 = arith.cmpi slt, %add3A_252, %lt3A_253 : i32
      %convert_element_type3A_255 = arith.extui %lt3A_254 : i1 to i32
      %cond3A_256 = arith.constant 0 : i32
      %cond3A_257 = arith.cmpi ne, %convert_element_type3A_255, %cond3A_256 : i32
      scf.if %cond3A_257 {
        %add3A_572 = arith.addi %mul3A_0, %add3A_245 : i32
        %add3A_573 = arith.constant 2 : i32
        %add3A_574 = arith.addi %add3A_572, %add3A_573 : i32
        %dma_start3A_575 = arith.constant 0 : i32
        %dma_start3A_576 = tpu.memref_slice %arg3[%add3A_574, %dma_start3A_575] : memref<2544x128xi32, #tpu.memory_space<hbm>> -> memref<1x128xi32, #tpu.memory_space<hbm>>
        %dma_start3A_577 = tpu.memref_squeeze %dma_start3A_576 : memref<1x128xi32, #tpu.memory_space<hbm>> -> memref<128xi32, #tpu.memory_space<hbm>>
        %dma_start3A_578 = arith.constant 0 : i32
        %dma_start3A_579 = tpu.memref_slice %arg3[%add3A_574, %dma_start3A_578] : memref<2544x128xi32, #tpu.memory_space<hbm>> -> memref<1x128xi32, #tpu.memory_space<hbm>>
        %dma_start3A_580 = tpu.memref_squeeze %dma_start3A_579 : memref<1x128xi32, #tpu.memory_space<hbm>> -> memref<128xi32, #tpu.memory_space<hbm>>
        tpu.enqueue_dma source(%dma_start3A_580 : memref<128xi32, #tpu.memory_space<hbm>>) target(%arg9 : memref<128xi32, #tpu.memory_space<vmem>>) target_semaphore(%arg25 : memref<!tpu.dma_semaphore, #tpu.memory_space<semaphore_mem>>)
        %add3A_581 = arith.addi %mul3A_0, %add3A_245 : i32
        %add3A_582 = arith.constant 2 : i32
        %add3A_583 = arith.addi %add3A_581, %add3A_582 : i32
        %dma_start3A_584 = arith.constant 0 : i32
        %dma_start3A_585 = tpu.memref_slice %arg4[%add3A_583, %dma_start3A_584] : memref<2544x128xi32, #tpu.memory_space<hbm>> -> memref<1x128xi32, #tpu.memory_space<hbm>>
        %dma_start3A_586 = tpu.memref_squeeze %dma_start3A_585 : memref<1x128xi32, #tpu.memory_space<hbm>> -> memref<128xi32, #tpu.memory_space<hbm>>
        %dma_start3A_587 = arith.constant 0 : i32
        %dma_start3A_588 = tpu.memref_slice %arg4[%add3A_583, %dma_start3A_587] : memref<2544x128xi32, #tpu.memory_space<hbm>> -> memref<1x128xi32, #tpu.memory_space<hbm>>
        %dma_start3A_589 = tpu.memref_squeeze %dma_start3A_588 : memref<1x128xi32, #tpu.memory_space<hbm>> -> memref<128xi32, #tpu.memory_space<hbm>>
        tpu.enqueue_dma source(%dma_start3A_589 : memref<128xi32, #tpu.memory_space<hbm>>) target(%arg12 : memref<128xi32, #tpu.memory_space<vmem>>) target_semaphore(%arg25 : memref<!tpu.dma_semaphore, #tpu.memory_space<semaphore_mem>>)
      } else {
      }
      %dma_wait3A_258 = arith.constant 0 : i32
      %dma_wait3A_259 = arith.constant 0 : i32
      %dma_wait3A_260 = tpu.memref_slice %arg21[%dma_wait3A_258, %dma_wait3A_259] : memref<10240x64xf32, #tpu.memory_space<vmem_shared>> -> memref<10240x64xf32, #tpu.memory_space<vmem_shared>>
      tpu.wait_indirect_dma semaphore(%arg29 : memref<!tpu.dma_semaphore, #tpu.memory_space<semaphore_mem>>) src(%dma_wait3A_260 : memref<10240x64xf32, #tpu.memory_space<vmem_shared>>) dst(%arg16 : memref<128x64xf32, #tpu.memory_space<vmem>>)
      %dma_start3A_261 = arith.constant 0 : i32
      %dma_start3A_262 = arith.constant 0 : i32
      %dma_start3A_263 = tpu.memref_slice %arg22[%dma_start3A_261, %dma_start3A_262] : memref<10240x64xf32, #tpu.memory_space<vmem_shared>> -> memref<10240x64xf32, #tpu.memory_space<vmem_shared>>
      tpu.enqueue_indirect_dma source(%arg16 : memref<128x64xf32, #tpu.memory_space<vmem>>) target(%dma_start3A_263 : memref<10240x64xf32, #tpu.memory_space<vmem_shared>>) offsets(%arg13 : memref<128xi32, #tpu.memory_space<vmem>>) semaphore(%arg32 : memref<!tpu.dma_semaphore, #tpu.memory_space<semaphore_mem>>) {add = true}
      %add3A_264 = arith.constant 1 : i32
      %add3A_265 = arith.addi %add3A_245, %add3A_264 : i32
      %lt3A_266 = arith.constant 159 : i32
      %lt3A_267 = arith.cmpi slt, %add3A_265, %lt3A_266 : i32
      %convert_element_type3A_268 = arith.extui %lt3A_267 : i1 to i32
      %cond3A_269 = arith.constant 0 : i32
      %cond3A_270 = arith.cmpi ne, %convert_element_type3A_268, %cond3A_269 : i32
      scf.if %cond3A_270 {
        %dma_wait3A_572 = arith.constant 0 : i32
        %dma_wait3A_573 = tpu.memref_slice %arg3[%mul3A_0, %dma_wait3A_572] : memref<2544x128xi32, #tpu.memory_space<hbm>> -> memref<1x128xi32, #tpu.memory_space<hbm>>
        %dma_wait3A_574 = tpu.memref_squeeze %dma_wait3A_573 : memref<1x128xi32, #tpu.memory_space<hbm>> -> memref<128xi32, #tpu.memory_space<hbm>>
        %dma_wait3A_575 = arith.constant 0 : i32
        %dma_wait3A_576 = tpu.memref_slice %arg3[%mul3A_0, %dma_wait3A_575] : memref<2544x128xi32, #tpu.memory_space<hbm>> -> memref<1x128xi32, #tpu.memory_space<hbm>>
        %dma_wait3A_577 = tpu.memref_squeeze %dma_wait3A_576 : memref<1x128xi32, #tpu.memory_space<hbm>> -> memref<128xi32, #tpu.memory_space<hbm>>
        tpu.wait_dma2 semaphore(%arg27 : memref<!tpu.dma_semaphore, #tpu.memory_space<semaphore_mem>>) src(%dma_wait3A_577 : memref<128xi32, #tpu.memory_space<hbm>>) dst(%arg11 : memref<128xi32, #tpu.memory_space<vmem>>)
        %dma_wait3A_578 = arith.constant 0 : i32
        %dma_wait3A_579 = tpu.memref_slice %arg4[%mul3A_0, %dma_wait3A_578] : memref<2544x128xi32, #tpu.memory_space<hbm>> -> memref<1x128xi32, #tpu.memory_space<hbm>>
        %dma_wait3A_580 = tpu.memref_squeeze %dma_wait3A_579 : memref<1x128xi32, #tpu.memory_space<hbm>> -> memref<128xi32, #tpu.memory_space<hbm>>
        %dma_wait3A_581 = arith.constant 0 : i32
        %dma_wait3A_582 = tpu.memref_slice %arg4[%mul3A_0, %dma_wait3A_581] : memref<2544x128xi32, #tpu.memory_space<hbm>> -> memref<1x128xi32, #tpu.memory_space<hbm>>
        %dma_wait3A_583 = tpu.memref_squeeze %dma_wait3A_582 : memref<1x128xi32, #tpu.memory_space<hbm>> -> memref<128xi32, #tpu.memory_space<hbm>>
        tpu.wait_dma2 semaphore(%arg27 : memref<!tpu.dma_semaphore, #tpu.memory_space<semaphore_mem>>) src(%dma_wait3A_583 : memref<128xi32, #tpu.memory_space<hbm>>) dst(%arg14 : memref<128xi32, #tpu.memory_space<vmem>>)
        %dma_start3A_584 = arith.constant 0 : i32
        %dma_start3A_585 = arith.constant 0 : i32
        %dma_start3A_586 = tpu.memref_slice %arg21[%dma_start3A_584, %dma_start3A_585] : memref<10240x64xf32, #tpu.memory_space<vmem_shared>> -> memref<10240x64xf32, #tpu.memory_space<vmem_shared>>
        tpu.enqueue_indirect_dma source(%dma_start3A_586 : memref<10240x64xf32, #tpu.memory_space<vmem_shared>>) target(%arg17 : memref<128x64xf32, #tpu.memory_space<vmem>>) offsets(%arg11 : memref<128xi32, #tpu.memory_space<vmem>>) semaphore(%arg30 : memref<!tpu.dma_semaphore, #tpu.memory_space<semaphore_mem>>)
      } else {
      }
      %get3A_271 = arith.constant 0 : index
      %get3A_272 = tpu.vector_load %arg13[%get3A_271] {strides = array<i32>} : memref<128xi32, #tpu.memory_space<vmem>>, vector<16xi32>,
      %shift_right_logical3A_273 = arith.constant 6 : i32
      %shift_right_logical3A_274 = vector.broadcast %shift_right_logical3A_273 : i32 to vector<16xi32>
      %shift_right_logical3A_275 = arith.shrui %get3A_272, %shift_right_logical3A_274 : vector<16xi32>
      %and3A_276 = arith.constant 63 : i32
      %and3A_277 = vector.broadcast %and3A_276 : i32 to vector<16xi32>
      %and3A_278 = arith.andi %get3A_272, %and3A_277 : vector<16xi32>
      %get3A_279 = arith.constant 0 : index
      %get3A_280 = tpu.vector_load %arg10[%get3A_279] {strides = array<i32>} : memref<128xi32, #tpu.memory_space<vmem>>, vector<16xi32>,
      %shift_right_logical3A_281 = arith.constant 6 : i32
      %shift_right_logical3A_282 = vector.broadcast %shift_right_logical3A_281 : i32 to vector<16xi32>
      %shift_right_logical3A_283 = arith.shrui %get3A_280, %shift_right_logical3A_282 : vector<16xi32>
      %and3A_284 = arith.constant 63 : i32
      %and3A_285 = vector.broadcast %and3A_284 : i32 to vector<16xi32>
      %and3A_286 = arith.andi %get3A_280, %and3A_285 : vector<16xi32>
      %gather3A_287 = tpu.vector_load_idx %arg24[%shift_right_logical3A_283, %and3A_286] : memref<160x64xf32, #tpu.memory_space<vmem>>[vector<16xi32>, vector<16xi32>], vector<16xf32>,
      tpu.vector_store_idx %arg18[%shift_right_logical3A_275, %and3A_278], %gather3A_287 {add = true} : memref<160x64xf32, #tpu.memory_space<vmem>>[vector<16xi32>, vector<16xi32>], vector<16xf32>,
      %get3A_288 = arith.constant 16 : index
      %get3A_289 = tpu.vector_load %arg13[%get3A_288] {strides = array<i32>} : memref<128xi32, #tpu.memory_space<vmem>>, vector<16xi32>,
      %shift_right_logical3A_290 = arith.constant 6 : i32
      %shift_right_logical3A_291 = vector.broadcast %shift_right_logical3A_290 : i32 to vector<16xi32>
      %shift_right_logical3A_292 = arith.shrui %get3A_289, %shift_right_logical3A_291 : vector<16xi32>
      %and3A_293 = arith.constant 63 : i32
      %and3A_294 = vector.broadcast %and3A_293 : i32 to vector<16xi32>
      %and3A_295 = arith.andi %get3A_289, %and3A_294 : vector<16xi32>
      %get3A_296 = arith.constant 16 : index
      %get3A_297 = tpu.vector_load %arg10[%get3A_296] {strides = array<i32>} : memref<128xi32, #tpu.memory_space<vmem>>, vector<16xi32>,
      %shift_right_logical3A_298 = arith.constant 6 : i32
      %shift_right_logical3A_299 = vector.broadcast %shift_right_logical3A_298 : i32 to vector<16xi32>
      %shift_right_logical3A_300 = arith.shrui %get3A_297, %shift_right_logical3A_299 : vector<16xi32>
      %and3A_301 = arith.constant 63 : i32
      %and3A_302 = vector.broadcast %and3A_301 : i32 to vector<16xi32>
      %and3A_303 = arith.andi %get3A_297, %and3A_302 : vector<16xi32>
      %gather3A_304 = tpu.vector_load_idx %arg24[%shift_right_logical3A_300, %and3A_303] : memref<160x64xf32, #tpu.memory_space<vmem>>[vector<16xi32>, vector<16xi32>], vector<16xf32>,
      tpu.vector_store_idx %arg18[%shift_right_logical3A_292, %and3A_295], %gather3A_304 {add = true} : memref<160x64xf32, #tpu.memory_space<vmem>>[vector<16xi32>, vector<16xi32>], vector<16xf32>,
      %get3A_305 = arith.constant 32 : index
      %get3A_306 = tpu.vector_load %arg13[%get3A_305] {strides = array<i32>} : memref<128xi32, #tpu.memory_space<vmem>>, vector<16xi32>,
      %shift_right_logical3A_307 = arith.constant 6 : i32
      %shift_right_logical3A_308 = vector.broadcast %shift_right_logical3A_307 : i32 to vector<16xi32>
      %shift_right_logical3A_309 = arith.shrui %get3A_306, %shift_right_logical3A_308 : vector<16xi32>
      %and3A_310 = arith.constant 63 : i32
      %and3A_311 = vector.broadcast %and3A_310 : i32 to vector<16xi32>
      %and3A_312 = arith.andi %get3A_306, %and3A_311 : vector<16xi32>
      %get3A_313 = arith.constant 32 : index
      %get3A_314 = tpu.vector_load %arg10[%get3A_313] {strides = array<i32>} : memref<128xi32, #tpu.memory_space<vmem>>, vector<16xi32>,
      %shift_right_logical3A_315 = arith.constant 6 : i32
      %shift_right_logical3A_316 = vector.broadcast %shift_right_logical3A_315 : i32 to vector<16xi32>
      %shift_right_logical3A_317 = arith.shrui %get3A_314, %shift_right_logical3A_316 : vector<16xi32>
      %and3A_318 = arith.constant 63 : i32
      %and3A_319 = vector.broadcast %and3A_318 : i32 to vector<16xi32>
      %and3A_320 = arith.andi %get3A_314, %and3A_319 : vector<16xi32>
      %gather3A_321 = tpu.vector_load_idx %arg24[%shift_right_logical3A_317, %and3A_320] : memref<160x64xf32, #tpu.memory_space<vmem>>[vector<16xi32>, vector<16xi32>], vector<16xf32>,
      tpu.vector_store_idx %arg18[%shift_right_logical3A_309, %and3A_312], %gather3A_321 {add = true} : memref<160x64xf32, #tpu.memory_space<vmem>>[vector<16xi32>, vector<16xi32>], vector<16xf32>,
      %get3A_322 = arith.constant 48 : index
      %get3A_323 = tpu.vector_load %arg13[%get3A_322] {strides = array<i32>} : memref<128xi32, #tpu.memory_space<vmem>>, vector<16xi32>,
      %shift_right_logical3A_324 = arith.constant 6 : i32
      %shift_right_logical3A_325 = vector.broadcast %shift_right_logical3A_324 : i32 to vector<16xi32>
      %shift_right_logical3A_326 = arith.shrui %get3A_323, %shift_right_logical3A_325 : vector<16xi32>
      %and3A_327 = arith.constant 63 : i32
      %and3A_328 = vector.broadcast %and3A_327 : i32 to vector<16xi32>
      %and3A_329 = arith.andi %get3A_323, %and3A_328 : vector<16xi32>
      %get3A_330 = arith.constant 48 : index
      %get3A_331 = tpu.vector_load %arg10[%get3A_330] {strides = array<i32>} : memref<128xi32, #tpu.memory_space<vmem>>, vector<16xi32>,
      %shift_right_logical3A_332 = arith.constant 6 : i32
      %shift_right_logical3A_333 = vector.broadcast %shift_right_logical3A_332 : i32 to vector<16xi32>
      %shift_right_logical3A_334 = arith.shrui %get3A_331, %shift_right_logical3A_333 : vector<16xi32>
      %and3A_335 = arith.constant 63 : i32
      %and3A_336 = vector.broadcast %and3A_335 : i32 to vector<16xi32>
      %and3A_337 = arith.andi %get3A_331, %and3A_336 : vector<16xi32>
      %gather3A_338 = tpu.vector_load_idx %arg24[%shift_right_logical3A_334, %and3A_337] : memref<160x64xf32, #tpu.memory_space<vmem>>[vector<16xi32>, vector<16xi32>], vector<16xf32>,
      tpu.vector_store_idx %arg18[%shift_right_logical3A_326, %and3A_329], %gather3A_338 {add = true} : memref<160x64xf32, #tpu.memory_space<vmem>>[vector<16xi32>, vector<16xi32>], vector<16xf32>,
      %get3A_339 = arith.constant 64 : index
      %get3A_340 = tpu.vector_load %arg13[%get3A_339] {strides = array<i32>} : memref<128xi32, #tpu.memory_space<vmem>>, vector<16xi32>,
      %shift_right_logical3A_341 = arith.constant 6 : i32
      %shift_right_logical3A_342 = vector.broadcast %shift_right_logical3A_341 : i32 to vector<16xi32>
      %shift_right_logical3A_343 = arith.shrui %get3A_340, %shift_right_logical3A_342 : vector<16xi32>
      %and3A_344 = arith.constant 63 : i32
      %and3A_345 = vector.broadcast %and3A_344 : i32 to vector<16xi32>
      %and3A_346 = arith.andi %get3A_340, %and3A_345 : vector<16xi32>
      %get3A_347 = arith.constant 64 : index
      %get3A_348 = tpu.vector_load %arg10[%get3A_347] {strides = array<i32>} : memref<128xi32, #tpu.memory_space<vmem>>, vector<16xi32>,
      %shift_right_logical3A_349 = arith.constant 6 : i32
      %shift_right_logical3A_350 = vector.broadcast %shift_right_logical3A_349 : i32 to vector<16xi32>
      %shift_right_logical3A_351 = arith.shrui %get3A_348, %shift_right_logical3A_350 : vector<16xi32>
      %and3A_352 = arith.constant 63 : i32
      %and3A_353 = vector.broadcast %and3A_352 : i32 to vector<16xi32>
      %and3A_354 = arith.andi %get3A_348, %and3A_353 : vector<16xi32>
      %gather3A_355 = tpu.vector_load_idx %arg24[%shift_right_logical3A_351, %and3A_354] : memref<160x64xf32, #tpu.memory_space<vmem>>[vector<16xi32>, vector<16xi32>], vector<16xf32>,
      tpu.vector_store_idx %arg18[%shift_right_logical3A_343, %and3A_346], %gather3A_355 {add = true} : memref<160x64xf32, #tpu.memory_space<vmem>>[vector<16xi32>, vector<16xi32>], vector<16xf32>,
      %get3A_356 = arith.constant 80 : index
      %get3A_357 = tpu.vector_load %arg13[%get3A_356] {strides = array<i32>} : memref<128xi32, #tpu.memory_space<vmem>>, vector<16xi32>,
      %shift_right_logical3A_358 = arith.constant 6 : i32
      %shift_right_logical3A_359 = vector.broadcast %shift_right_logical3A_358 : i32 to vector<16xi32>
      %shift_right_logical3A_360 = arith.shrui %get3A_357, %shift_right_logical3A_359 : vector<16xi32>
      %and3A_361 = arith.constant 63 : i32
      %and3A_362 = vector.broadcast %and3A_361 : i32 to vector<16xi32>
      %and3A_363 = arith.andi %get3A_357, %and3A_362 : vector<16xi32>
      %get3A_364 = arith.constant 80 : index
      %get3A_365 = tpu.vector_load %arg10[%get3A_364] {strides = array<i32>} : memref<128xi32, #tpu.memory_space<vmem>>, vector<16xi32>,
      %shift_right_logical3A_366 = arith.constant 6 : i32
      %shift_right_logical3A_367 = vector.broadcast %shift_right_logical3A_366 : i32 to vector<16xi32>
      %shift_right_logical3A_368 = arith.shrui %get3A_365, %shift_right_logical3A_367 : vector<16xi32>
      %and3A_369 = arith.constant 63 : i32
      %and3A_370 = vector.broadcast %and3A_369 : i32 to vector<16xi32>
      %and3A_371 = arith.andi %get3A_365, %and3A_370 : vector<16xi32>
      %gather3A_372 = tpu.vector_load_idx %arg24[%shift_right_logical3A_368, %and3A_371] : memref<160x64xf32, #tpu.memory_space<vmem>>[vector<16xi32>, vector<16xi32>], vector<16xf32>,
      tpu.vector_store_idx %arg18[%shift_right_logical3A_360, %and3A_363], %gather3A_372 {add = true} : memref<160x64xf32, #tpu.memory_space<vmem>>[vector<16xi32>, vector<16xi32>], vector<16xf32>,
      %get3A_373 = arith.constant 96 : index
      %get3A_374 = tpu.vector_load %arg13[%get3A_373] {strides = array<i32>} : memref<128xi32, #tpu.memory_space<vmem>>, vector<16xi32>,
      %shift_right_logical3A_375 = arith.constant 6 : i32
      %shift_right_logical3A_376 = vector.broadcast %shift_right_logical3A_375 : i32 to vector<16xi32>
      %shift_right_logical3A_377 = arith.shrui %get3A_374, %shift_right_logical3A_376 : vector<16xi32>
      %and3A_378 = arith.constant 63 : i32
      %and3A_379 = vector.broadcast %and3A_378 : i32 to vector<16xi32>
      %and3A_380 = arith.andi %get3A_374, %and3A_379 : vector<16xi32>
      %get3A_381 = arith.constant 96 : index
      %get3A_382 = tpu.vector_load %arg10[%get3A_381] {strides = array<i32>} : memref<128xi32, #tpu.memory_space<vmem>>, vector<16xi32>,
      %shift_right_logical3A_383 = arith.constant 6 : i32
      %shift_right_logical3A_384 = vector.broadcast %shift_right_logical3A_383 : i32 to vector<16xi32>
      %shift_right_logical3A_385 = arith.shrui %get3A_382, %shift_right_logical3A_384 : vector<16xi32>
      %and3A_386 = arith.constant 63 : i32
      %and3A_387 = vector.broadcast %and3A_386 : i32 to vector<16xi32>
      %and3A_388 = arith.andi %get3A_382, %and3A_387 : vector<16xi32>
      %gather3A_389 = tpu.vector_load_idx %arg24[%shift_right_logical3A_385, %and3A_388] : memref<160x64xf32, #tpu.memory_space<vmem>>[vector<16xi32>, vector<16xi32>], vector<16xf32>,
      tpu.vector_store_idx %arg18[%shift_right_logical3A_377, %and3A_380], %gather3A_389 {add = true} : memref<160x64xf32, #tpu.memory_space<vmem>>[vector<16xi32>, vector<16xi32>], vector<16xf32>,
      %get3A_390 = arith.constant 112 : index
      %get3A_391 = tpu.vector_load %arg13[%get3A_390] {strides = array<i32>} : memref<128xi32, #tpu.memory_space<vmem>>, vector<16xi32>,
      %shift_right_logical3A_392 = arith.constant 6 : i32
      %shift_right_logical3A_393 = vector.broadcast %shift_right_logical3A_392 : i32 to vector<16xi32>
      %shift_right_logical3A_394 = arith.shrui %get3A_391, %shift_right_logical3A_393 : vector<16xi32>
      %and3A_395 = arith.constant 63 : i32
      %and3A_396 = vector.broadcast %and3A_395 : i32 to vector<16xi32>
      %and3A_397 = arith.andi %get3A_391, %and3A_396 : vector<16xi32>
      %get3A_398 = arith.constant 112 : index
      %get3A_399 = tpu.vector_load %arg10[%get3A_398] {strides = array<i32>} : memref<128xi32, #tpu.memory_space<vmem>>, vector<16xi32>,
      %shift_right_logical3A_400 = arith.constant 6 : i32
      %shift_right_logical3A_401 = vector.broadcast %shift_right_logical3A_400 : i32 to vector<16xi32>
      %shift_right_logical3A_402 = arith.shrui %get3A_399, %shift_right_logical3A_401 : vector<16xi32>
      %and3A_403 = arith.constant 63 : i32
      %and3A_404 = vector.broadcast %and3A_403 : i32 to vector<16xi32>
      %and3A_405 = arith.andi %get3A_399, %and3A_404 : vector<16xi32>
      %gather3A_406 = tpu.vector_load_idx %arg24[%shift_right_logical3A_402, %and3A_405] : memref<160x64xf32, #tpu.memory_space<vmem>>[vector<16xi32>, vector<16xi32>], vector<16xf32>,
      tpu.vector_store_idx %arg18[%shift_right_logical3A_394, %and3A_397], %gather3A_406 {add = true} : memref<160x64xf32, #tpu.memory_space<vmem>>[vector<16xi32>, vector<16xi32>], vector<16xf32>,
      %mul3A_407 = arith.constant 3 : i32
      %mul3A_408 = arith.muli %scan3A_82, %mul3A_407 : i32
      %add3A_409 = arith.constant 2 : i32
      %add3A_410 = arith.addi %mul3A_408, %add3A_409 : i32
      %ge3A_411 = arith.constant 1 : i32
      %ge3A_412 = arith.cmpi sge, %add3A_410, %ge3A_411 : i32
      %convert_element_type3A_413 = arith.extui %ge3A_412 : i1 to i32
      %cond3A_414 = arith.constant 0 : i32
      %cond3A_415 = arith.cmpi ne, %convert_element_type3A_413, %cond3A_414 : i32
      scf.if %cond3A_415 {
        %dma_wait3A_572 = arith.constant 0 : i32
        %dma_wait3A_573 = arith.constant 0 : i32
        %dma_wait3A_574 = tpu.memref_slice %arg22[%dma_wait3A_572, %dma_wait3A_573] : memref<10240x64xf32, #tpu.memory_space<vmem_shared>> -> memref<10240x64xf32, #tpu.memory_space<vmem_shared>>
        tpu.wait_indirect_dma semaphore(%arg32 : memref<!tpu.dma_semaphore, #tpu.memory_space<semaphore_mem>>) src(%arg16 : memref<128x64xf32, #tpu.memory_space<vmem>>) dst(%dma_wait3A_574 : memref<10240x64xf32, #tpu.memory_space<vmem_shared>>)
      } else {
      }
      %add3A_416 = arith.constant 2 : i32
      %add3A_417 = arith.addi %add3A_410, %add3A_416 : i32
      %lt3A_418 = arith.constant 159 : i32
      %lt3A_419 = arith.cmpi slt, %add3A_417, %lt3A_418 : i32
      %convert_element_type3A_420 = arith.extui %lt3A_419 : i1 to i32
      %cond3A_421 = arith.constant 0 : i32
      %cond3A_422 = arith.cmpi ne, %convert_element_type3A_420, %cond3A_421 : i32
      scf.if %cond3A_422 {
        %add3A_572 = arith.addi %mul3A_0, %add3A_410 : i32
        %add3A_573 = arith.constant 2 : i32
        %add3A_574 = arith.addi %add3A_572, %add3A_573 : i32
        %dma_start3A_575 = arith.constant 0 : i32
        %dma_start3A_576 = tpu.memref_slice %arg3[%add3A_574, %dma_start3A_575] : memref<2544x128xi32, #tpu.memory_space<hbm>> -> memref<1x128xi32, #tpu.memory_space<hbm>>
        %dma_start3A_577 = tpu.memref_squeeze %dma_start3A_576 : memref<1x128xi32, #tpu.memory_space<hbm>> -> memref<128xi32, #tpu.memory_space<hbm>>
        %dma_start3A_578 = arith.constant 0 : i32
        %dma_start3A_579 = tpu.memref_slice %arg3[%add3A_574, %dma_start3A_578] : memref<2544x128xi32, #tpu.memory_space<hbm>> -> memref<1x128xi32, #tpu.memory_space<hbm>>
        %dma_start3A_580 = tpu.memref_squeeze %dma_start3A_579 : memref<1x128xi32, #tpu.memory_space<hbm>> -> memref<128xi32, #tpu.memory_space<hbm>>
        tpu.enqueue_dma source(%dma_start3A_580 : memref<128xi32, #tpu.memory_space<hbm>>) target(%arg10 : memref<128xi32, #tpu.memory_space<vmem>>) target_semaphore(%arg26 : memref<!tpu.dma_semaphore, #tpu.memory_space<semaphore_mem>>)
        %add3A_581 = arith.addi %mul3A_0, %add3A_410 : i32
        %add3A_582 = arith.constant 2 : i32
        %add3A_583 = arith.addi %add3A_581, %add3A_582 : i32
        %dma_start3A_584 = arith.constant 0 : i32
        %dma_start3A_585 = tpu.memref_slice %arg4[%add3A_583, %dma_start3A_584] : memref<2544x128xi32, #tpu.memory_space<hbm>> -> memref<1x128xi32, #tpu.memory_space<hbm>>
        %dma_start3A_586 = tpu.memref_squeeze %dma_start3A_585 : memref<1x128xi32, #tpu.memory_space<hbm>> -> memref<128xi32, #tpu.memory_space<hbm>>
        %dma_start3A_587 = arith.constant 0 : i32
        %dma_start3A_588 = tpu.memref_slice %arg4[%add3A_583, %dma_start3A_587] : memref<2544x128xi32, #tpu.memory_space<hbm>> -> memref<1x128xi32, #tpu.memory_space<hbm>>
        %dma_start3A_589 = tpu.memref_squeeze %dma_start3A_588 : memref<1x128xi32, #tpu.memory_space<hbm>> -> memref<128xi32, #tpu.memory_space<hbm>>
        tpu.enqueue_dma source(%dma_start3A_589 : memref<128xi32, #tpu.memory_space<hbm>>) target(%arg13 : memref<128xi32, #tpu.memory_space<vmem>>) target_semaphore(%arg26 : memref<!tpu.dma_semaphore, #tpu.memory_space<semaphore_mem>>)
      } else {
      }
      %dma_wait3A_423 = arith.constant 0 : i32
      %dma_wait3A_424 = arith.constant 0 : i32
      %dma_wait3A_425 = tpu.memref_slice %arg21[%dma_wait3A_423, %dma_wait3A_424] : memref<10240x64xf32, #tpu.memory_space<vmem_shared>> -> memref<10240x64xf32, #tpu.memory_space<vmem_shared>>
      tpu.wait_indirect_dma semaphore(%arg30 : memref<!tpu.dma_semaphore, #tpu.memory_space<semaphore_mem>>) src(%dma_wait3A_425 : memref<10240x64xf32, #tpu.memory_space<vmem_shared>>) dst(%arg17 : memref<128x64xf32, #tpu.memory_space<vmem>>)
      %dma_start3A_426 = arith.constant 0 : i32
      %dma_start3A_427 = arith.constant 0 : i32
      %dma_start3A_428 = tpu.memref_slice %arg22[%dma_start3A_426, %dma_start3A_427] : memref<10240x64xf32, #tpu.memory_space<vmem_shared>> -> memref<10240x64xf32, #tpu.memory_space<vmem_shared>>
      tpu.enqueue_indirect_dma source(%arg17 : memref<128x64xf32, #tpu.memory_space<vmem>>) target(%dma_start3A_428 : memref<10240x64xf32, #tpu.memory_space<vmem_shared>>) offsets(%arg14 : memref<128xi32, #tpu.memory_space<vmem>>) semaphore(%arg33 : memref<!tpu.dma_semaphore, #tpu.memory_space<semaphore_mem>>) {add = true}
      %add3A_429 = arith.constant 1 : i32
      %add3A_430 = arith.addi %add3A_410, %add3A_429 : i32
      %lt3A_431 = arith.constant 159 : i32
      %lt3A_432 = arith.cmpi slt, %add3A_430, %lt3A_431 : i32
      %convert_element_type3A_433 = arith.extui %lt3A_432 : i1 to i32
      %cond3A_434 = arith.constant 0 : i32
      %cond3A_435 = arith.cmpi ne, %convert_element_type3A_433, %cond3A_434 : i32
      scf.if %cond3A_435 {
        %dma_wait3A_572 = arith.constant 0 : i32
        %dma_wait3A_573 = tpu.memref_slice %arg3[%mul3A_0, %dma_wait3A_572] : memref<2544x128xi32, #tpu.memory_space<hbm>> -> memref<1x128xi32, #tpu.memory_space<hbm>>
        %dma_wait3A_574 = tpu.memref_squeeze %dma_wait3A_573 : memref<1x128xi32, #tpu.memory_space<hbm>> -> memref<128xi32, #tpu.memory_space<hbm>>
        %dma_wait3A_575 = arith.constant 0 : i32
        %dma_wait3A_576 = tpu.memref_slice %arg3[%mul3A_0, %dma_wait3A_575] : memref<2544x128xi32, #tpu.memory_space<hbm>> -> memref<1x128xi32, #tpu.memory_space<hbm>>
        %dma_wait3A_577 = tpu.memref_squeeze %dma_wait3A_576 : memref<1x128xi32, #tpu.memory_space<hbm>> -> memref<128xi32, #tpu.memory_space<hbm>>
        tpu.wait_dma2 semaphore(%arg25 : memref<!tpu.dma_semaphore, #tpu.memory_space<semaphore_mem>>) src(%dma_wait3A_577 : memref<128xi32, #tpu.memory_space<hbm>>) dst(%arg9 : memref<128xi32, #tpu.memory_space<vmem>>)
        %dma_wait3A_578 = arith.constant 0 : i32
        %dma_wait3A_579 = tpu.memref_slice %arg4[%mul3A_0, %dma_wait3A_578] : memref<2544x128xi32, #tpu.memory_space<hbm>> -> memref<1x128xi32, #tpu.memory_space<hbm>>
        %dma_wait3A_580 = tpu.memref_squeeze %dma_wait3A_579 : memref<1x128xi32, #tpu.memory_space<hbm>> -> memref<128xi32, #tpu.memory_space<hbm>>
        %dma_wait3A_581 = arith.constant 0 : i32
        %dma_wait3A_582 = tpu.memref_slice %arg4[%mul3A_0, %dma_wait3A_581] : memref<2544x128xi32, #tpu.memory_space<hbm>> -> memref<1x128xi32, #tpu.memory_space<hbm>>
        %dma_wait3A_583 = tpu.memref_squeeze %dma_wait3A_582 : memref<1x128xi32, #tpu.memory_space<hbm>> -> memref<128xi32, #tpu.memory_space<hbm>>
        tpu.wait_dma2 semaphore(%arg25 : memref<!tpu.dma_semaphore, #tpu.memory_space<semaphore_mem>>) src(%dma_wait3A_583 : memref<128xi32, #tpu.memory_space<hbm>>) dst(%arg12 : memref<128xi32, #tpu.memory_space<vmem>>)
        %dma_start3A_584 = arith.constant 0 : i32
        %dma_start3A_585 = arith.constant 0 : i32
        %dma_start3A_586 = tpu.memref_slice %arg21[%dma_start3A_584, %dma_start3A_585] : memref<10240x64xf32, #tpu.memory_space<vmem_shared>> -> memref<10240x64xf32, #tpu.memory_space<vmem_shared>>
        tpu.enqueue_indirect_dma source(%dma_start3A_586 : memref<10240x64xf32, #tpu.memory_space<vmem_shared>>) target(%arg15 : memref<128x64xf32, #tpu.memory_space<vmem>>) offsets(%arg9 : memref<128xi32, #tpu.memory_space<vmem>>) semaphore(%arg28 : memref<!tpu.dma_semaphore, #tpu.memory_space<semaphore_mem>>)
      } else {
      }
      %get3A_436 = arith.constant 0 : index
      %get3A_437 = tpu.vector_load %arg14[%get3A_436] {strides = array<i32>} : memref<128xi32, #tpu.memory_space<vmem>>, vector<16xi32>,
      %shift_right_logical3A_438 = arith.constant 6 : i32
      %shift_right_logical3A_439 = vector.broadcast %shift_right_logical3A_438 : i32 to vector<16xi32>
      %shift_right_logical3A_440 = arith.shrui %get3A_437, %shift_right_logical3A_439 : vector<16xi32>
      %and3A_441 = arith.constant 63 : i32
      %and3A_442 = vector.broadcast %and3A_441 : i32 to vector<16xi32>
      %and3A_443 = arith.andi %get3A_437, %and3A_442 : vector<16xi32>
      %get3A_444 = arith.constant 0 : index
      %get3A_445 = tpu.vector_load %arg11[%get3A_444] {strides = array<i32>} : memref<128xi32, #tpu.memory_space<vmem>>, vector<16xi32>,
      %shift_right_logical3A_446 = arith.constant 6 : i32
      %shift_right_logical3A_447 = vector.broadcast %shift_right_logical3A_446 : i32 to vector<16xi32>
      %shift_right_logical3A_448 = arith.shrui %get3A_445, %shift_right_logical3A_447 : vector<16xi32>
      %and3A_449 = arith.constant 63 : i32
      %and3A_450 = vector.broadcast %and3A_449 : i32 to vector<16xi32>
      %and3A_451 = arith.andi %get3A_445, %and3A_450 : vector<16xi32>
      %gather3A_452 = tpu.vector_load_idx %arg24[%shift_right_logical3A_448, %and3A_451] : memref<160x64xf32, #tpu.memory_space<vmem>>[vector<16xi32>, vector<16xi32>], vector<16xf32>,
      tpu.vector_store_idx %arg18[%shift_right_logical3A_440, %and3A_443], %gather3A_452 {add = true} : memref<160x64xf32, #tpu.memory_space<vmem>>[vector<16xi32>, vector<16xi32>], vector<16xf32>,
      %get3A_453 = arith.constant 16 : index
      %get3A_454 = tpu.vector_load %arg14[%get3A_453] {strides = array<i32>} : memref<128xi32, #tpu.memory_space<vmem>>, vector<16xi32>,
      %shift_right_logical3A_455 = arith.constant 6 : i32
      %shift_right_logical3A_456 = vector.broadcast %shift_right_logical3A_455 : i32 to vector<16xi32>
      %shift_right_logical3A_457 = arith.shrui %get3A_454, %shift_right_logical3A_456 : vector<16xi32>
      %and3A_458 = arith.constant 63 : i32
      %and3A_459 = vector.broadcast %and3A_458 : i32 to vector<16xi32>
      %and3A_460 = arith.andi %get3A_454, %and3A_459 : vector<16xi32>
      %get3A_461 = arith.constant 16 : index
      %get3A_462 = tpu.vector_load %arg11[%get3A_461] {strides = array<i32>} : memref<128xi32, #tpu.memory_space<vmem>>, vector<16xi32>,
      %shift_right_logical3A_463 = arith.constant 6 : i32
      %shift_right_logical3A_464 = vector.broadcast %shift_right_logical3A_463 : i32 to vector<16xi32>
      %shift_right_logical3A_465 = arith.shrui %get3A_462, %shift_right_logical3A_464 : vector<16xi32>
      %and3A_466 = arith.constant 63 : i32
      %and3A_467 = vector.broadcast %and3A_466 : i32 to vector<16xi32>
      %and3A_468 = arith.andi %get3A_462, %and3A_467 : vector<16xi32>
      %gather3A_469 = tpu.vector_load_idx %arg24[%shift_right_logical3A_465, %and3A_468] : memref<160x64xf32, #tpu.memory_space<vmem>>[vector<16xi32>, vector<16xi32>], vector<16xf32>,
      tpu.vector_store_idx %arg18[%shift_right_logical3A_457, %and3A_460], %gather3A_469 {add = true} : memref<160x64xf32, #tpu.memory_space<vmem>>[vector<16xi32>, vector<16xi32>], vector<16xf32>,
      %get3A_470 = arith.constant 32 : index
      %get3A_471 = tpu.vector_load %arg14[%get3A_470] {strides = array<i32>} : memref<128xi32, #tpu.memory_space<vmem>>, vector<16xi32>,
      %shift_right_logical3A_472 = arith.constant 6 : i32
      %shift_right_logical3A_473 = vector.broadcast %shift_right_logical3A_472 : i32 to vector<16xi32>
      %shift_right_logical3A_474 = arith.shrui %get3A_471, %shift_right_logical3A_473 : vector<16xi32>
      %and3A_475 = arith.constant 63 : i32
      %and3A_476 = vector.broadcast %and3A_475 : i32 to vector<16xi32>
      %and3A_477 = arith.andi %get3A_471, %and3A_476 : vector<16xi32>
      %get3A_478 = arith.constant 32 : index
      %get3A_479 = tpu.vector_load %arg11[%get3A_478] {strides = array<i32>} : memref<128xi32, #tpu.memory_space<vmem>>, vector<16xi32>,
      %shift_right_logical3A_480 = arith.constant 6 : i32
      %shift_right_logical3A_481 = vector.broadcast %shift_right_logical3A_480 : i32 to vector<16xi32>
      %shift_right_logical3A_482 = arith.shrui %get3A_479, %shift_right_logical3A_481 : vector<16xi32>
      %and3A_483 = arith.constant 63 : i32
      %and3A_484 = vector.broadcast %and3A_483 : i32 to vector<16xi32>
      %and3A_485 = arith.andi %get3A_479, %and3A_484 : vector<16xi32>
      %gather3A_486 = tpu.vector_load_idx %arg24[%shift_right_logical3A_482, %and3A_485] : memref<160x64xf32, #tpu.memory_space<vmem>>[vector<16xi32>, vector<16xi32>], vector<16xf32>,
      tpu.vector_store_idx %arg18[%shift_right_logical3A_474, %and3A_477], %gather3A_486 {add = true} : memref<160x64xf32, #tpu.memory_space<vmem>>[vector<16xi32>, vector<16xi32>], vector<16xf32>,
      %get3A_487 = arith.constant 48 : index
      %get3A_488 = tpu.vector_load %arg14[%get3A_487] {strides = array<i32>} : memref<128xi32, #tpu.memory_space<vmem>>, vector<16xi32>,
      %shift_right_logical3A_489 = arith.constant 6 : i32
      %shift_right_logical3A_490 = vector.broadcast %shift_right_logical3A_489 : i32 to vector<16xi32>
      %shift_right_logical3A_491 = arith.shrui %get3A_488, %shift_right_logical3A_490 : vector<16xi32>
      %and3A_492 = arith.constant 63 : i32
      %and3A_493 = vector.broadcast %and3A_492 : i32 to vector<16xi32>
      %and3A_494 = arith.andi %get3A_488, %and3A_493 : vector<16xi32>
      %get3A_495 = arith.constant 48 : index
      %get3A_496 = tpu.vector_load %arg11[%get3A_495] {strides = array<i32>} : memref<128xi32, #tpu.memory_space<vmem>>, vector<16xi32>,
      %shift_right_logical3A_497 = arith.constant 6 : i32
      %shift_right_logical3A_498 = vector.broadcast %shift_right_logical3A_497 : i32 to vector<16xi32>
      %shift_right_logical3A_499 = arith.shrui %get3A_496, %shift_right_logical3A_498 : vector<16xi32>
      %and3A_500 = arith.constant 63 : i32
      %and3A_501 = vector.broadcast %and3A_500 : i32 to vector<16xi32>
      %and3A_502 = arith.andi %get3A_496, %and3A_501 : vector<16xi32>
      %gather3A_503 = tpu.vector_load_idx %arg24[%shift_right_logical3A_499, %and3A_502] : memref<160x64xf32, #tpu.memory_space<vmem>>[vector<16xi32>, vector<16xi32>], vector<16xf32>,
      tpu.vector_store_idx %arg18[%shift_right_logical3A_491, %and3A_494], %gather3A_503 {add = true} : memref<160x64xf32, #tpu.memory_space<vmem>>[vector<16xi32>, vector<16xi32>], vector<16xf32>,
      %get3A_504 = arith.constant 64 : index
      %get3A_505 = tpu.vector_load %arg14[%get3A_504] {strides = array<i32>} : memref<128xi32, #tpu.memory_space<vmem>>, vector<16xi32>,
      %shift_right_logical3A_506 = arith.constant 6 : i32
      %shift_right_logical3A_507 = vector.broadcast %shift_right_logical3A_506 : i32 to vector<16xi32>
      %shift_right_logical3A_508 = arith.shrui %get3A_505, %shift_right_logical3A_507 : vector<16xi32>
      %and3A_509 = arith.constant 63 : i32
      %and3A_510 = vector.broadcast %and3A_509 : i32 to vector<16xi32>
      %and3A_511 = arith.andi %get3A_505, %and3A_510 : vector<16xi32>
      %get3A_512 = arith.constant 64 : index
      %get3A_513 = tpu.vector_load %arg11[%get3A_512] {strides = array<i32>} : memref<128xi32, #tpu.memory_space<vmem>>, vector<16xi32>,
      %shift_right_logical3A_514 = arith.constant 6 : i32
      %shift_right_logical3A_515 = vector.broadcast %shift_right_logical3A_514 : i32 to vector<16xi32>
      %shift_right_logical3A_516 = arith.shrui %get3A_513, %shift_right_logical3A_515 : vector<16xi32>
      %and3A_517 = arith.constant 63 : i32
      %and3A_518 = vector.broadcast %and3A_517 : i32 to vector<16xi32>
      %and3A_519 = arith.andi %get3A_513, %and3A_518 : vector<16xi32>
      %gather3A_520 = tpu.vector_load_idx %arg24[%shift_right_logical3A_516, %and3A_519] : memref<160x64xf32, #tpu.memory_space<vmem>>[vector<16xi32>, vector<16xi32>], vector<16xf32>,
      tpu.vector_store_idx %arg18[%shift_right_logical3A_508, %and3A_511], %gather3A_520 {add = true} : memref<160x64xf32, #tpu.memory_space<vmem>>[vector<16xi32>, vector<16xi32>], vector<16xf32>,
      %get3A_521 = arith.constant 80 : index
      %get3A_522 = tpu.vector_load %arg14[%get3A_521] {strides = array<i32>} : memref<128xi32, #tpu.memory_space<vmem>>, vector<16xi32>,
      %shift_right_logical3A_523 = arith.constant 6 : i32
      %shift_right_logical3A_524 = vector.broadcast %shift_right_logical3A_523 : i32 to vector<16xi32>
      %shift_right_logical3A_525 = arith.shrui %get3A_522, %shift_right_logical3A_524 : vector<16xi32>
      %and3A_526 = arith.constant 63 : i32
      %and3A_527 = vector.broadcast %and3A_526 : i32 to vector<16xi32>
      %and3A_528 = arith.andi %get3A_522, %and3A_527 : vector<16xi32>
      %get3A_529 = arith.constant 80 : index
      %get3A_530 = tpu.vector_load %arg11[%get3A_529] {strides = array<i32>} : memref<128xi32, #tpu.memory_space<vmem>>, vector<16xi32>,
      %shift_right_logical3A_531 = arith.constant 6 : i32
      %shift_right_logical3A_532 = vector.broadcast %shift_right_logical3A_531 : i32 to vector<16xi32>
      %shift_right_logical3A_533 = arith.shrui %get3A_530, %shift_right_logical3A_532 : vector<16xi32>
      %and3A_534 = arith.constant 63 : i32
      %and3A_535 = vector.broadcast %and3A_534 : i32 to vector<16xi32>
      %and3A_536 = arith.andi %get3A_530, %and3A_535 : vector<16xi32>
      %gather3A_537 = tpu.vector_load_idx %arg24[%shift_right_logical3A_533, %and3A_536] : memref<160x64xf32, #tpu.memory_space<vmem>>[vector<16xi32>, vector<16xi32>], vector<16xf32>,
      tpu.vector_store_idx %arg18[%shift_right_logical3A_525, %and3A_528], %gather3A_537 {add = true} : memref<160x64xf32, #tpu.memory_space<vmem>>[vector<16xi32>, vector<16xi32>], vector<16xf32>,
      %get3A_538 = arith.constant 96 : index
      %get3A_539 = tpu.vector_load %arg14[%get3A_538] {strides = array<i32>} : memref<128xi32, #tpu.memory_space<vmem>>, vector<16xi32>,
      %shift_right_logical3A_540 = arith.constant 6 : i32
      %shift_right_logical3A_541 = vector.broadcast %shift_right_logical3A_540 : i32 to vector<16xi32>
      %shift_right_logical3A_542 = arith.shrui %get3A_539, %shift_right_logical3A_541 : vector<16xi32>
      %and3A_543 = arith.constant 63 : i32
      %and3A_544 = vector.broadcast %and3A_543 : i32 to vector<16xi32>
      %and3A_545 = arith.andi %get3A_539, %and3A_544 : vector<16xi32>
      %get3A_546 = arith.constant 96 : index
      %get3A_547 = tpu.vector_load %arg11[%get3A_546] {strides = array<i32>} : memref<128xi32, #tpu.memory_space<vmem>>, vector<16xi32>,
      %shift_right_logical3A_548 = arith.constant 6 : i32
      %shift_right_logical3A_549 = vector.broadcast %shift_right_logical3A_548 : i32 to vector<16xi32>
      %shift_right_logical3A_550 = arith.shrui %get3A_547, %shift_right_logical3A_549 : vector<16xi32>
      %and3A_551 = arith.constant 63 : i32
      %and3A_552 = vector.broadcast %and3A_551 : i32 to vector<16xi32>
      %and3A_553 = arith.andi %get3A_547, %and3A_552 : vector<16xi32>
      %gather3A_554 = tpu.vector_load_idx %arg24[%shift_right_logical3A_550, %and3A_553] : memref<160x64xf32, #tpu.memory_space<vmem>>[vector<16xi32>, vector<16xi32>], vector<16xf32>,
      tpu.vector_store_idx %arg18[%shift_right_logical3A_542, %and3A_545], %gather3A_554 {add = true} : memref<160x64xf32, #tpu.memory_space<vmem>>[vector<16xi32>, vector<16xi32>], vector<16xf32>,
      %get3A_555 = arith.constant 112 : index
      %get3A_556 = tpu.vector_load %arg14[%get3A_555] {strides = array<i32>} : memref<128xi32, #tpu.memory_space<vmem>>, vector<16xi32>,
      %shift_right_logical3A_557 = arith.constant 6 : i32
      %shift_right_logical3A_558 = vector.broadcast %shift_right_logical3A_557 : i32 to vector<16xi32>
      %shift_right_logical3A_559 = arith.shrui %get3A_556, %shift_right_logical3A_558 : vector<16xi32>
      %and3A_560 = arith.constant 63 : i32
      %and3A_561 = vector.broadcast %and3A_560 : i32 to vector<16xi32>
      %and3A_562 = arith.andi %get3A_556, %and3A_561 : vector<16xi32>
      %get3A_563 = arith.constant 112 : index
      %get3A_564 = tpu.vector_load %arg11[%get3A_563] {strides = array<i32>} : memref<128xi32, #tpu.memory_space<vmem>>, vector<16xi32>,
      %shift_right_logical3A_565 = arith.constant 6 : i32
      %shift_right_logical3A_566 = vector.broadcast %shift_right_logical3A_565 : i32 to vector<16xi32>
      %shift_right_logical3A_567 = arith.shrui %get3A_564, %shift_right_logical3A_566 : vector<16xi32>
      %and3A_568 = arith.constant 63 : i32
      %and3A_569 = vector.broadcast %and3A_568 : i32 to vector<16xi32>
      %and3A_570 = arith.andi %get3A_564, %and3A_569 : vector<16xi32>
      %gather3A_571 = tpu.vector_load_idx %arg24[%shift_right_logical3A_567, %and3A_570] : memref<160x64xf32, #tpu.memory_space<vmem>>[vector<16xi32>, vector<16xi32>], vector<16xf32>,
      tpu.vector_store_idx %arg18[%shift_right_logical3A_559, %and3A_562], %gather3A_571 {add = true} : memref<160x64xf32, #tpu.memory_space<vmem>>[vector<16xi32>, vector<16xi32>], vector<16xf32>,
    }
    %scan3A_27 = arith.constant 53 : i32
    %dma_wait3A = arith.constant 0 : i32
    %dma_wait3A_28 = arith.constant 0 : i32
    %dma_wait3A_29 = tpu.memref_slice %arg22[%dma_wait3A, %dma_wait3A_28] : memref<10240x64xf32, #tpu.memory_space<vmem_shared>> -> memref<10240x64xf32, #tpu.memory_space<vmem_shared>>
    tpu.wait_indirect_dma semaphore(%arg33 : memref<!tpu.dma_semaphore, #tpu.memory_space<semaphore_mem>>) src(%arg17 : memref<128x64xf32, #tpu.memory_space<vmem>>) dst(%dma_wait3A_29 : memref<10240x64xf32, #tpu.memory_space<vmem_shared>>)
    %iota3A = tpu.iota {dimensions = array<i32: 0>} : vector<16xi32>
    %add3A_30 = arith.constant 0 : i32
    %add3A_31 = vector.broadcast %add3A_30 : i32 to vector<16xi32>
    %add3A_32 = arith.addi %iota3A, %add3A_31 : vector<16xi32>
    %swap3A = arith.constant 0 : index
    %swap3A_33 = tpu.vector_load %arg19[%swap3A] {strides = array<i32>} : memref<80xi32, #tpu.memory_space<vmem>>, vector<16xi32>,
    tpu.vector_store %arg19[%swap3A], %add3A_32 {strides = array<i32>} : memref<80xi32, #tpu.memory_space<vmem>>, vector<16xi32>,
    %add3A_34 = arith.constant 80 : i32
    %add3A_35 = vector.broadcast %add3A_34 : i32 to vector<16xi32>
    %add3A_36 = arith.addi %iota3A, %add3A_35 : vector<16xi32>
    %swap3A_37 = arith.constant 0 : index
    %swap3A_38 = tpu.vector_load %arg20[%swap3A_37] {strides = array<i32>} : memref<80xi32, #tpu.memory_space<vmem>>, vector<16xi32>,
    tpu.vector_store %arg20[%swap3A_37], %add3A_36 {strides = array<i32>} : memref<80xi32, #tpu.memory_space<vmem>>, vector<16xi32>,
    %add3A_39 = arith.constant 16 : i32
    %add3A_40 = vector.broadcast %add3A_39 : i32 to vector<16xi32>
    %add3A_41 = arith.addi %iota3A, %add3A_40 : vector<16xi32>
    %swap3A_42 = arith.constant 16 : index
    %swap3A_43 = tpu.vector_load %arg19[%swap3A_42] {strides = array<i32>} : memref<80xi32, #tpu.memory_space<vmem>>, vector<16xi32>,
    tpu.vector_store %arg19[%swap3A_42], %add3A_41 {strides = array<i32>} : memref<80xi32, #tpu.memory_space<vmem>>, vector<16xi32>,
    %add3A_44 = arith.constant 96 : i32
    %add3A_45 = vector.broadcast %add3A_44 : i32 to vector<16xi32>
    %add3A_46 = arith.addi %iota3A, %add3A_45 : vector<16xi32>
    %swap3A_47 = arith.constant 16 : index
    %swap3A_48 = tpu.vector_load %arg20[%swap3A_47] {strides = array<i32>} : memref<80xi32, #tpu.memory_space<vmem>>, vector<16xi32>,
    tpu.vector_store %arg20[%swap3A_47], %add3A_46 {strides = array<i32>} : memref<80xi32, #tpu.memory_space<vmem>>, vector<16xi32>,
    %add3A_49 = arith.constant 32 : i32
    %add3A_50 = vector.broadcast %add3A_49 : i32 to vector<16xi32>
    %add3A_51 = arith.addi %iota3A, %add3A_50 : vector<16xi32>
    %swap3A_52 = arith.constant 32 : index
    %swap3A_53 = tpu.vector_load %arg19[%swap3A_52] {strides = array<i32>} : memref<80xi32, #tpu.memory_space<vmem>>, vector<16xi32>,
    tpu.vector_store %arg19[%swap3A_52], %add3A_51 {strides = array<i32>} : memref<80xi32, #tpu.memory_space<vmem>>, vector<16xi32>,
    %add3A_54 = arith.constant 112 : i32
    %add3A_55 = vector.broadcast %add3A_54 : i32 to vector<16xi32>
    %add3A_56 = arith.addi %iota3A, %add3A_55 : vector<16xi32>
    %swap3A_57 = arith.constant 32 : index
    %swap3A_58 = tpu.vector_load %arg20[%swap3A_57] {strides = array<i32>} : memref<80xi32, #tpu.memory_space<vmem>>, vector<16xi32>,
    tpu.vector_store %arg20[%swap3A_57], %add3A_56 {strides = array<i32>} : memref<80xi32, #tpu.memory_space<vmem>>, vector<16xi32>,
    %add3A_59 = arith.constant 48 : i32
    %add3A_60 = vector.broadcast %add3A_59 : i32 to vector<16xi32>
    %add3A_61 = arith.addi %iota3A, %add3A_60 : vector<16xi32>
    %swap3A_62 = arith.constant 48 : index
    %swap3A_63 = tpu.vector_load %arg19[%swap3A_62] {strides = array<i32>} : memref<80xi32, #tpu.memory_space<vmem>>, vector<16xi32>,
    tpu.vector_store %arg19[%swap3A_62], %add3A_61 {strides = array<i32>} : memref<80xi32, #tpu.memory_space<vmem>>, vector<16xi32>,
    %add3A_64 = arith.constant 128 : i32
    %add3A_65 = vector.broadcast %add3A_64 : i32 to vector<16xi32>
    %add3A_66 = arith.addi %iota3A, %add3A_65 : vector<16xi32>
    %swap3A_67 = arith.constant 48 : index
    %swap3A_68 = tpu.vector_load %arg20[%swap3A_67] {strides = array<i32>} : memref<80xi32, #tpu.memory_space<vmem>>, vector<16xi32>,
    tpu.vector_store %arg20[%swap3A_67], %add3A_66 {strides = array<i32>} : memref<80xi32, #tpu.memory_space<vmem>>, vector<16xi32>,
    %add3A_69 = arith.constant 64 : i32
    %add3A_70 = vector.broadcast %add3A_69 : i32 to vector<16xi32>
    %add3A_71 = arith.addi %iota3A, %add3A_70 : vector<16xi32>
    %swap3A_72 = arith.constant 64 : index
    %swap3A_73 = tpu.vector_load %arg19[%swap3A_72] {strides = array<i32>} : memref<80xi32, #tpu.memory_space<vmem>>, vector<16xi32>,
    tpu.vector_store %arg19[%swap3A_72], %add3A_71 {strides = array<i32>} : memref<80xi32, #tpu.memory_space<vmem>>, vector<16xi32>,
    %add3A_74 = arith.constant 144 : i32
    %add3A_75 = vector.broadcast %add3A_74 : i32 to vector<16xi32>
    %add3A_76 = arith.addi %iota3A, %add3A_75 : vector<16xi32>
    %swap3A_77 = arith.constant 64 : index
    %swap3A_78 = tpu.vector_load %arg20[%swap3A_77] {strides = array<i32>} : memref<80xi32, #tpu.memory_space<vmem>>, vector<16xi32>,
    tpu.vector_store %arg20[%swap3A_77], %add3A_76 {strides = array<i32>} : memref<80xi32, #tpu.memory_space<vmem>>, vector<16xi32>,
    "tpu.region"() ({
      %run_scoped3A = tpu.sem_alloc : memref<!tpu.dma_semaphore, #tpu.memory_space<semaphore_mem>>
      %dma_start3A_82 = arith.constant 0 : i32
      %dma_start3A_83 = arith.constant 0 : i32
      %dma_start3A_84 = tpu.memref_slice %arg18[%dma_start3A_82, %dma_start3A_83] : memref<160x64xf32, #tpu.memory_space<vmem>> -> memref<80x64xf32, #tpu.memory_space<vmem>>
      %dma_start3A_85 = arith.constant 0 : i32
      %dma_start3A_86 = arith.constant 0 : i32
      %dma_start3A_87 = tpu.memref_slice %arg23[%dma_start3A_85, %dma_start3A_86] : memref<160x64xf32, #tpu.memory_space<vmem_shared>> -> memref<160x64xf32, #tpu.memory_space<vmem_shared>>
      tpu.enqueue_indirect_dma source(%dma_start3A_84 : memref<80x64xf32, #tpu.memory_space<vmem>>) target(%dma_start3A_87 : memref<160x64xf32, #tpu.memory_space<vmem_shared>>) offsets(%arg19 : memref<80xi32, #tpu.memory_space<vmem>>) semaphore(%run_scoped3A : memref<!tpu.dma_semaphore, #tpu.memory_space<semaphore_mem>>) {add = true}
      %dma_wait3A_88 = arith.constant 0 : i32
      %dma_wait3A_89 = arith.constant 0 : i32
      %dma_wait3A_90 = tpu.memref_slice %arg18[%dma_wait3A_88, %dma_wait3A_89] : memref<160x64xf32, #tpu.memory_space<vmem>> -> memref<80x64xf32, #tpu.memory_space<vmem>>
      %dma_wait3A_91 = arith.constant 0 : i32
      %dma_wait3A_92 = arith.constant 0 : i32
      %dma_wait3A_93 = tpu.memref_slice %arg23[%dma_wait3A_91, %dma_wait3A_92] : memref<160x64xf32, #tpu.memory_space<vmem_shared>> -> memref<160x64xf32, #tpu.memory_space<vmem_shared>>
      tpu.wait_indirect_dma semaphore(%run_scoped3A : memref<!tpu.dma_semaphore, #tpu.memory_space<semaphore_mem>>) src(%dma_wait3A_90 : memref<80x64xf32, #tpu.memory_space<vmem>>) dst(%dma_wait3A_93 : memref<160x64xf32, #tpu.memory_space<vmem_shared>>)
      tpu.yield
    }) : () -> ()
    "tpu.region"() ({
      %run_scoped3A = tpu.sem_alloc : memref<!tpu.dma_semaphore, #tpu.memory_space<semaphore_mem>>
      %dma_start3A_82 = arith.constant 80 : i32
      %dma_start3A_83 = arith.constant 0 : i32
      %dma_start3A_84 = tpu.memref_slice %arg18[%dma_start3A_82, %dma_start3A_83] : memref<160x64xf32, #tpu.memory_space<vmem>> -> memref<80x64xf32, #tpu.memory_space<vmem>>
      %dma_start3A_85 = arith.constant 0 : i32
      %dma_start3A_86 = arith.constant 0 : i32
      %dma_start3A_87 = tpu.memref_slice %arg23[%dma_start3A_85, %dma_start3A_86] : memref<160x64xf32, #tpu.memory_space<vmem_shared>> -> memref<160x64xf32, #tpu.memory_space<vmem_shared>>
      tpu.enqueue_indirect_dma source(%dma_start3A_84 : memref<80x64xf32, #tpu.memory_space<vmem>>) target(%dma_start3A_87 : memref<160x64xf32, #tpu.memory_space<vmem_shared>>) offsets(%arg20 : memref<80xi32, #tpu.memory_space<vmem>>) semaphore(%run_scoped3A : memref<!tpu.dma_semaphore, #tpu.memory_space<semaphore_mem>>) {add = true}
      %dma_wait3A_88 = arith.constant 80 : i32
      %dma_wait3A_89 = arith.constant 0 : i32
      %dma_wait3A_90 = tpu.memref_slice %arg18[%dma_wait3A_88, %dma_wait3A_89] : memref<160x64xf32, #tpu.memory_space<vmem>> -> memref<80x64xf32, #tpu.memory_space<vmem>>
      %dma_wait3A_91 = arith.constant 0 : i32
      %dma_wait3A_92 = arith.constant 0 : i32
      %dma_wait3A_93 = tpu.memref_slice %arg23[%dma_wait3A_91, %dma_wait3A_92] : memref<160x64xf32, #tpu.memory_space<vmem_shared>> -> memref<160x64xf32, #tpu.memory_space<vmem_shared>>
      tpu.wait_indirect_dma semaphore(%run_scoped3A : memref<!tpu.dma_semaphore, #tpu.memory_space<semaphore_mem>>) src(%dma_wait3A_90 : memref<80x64xf32, #tpu.memory_space<vmem>>) dst(%dma_wait3A_93 : memref<160x64xf32, #tpu.memory_space<vmem_shared>>)
      tpu.yield
    }) : () -> ()
    %barrier3A_79 = arith.constant 0 : index
    tpu.barrier barrier_id(%barrier3A_79)
    "tpu.region"() ({
      %run_scoped3A = tpu.sem_alloc : memref<!tpu.dma_semaphore, #tpu.memory_space<semaphore_mem>>
      %dma_start3A_82 = arith.constant 0 : i32
      %dma_start3A_83 = tpu.memref_slice %arg7[%arg0, %mul3A_2, %dma_start3A_82] : memref<2x10240x64xf32, #tpu.memory_space<hbm>> -> memref<1x640x64xf32, #tpu.memory_space<hbm>>
      %dma_start3A_84 = tpu.memref_squeeze %dma_start3A_83 : memref<1x640x64xf32, #tpu.memory_space<hbm>> -> memref<640x64xf32, #tpu.memory_space<hbm>>
      %dma_start3A_85 = arith.constant 0 : i32
      %dma_start3A_86 = tpu.memref_slice %arg22[%mul3A_2, %dma_start3A_85] : memref<10240x64xf32, #tpu.memory_space<vmem_shared>> -> memref<640x64xf32, #tpu.memory_space<vmem_shared>>
      tpu.enqueue_dma source(%dma_start3A_86 : memref<640x64xf32, #tpu.memory_space<vmem_shared>>) target(%dma_start3A_84 : memref<640x64xf32, #tpu.memory_space<hbm>>) target_semaphore(%run_scoped3A : memref<!tpu.dma_semaphore, #tpu.memory_space<semaphore_mem>>)
      %dma_wait3A_87 = arith.constant 0 : i32
      %dma_wait3A_88 = tpu.memref_slice %arg7[%arg0, %mul3A_2, %dma_wait3A_87] : memref<2x10240x64xf32, #tpu.memory_space<hbm>> -> memref<1x640x64xf32, #tpu.memory_space<hbm>>
      %dma_wait3A_89 = tpu.memref_squeeze %dma_wait3A_88 : memref<1x640x64xf32, #tpu.memory_space<hbm>> -> memref<640x64xf32, #tpu.memory_space<hbm>>
      %dma_wait3A_90 = arith.constant 0 : i32
      %dma_wait3A_91 = tpu.memref_slice %arg22[%mul3A_2, %dma_wait3A_90] : memref<10240x64xf32, #tpu.memory_space<vmem_shared>> -> memref<640x64xf32, #tpu.memory_space<vmem_shared>>
      tpu.wait_dma2 semaphore(%run_scoped3A : memref<!tpu.dma_semaphore, #tpu.memory_space<semaphore_mem>>) src(%dma_wait3A_91 : memref<640x64xf32, #tpu.memory_space<vmem_shared>>) dst(%dma_wait3A_89 : memref<640x64xf32, #tpu.memory_space<hbm>>)
      tpu.yield
    }) : () -> ()
    %eq3A = arith.constant 0 : i32
    %eq3A_80 = arith.cmpi eq, %arg0, %eq3A : i32
    %convert_element_type3A = arith.extui %eq3A_80 : i1 to i32
    %cond3A = arith.constant 0 : i32
    %cond3A_81 = arith.cmpi ne, %convert_element_type3A, %cond3A : i32
    scf.if %cond3A_81 {
      %mul3A_82 = arith.constant 10 : i32
      %mul3A_83 = arith.muli %arg1, %mul3A_82 : i32
      %mul3A_84 = arith.constant 10 : i32
      %mul3A_85 = arith.muli %arg1, %mul3A_84 : i32
      "tpu.region"() ({
        %run_scoped3A = tpu.sem_alloc : memref<!tpu.dma_semaphore, #tpu.memory_space<semaphore_mem>>
        %dma_start3A_86 = arith.constant 0 : i32
        %dma_start3A_87 = tpu.memref_slice %arg8[%mul3A_85, %dma_start3A_86] : memref<160x64xf32, #tpu.memory_space<hbm>> -> memref<10x64xf32, #tpu.memory_space<hbm>>
        %dma_start3A_88 = arith.constant 0 : i32
        %dma_start3A_89 = tpu.memref_slice %arg23[%mul3A_83, %dma_start3A_88] : memref<160x64xf32, #tpu.memory_space<vmem_shared>> -> memref<10x64xf32, #tpu.memory_space<vmem_shared>>
        tpu.enqueue_dma source(%dma_start3A_89 : memref<10x64xf32, #tpu.memory_space<vmem_shared>>) target(%dma_start3A_87 : memref<10x64xf32, #tpu.memory_space<hbm>>) target_semaphore(%run_scoped3A : memref<!tpu.dma_semaphore, #tpu.memory_space<semaphore_mem>>)
        %dma_wait3A_90 = arith.constant 0 : i32
        %dma_wait3A_91 = tpu.memref_slice %arg8[%mul3A_85, %dma_wait3A_90] : memref<160x64xf32, #tpu.memory_space<hbm>> -> memref<10x64xf32, #tpu.memory_space<hbm>>
        %dma_wait3A_92 = arith.constant 0 : i32
        %dma_wait3A_93 = tpu.memref_slice %arg23[%mul3A_83, %dma_wait3A_92] : memref<160x64xf32, #tpu.memory_space<vmem_shared>> -> memref<10x64xf32, #tpu.memory_space<vmem_shared>>
        tpu.wait_dma2 semaphore(%run_scoped3A : memref<!tpu.dma_semaphore, #tpu.memory_space<semaphore_mem>>) src(%dma_wait3A_93 : memref<10x64xf32, #tpu.memory_space<vmem_shared>>) dst(%dma_wait3A_91 : memref<10x64xf32, #tpu.memory_space<hbm>>)
        tpu.yield
      }) : () -> ()
    } else {
    }
    return
  }
}

module attributes {stable_mosaic.version = 14 : i64} {
  func.func @_final01_body(%arg0: i32, %arg1: memref<400x128xf32, #tpu.memory_space<vmem>>, %arg2: memref<2x400x64xf32, #tpu.memory_space<vmem>>, %arg3: memref<400x1xf32, #tpu.memory_space<vmem>>, %arg4: memref<3x128x128xf32, #tpu.memory_space<vmem>>, %arg5: memref<1x3x128xf32, #tpu.memory_space<vmem>>, %arg6: memref<400x384xf32, #tpu.memory_space<vmem>>) attributes {dimension_semantics = [#tpu.dimension_semantics<arbitrary>], iteration_bounds = array<i64: 25>, scalar_prefetch = 0 : i64, scratch_operands = 0 : i64, tpu.core_type = #tpu.core_type<tc>, window_params = [{transform_indices = @transform_0, window_bounds = array<i64: 400, 128>}, {transform_indices = @transform_1, window_bounds = array<i64: 2, 400, 64>}, {transform_indices = @transform_2, window_bounds = array<i64: 400, 1>}, {pipeline_mode = #tpu.pipeline_mode<synchronous>, transform_indices = @transform_3, window_bounds = array<i64: 3, 128, 128>}, {pipeline_mode = #tpu.pipeline_mode<synchronous>, transform_indices = @transform_4, window_bounds = array<i64: 1, 3, 128>}, {transform_indices = @transform_5, window_bounds = array<i64: 400, 384>}]} {
    %get3A = arith.constant 0 : index
    %get3A_0 = arith.constant 0 : index
    %get3A_1 = arith.constant 0 : index
    %get3A_2 = vector.load %arg2[%get3A, %get3A_0, %get3A_1] : memref<2x400x64xf32, #tpu.memory_space<vmem>>, vector<1x400x64xf32>
    %get3A_3 = vector.shape_cast %get3A_2 : vector<1x400x64xf32> to vector<400x64xf32>
    %get3A_4 = arith.constant 1 : index
    %get3A_5 = arith.constant 0 : index
    %get3A_6 = arith.constant 0 : index
    %get3A_7 = vector.load %arg2[%get3A_4, %get3A_5, %get3A_6] : memref<2x400x64xf32, #tpu.memory_space<vmem>>, vector<1x400x64xf32>
    %get3A_8 = vector.shape_cast %get3A_7 : vector<1x400x64xf32> to vector<400x64xf32>
    %concatenate3A = tpu.concatenate %get3A_3, %get3A_8 in 1 : vector<400x64xf32>, vector<400x64xf32> -> vector<400x128xf32>
    %get3A_9 = arith.constant 0 : index
    %get3A_10 = arith.constant 0 : index
    %get3A_11 = vector.load %arg1[%get3A_9, %get3A_10] : memref<400x128xf32, #tpu.memory_space<vmem>>, vector<400x128xf32>
    %get3A_12 = arith.constant 0 : index
    %get3A_13 = arith.constant 0 : index
    %get3A_14 = arith.constant 0 : index
    %get3A_15 = vector.load %arg4[%get3A_12, %get3A_13, %get3A_14] : memref<3x128x128xf32, #tpu.memory_space<vmem>>, vector<1x128x128xf32>
    %get3A_16 = vector.shape_cast %get3A_15 : vector<1x128x128xf32> to vector<128x128xf32>
    %dot_general3A = arith.constant dense<0.000000e+00> : vector<400x128xf32>
    %dot_general3A_17 = tpu.matmul %get3A_11, %get3A_16, %dot_general3A {dimension_numbers = #tpu.dot_dimension_numbers<[1], [1], [0], [0], [0, 0, 1, 0], [], []>, transpose_lhs_hint = false} : vector<400x128xf32>, vector<128x128xf32>, vector<400x128xf32> -> vector<400x128xf32>
    %get3A_18 = arith.constant 0 : index
    %get3A_19 = arith.constant 0 : index
    %get3A_20 = arith.constant 0 : index
    %get3A_21 = vector.load %arg5[%get3A_18, %get3A_19, %get3A_20] : memref<1x3x128xf32, #tpu.memory_space<vmem>>, vector<1x1x128xf32>
    %get3A_22 = vector.shape_cast %get3A_21 : vector<1x1x128xf32> to vector<128xf32>
    %broadcast_in_dim3A = vector.shape_cast %get3A_22 : vector<128xf32> to vector<1x128xf32>
    %add3A = vector.broadcast %broadcast_in_dim3A : vector<1x128xf32> to vector<400x128xf32>
    %add3A_23 = arith.addf %dot_general3A_17, %add3A : vector<400x128xf32>
    %swap3A = arith.constant 0 : index
    %swap3A_24 = arith.constant 0 : index
    %swap3A_25 = vector.load %arg6[%swap3A, %swap3A_24] : memref<400x384xf32, #tpu.memory_space<vmem>>, vector<400x128xf32>
    tpu.vector_store %arg6[%swap3A, %swap3A_24], %add3A_23 {strides = array<i32>} : memref<400x384xf32, #tpu.memory_space<vmem>>, vector<400x128xf32>,
    %get3A_26 = arith.constant 1 : index
    %get3A_27 = arith.constant 0 : index
    %get3A_28 = arith.constant 0 : index
    %get3A_29 = vector.load %arg4[%get3A_26, %get3A_27, %get3A_28] : memref<3x128x128xf32, #tpu.memory_space<vmem>>, vector<1x128x128xf32>
    %get3A_30 = vector.shape_cast %get3A_29 : vector<1x128x128xf32> to vector<128x128xf32>
    %dot_general3A_31 = arith.constant dense<0.000000e+00> : vector<400x128xf32>
    %dot_general3A_32 = tpu.matmul %concatenate3A, %get3A_30, %dot_general3A_31 {dimension_numbers = #tpu.dot_dimension_numbers<[1], [1], [0], [0], [0, 0, 1, 0], [], []>, transpose_lhs_hint = false} : vector<400x128xf32>, vector<128x128xf32>, vector<400x128xf32> -> vector<400x128xf32>
    %get3A_33 = arith.constant 0 : index
    %get3A_34 = arith.constant 0 : index
    %get3A_35 = vector.load %arg3[%get3A_33, %get3A_34] : memref<400x1xf32, #tpu.memory_space<vmem>>, vector<400x1xf32>
    %get3A_36 = arith.constant 0 : index
    %get3A_37 = arith.constant 1 : index
    %get3A_38 = arith.constant 0 : index
    %get3A_39 = vector.load %arg5[%get3A_36, %get3A_37, %get3A_38] : memref<1x3x128xf32, #tpu.memory_space<vmem>>, vector<1x1x128xf32>
    %get3A_40 = vector.shape_cast %get3A_39 : vector<1x1x128xf32> to vector<128xf32>
    %broadcast_in_dim3A_41 = vector.shape_cast %get3A_40 : vector<128xf32> to vector<1x128xf32>
    %mul3A = vector.broadcast %get3A_35 : vector<400x1xf32> to vector<400x128xf32>
    %mul3A_42 = vector.broadcast %broadcast_in_dim3A_41 : vector<1x128xf32> to vector<400x128xf32>
    %mul3A_43 = arith.mulf %mul3A, %mul3A_42 : vector<400x128xf32>
    %add3A_44 = arith.addf %dot_general3A_32, %mul3A_43 : vector<400x128xf32>
    %swap3A_45 = arith.constant 0 : index
    %swap3A_46 = arith.constant 128 : index
    %swap3A_47 = vector.load %arg6[%swap3A_45, %swap3A_46] : memref<400x384xf32, #tpu.memory_space<vmem>>, vector<400x128xf32>
    tpu.vector_store %arg6[%swap3A_45, %swap3A_46], %add3A_44 {strides = array<i32>} : memref<400x384xf32, #tpu.memory_space<vmem>>, vector<400x128xf32>,
    return
  }
  func.func @transform_0(%arg0: i32) -> (i32, i32) {
    %c0_i32 = arith.constant 0 : i32
    %c0_i32_0 = arith.constant 0 : i32
    return %arg0, %c0_i32 : i32, i32
  }
  func.func @transform_1(%arg0: i32) -> (i32, i32, i32) {
    %c0_i32 = arith.constant 0 : i32
    %c0_i32_0 = arith.constant 0 : i32
    %c0_i32_1 = arith.constant 0 : i32
    return %c0_i32, %arg0, %c0_i32_0 : i32, i32, i32
  }
  func.func @transform_2(%arg0: i32) -> (i32, i32) {
    %c0_i32 = arith.constant 0 : i32
    %c0_i32_0 = arith.constant 0 : i32
    return %arg0, %c0_i32 : i32, i32
  }
  func.func @transform_3(%arg0: i32) -> (i32, i32, i32) {
    %c0_i32 = arith.constant 0 : i32
    %c0_i32_0 = arith.constant 0 : i32
    %c0_i32_1 = arith.constant 0 : i32
    %c0_i32_2 = arith.constant 0 : i32
    return %c0_i32, %c0_i32_0, %c0_i32_1 : i32, i32, i32
  }
  func.func @transform_4(%arg0: i32) -> (i32, i32, i32) {
    %c0_i32 = arith.constant 0 : i32
    %c0_i32_0 = arith.constant 0 : i32
    %c0_i32_1 = arith.constant 0 : i32
    %c0_i32_2 = arith.constant 0 : i32
    return %c0_i32, %c0_i32_0, %c0_i32_1 : i32, i32, i32
  }
  func.func @transform_5(%arg0: i32) -> (i32, i32) {
    %c0_i32 = arith.constant 0 : i32
    %c0_i32_0 = arith.constant 0 : i32
    return %arg0, %c0_i32 : i32, i32
  }
}

module attributes {stable_mosaic.version = 14 : i64} {
  func.func @_final2_body(%arg0: i32, %arg1: memref<2x400x64xf32, #tpu.memory_space<vmem>>, %arg2: memref<400x1xf32, #tpu.memory_space<vmem>>, %arg3: memref<3x128x128xf32, #tpu.memory_space<vmem>>, %arg4: memref<1x3x128xf32, #tpu.memory_space<vmem>>, %arg5: memref<10000x384xf32, #tpu.memory_space<any>>, %arg6: memref<400x128xf32, #tpu.memory_space<vmem>>) attributes {dimension_semantics = [#tpu.dimension_semantics<arbitrary>], iteration_bounds = array<i64: 25>, scalar_prefetch = 0 : i64, scratch_operands = 0 : i64, tpu.core_type = #tpu.core_type<tc>, window_params = [{transform_indices = @transform_0, window_bounds = array<i64: 2, 400, 64>}, {transform_indices = @transform_1, window_bounds = array<i64: 400, 1>}, {pipeline_mode = #tpu.pipeline_mode<synchronous>, transform_indices = @transform_2, window_bounds = array<i64: 3, 128, 128>}, {pipeline_mode = #tpu.pipeline_mode<synchronous>, transform_indices = @transform_3, window_bounds = array<i64: 1, 3, 128>}, {}, {transform_indices = @transform_5, window_bounds = array<i64: 400, 128>}]} {
    %get3A = arith.constant 0 : index
    %get3A_0 = arith.constant 0 : index
    %get3A_1 = arith.constant 0 : index
    %get3A_2 = vector.load %arg1[%get3A, %get3A_0, %get3A_1] : memref<2x400x64xf32, #tpu.memory_space<vmem>>, vector<1x400x64xf32>
    %get3A_3 = vector.shape_cast %get3A_2 : vector<1x400x64xf32> to vector<400x64xf32>
    %get3A_4 = arith.constant 1 : index
    %get3A_5 = arith.constant 0 : index
    %get3A_6 = arith.constant 0 : index
    %get3A_7 = vector.load %arg1[%get3A_4, %get3A_5, %get3A_6] : memref<2x400x64xf32, #tpu.memory_space<vmem>>, vector<1x400x64xf32>
    %get3A_8 = vector.shape_cast %get3A_7 : vector<1x400x64xf32> to vector<400x64xf32>
    %concatenate3A = tpu.concatenate %get3A_3, %get3A_8 in 1 : vector<400x64xf32>, vector<400x64xf32> -> vector<400x128xf32>
    %get3A_9 = arith.constant 2 : index
    %get3A_10 = arith.constant 0 : index
    %get3A_11 = arith.constant 0 : index
    %get3A_12 = vector.load %arg3[%get3A_9, %get3A_10, %get3A_11] : memref<3x128x128xf32, #tpu.memory_space<vmem>>, vector<1x128x128xf32>
    %get3A_13 = vector.shape_cast %get3A_12 : vector<1x128x128xf32> to vector<128x128xf32>
    %dot_general3A = arith.constant dense<0.000000e+00> : vector<400x128xf32>
    %dot_general3A_14 = tpu.matmul %concatenate3A, %get3A_13, %dot_general3A {dimension_numbers = #tpu.dot_dimension_numbers<[1], [1], [0], [0], [0, 0, 1, 0], [], []>, transpose_lhs_hint = false} : vector<400x128xf32>, vector<128x128xf32>, vector<400x128xf32> -> vector<400x128xf32>
    %get3A_15 = arith.constant 0 : index
    %get3A_16 = arith.constant 0 : index
    %get3A_17 = vector.load %arg2[%get3A_15, %get3A_16] : memref<400x1xf32, #tpu.memory_space<vmem>>, vector<400x1xf32>
    %get3A_18 = arith.constant 0 : index
    %get3A_19 = arith.constant 2 : index
    %get3A_20 = arith.constant 0 : index
    %get3A_21 = vector.load %arg4[%get3A_18, %get3A_19, %get3A_20] : memref<1x3x128xf32, #tpu.memory_space<vmem>>, vector<1x1x128xf32>
    %get3A_22 = vector.shape_cast %get3A_21 : vector<1x1x128xf32> to vector<128xf32>
    %broadcast_in_dim3A = vector.shape_cast %get3A_22 : vector<128xf32> to vector<1x128xf32>
    %mul3A = vector.broadcast %get3A_17 : vector<400x1xf32> to vector<400x128xf32>
    %mul3A_23 = vector.broadcast %broadcast_in_dim3A : vector<1x128xf32> to vector<400x128xf32>
    %mul3A_24 = arith.mulf %mul3A, %mul3A_23 : vector<400x128xf32>
    %add3A = arith.addf %dot_general3A_14, %mul3A_24 : vector<400x128xf32>
    %swap3A = arith.constant 0 : index
    %swap3A_25 = arith.constant 0 : index
    %swap3A_26 = vector.load %arg6[%swap3A, %swap3A_25] : memref<400x128xf32, #tpu.memory_space<vmem>>, vector<400x128xf32>
    tpu.vector_store %arg6[%swap3A, %swap3A_25], %add3A {strides = array<i32>} : memref<400x128xf32, #tpu.memory_space<vmem>>, vector<400x128xf32>,
    return
  }
  func.func @transform_0(%arg0: i32) -> (i32, i32, i32) {
    %c0_i32 = arith.constant 0 : i32
    %c0_i32_0 = arith.constant 0 : i32
    %c0_i32_1 = arith.constant 0 : i32
    return %c0_i32, %arg0, %c0_i32_0 : i32, i32, i32
  }
  func.func @transform_1(%arg0: i32) -> (i32, i32) {
    %c0_i32 = arith.constant 0 : i32
    %c0_i32_0 = arith.constant 0 : i32
    return %arg0, %c0_i32 : i32, i32
  }
  func.func @transform_2(%arg0: i32) -> (i32, i32, i32) {
    %c0_i32 = arith.constant 0 : i32
    %c0_i32_0 = arith.constant 0 : i32
    %c0_i32_1 = arith.constant 0 : i32
    %c0_i32_2 = arith.constant 0 : i32
    return %c0_i32, %c0_i32_0, %c0_i32_1 : i32, i32, i32
  }
  func.func @transform_3(%arg0: i32) -> (i32, i32, i32) {
    %c0_i32 = arith.constant 0 : i32
    %c0_i32_0 = arith.constant 0 : i32
    %c0_i32_1 = arith.constant 0 : i32
    %c0_i32_2 = arith.constant 0 : i32
    return %c0_i32, %c0_i32_0, %c0_i32_1 : i32, i32, i32
  }
  func.func @transform_5(%arg0: i32) -> (i32, i32) {
    %c2_i32 = arith.constant 2 : i32
    %c0_i32 = arith.constant 0 : i32
    return %arg0, %c2_i32 : i32, i32
  }
}

</mosaic_0001>

<sc_bundles>
// kernel: kernel.6.cloned.1.call-start
scs
__scs_entry_jumppad:
0x0: {  	(pc) =	sbr.rel $0x88, $3  }
0x1: {  	(tag) =	ssettag $0x0;
	lr =	simm.s32 $0x1  }
0x2: {  	[smem:$0x3F99] =	sst lr;
	_ =	strace $0xD0000000  }
0x3: {  	_ = 	snop  }
0x4: {  	_ = 	snop  }
0x5: {  	_ = 	snop  }
0x6: {  	_ = 	snop  }
0x7: {  	_ = 	snop  }
__scs_overlays_trampoline_lowered:
0x8: {  	[smem:$0x3FA8] =	sst s0  }
0x9: {  	[smem:$0x3FA9] =	sst s1  }
0xa: {  	[smem:$0x3FAA] =	sst s2  }
0xb: {  	[smem:$0x3FAB] =	sst s3  }
0xc: {  	[smem:$0x3FAC] =	sst s4  }
0xd: {  	[smem:$0x3FAD] =	sst s5  }
0xe: {  	[smem:$0x3FAE] =	sst s6  }
0xf: {  	[smem:$0x3FAF] =	sst s7  }
0x10: {  	[smem:$0x3FB0] =	sst s8  }
0x11: {  	[smem:$0x3FB1] =	sst s9;
	s0 =	simm.s32 @!p0 $0x0  }
0x12: {  	s1 =	sld [smem:$0x3F97];
	s0 =	simm.s32 @p0 $0x1  }
0x13: {  	[smem:$0x3FB2] =	sst s0;
	s0 =	simm.s32 @!p1 $0x0  }
0x14: {  	s2 =	sld [smem:$0x3F96];
	s0 =	simm.s32 @p1 $0x1  }
0x15: {  	[smem:$0x3FB3] =	sst s0;
	s0 =	simm.s32 @!p2 $0x0  }
0x16: {  	s3 =	sld [smem:$0x3FDB];
	s0 =	simm.s32 @p2 $0x1  }
0x17: {  	s4 =	simm.s32 $0x1BF5;
	[smem:$0x3FB5] =	sst s0  }
0x18: {  	s0 =	sld [smem:$0x3F98];
	_ =	swait.ge [sflag:s4], $0x0  }
0x19: {  	s7 =	sld [smem:$0x3F99]  }
0x1a: {  	s8 =	sadd.s32 $0xFFFFE003, lr  }
0x1b: {  	s9 =	sadd.s32 $0xFFFFFEF7, lr;
	s5 =	simm.s32 $0xFFFFFFFF;
	p2 =	slt.u32 s8, $0xFFFFF086  }
0x1c: {  	p1 =	slt.u32 s9, $0xF7A;
	s5 =	simm.s32 @!p2 $0x0  }
0x1d: {  	s5 =	simm.s32 @p1 $0x1;
	p0 =	seq.s32 s7, s2  }
0x1e: {  	s7 =	smul.u32 @!p0 $0xF7A, s2;
	p2 =	seq.s32 @!p0 s5, $0x0  }
0x1f: {  	s9 =	smul.u32 $0xF7A, s1;
	s8 =	simm.s32 @!p0 $0x1BF5;
	p2 =	por !p2, p0  }
0x20: {  	[sflag:s8] =	ssyncset.s32 @!p0 $0xFFFFF086;
	s6 =	sadd.s32 @!p0 s3, s7;
	s7 =	simm.s32 @!p0 $0x108  }
0x21: {  	s3 =	sadd.s32 s3, s9;
	s6 =	sadd.s32 @!p0 $0x88, s6;
	s7 =	simm.s32 @p2 $0x1082  }
0x22: {  	[simem:s7], [sflag:s8] =	dma.local @!p0 [hbm:s6], $0xF7A  }
0x23: {  	s9 =	sor.u32 $0xD0000000, s2;
	s6 =	simm.s32 $0x108;
	_ =	swait.ge @!p0 [sflag:s8], $0x0  }
0x24: {  	s3 =	sadd.s32 $0x88, s3;
	s6 =	simm.s32 @!p1 $0x1082;
	[sflag:s4] =	ssyncset.s32 $0xFFFFF086  }
0x25: {  	[simem:s6], [sflag:s4] =	dma.local [hbm:s3], $0xF7A  }
0x26: {  	[smem:$0x3F99] =	sst s1;
	(tag) =	ssettag s2;
	_ =	strace s9  }
0x27: {  	s1 =	sld [smem:$0x3FA9]  }
0x28: {  	s2 =	sld [smem:$0x3FAA]  }
0x29: {  	s4 =	sld [smem:$0x3FAC]  }
0x2a: {  	p0 =	seq.s32 s5, $0x0;
	s5 =	sld [smem:$0x3FAD]  }
0x2b: {  	s6 =	sld [smem:$0x3FAE]  }
0x2c: {  	s7 =	sld [smem:$0x3FAF]  }
0x2d: {  	s3 =	simm.s32 $0x108;
	s8 =	sld [smem:$0x3FB0]  }
0x2e: {  	s3 =	simm.s32 @!p0 $0x1082;
	s9 =	sld [smem:$0x3FB1]  }
0x2f: {  	lr =	sadd.s32 s0, s3;
	s0 =	sld [smem:$0x3FA8]  }
0x30: {  	s3 =	sld [smem:$0x3FAB]  }
0x31: {  	[smem:$0x3FB4] =	sst s10  }
0x32: {  	s10 =	sld [smem:$0x3FB2];
	_ =	sdelay $0x3  }
0x33: {  	p0 =	seq.s32 s10, $0x1;
	s10 =	sld [smem:$0x3FB4];
	_ =	sdelay $0x3  }
0x34: {  	[smem:$0x3FB4] =	sst s10  }
0x35: {  	s10 =	sld [smem:$0x3FB3];
	_ =	sdelay $0x3  }
0x36: {  	p1 =	seq.s32 s10, $0x1;
	s10 =	sld [smem:$0x3FB4];
	_ =	sdelay $0x3  }
0x37: {  	[smem:$0x3FB4] =	sst s10  }
0x38: {  	s10 =	sld [smem:$0x3FB5]  }
0x39: {  	_ = 	snop;
	(pc) =	sbr.ind lr, $3  }
0x3a: {  	_ = 	snop  }
0x3b: {  	_ = 	snop  }
0x3c: {  	p2 =	seq.s32 s10, $0x1;
	s10 =	sld [smem:$0x3FB4]  }
0x3d: {  	_ =	shalt  }
0x3e: {  	_ =	shalt  }
0x3f: {  	_ =	shalt  }
0x40: {  	_ =	shalt  }
0x41: {  	_ =	shalt  }
0x42: {  	_ =	shalt  }
0x43: {  	_ =	shalt  }
0x44: {  	_ =	shalt  }
0x45: {  	_ =	shalt  }
0x46: {  	_ =	shalt  }
0x47: {  	_ =	shalt  }
0x48: {  	_ =	shalt  }
0x49: {  	_ =	shalt  }
0x4a: {  	_ =	shalt  }
0x4b: {  	_ =	shalt  }
0x4c: {  	_ =	shalt  }
0x4d: {  	_ =	shalt  }
0x4e: {  	_ =	shalt  }
0x4f: {  	_ =	shalt  }
0x50: {  	_ =	shalt  }
0x51: {  	_ =	shalt  }
0x52: {  	_ =	shalt  }
0x53: {  	_ =	shalt  }
0x54: {  	_ =	shalt  }
0x55: {  	_ =	shalt  }
0x56: {  	_ =	shalt  }
0x57: {  	_ =	shalt  }
0x58: {  	_ =	shalt  }
0x59: {  	_ =	shalt  }
0x5a: {  	_ =	shalt  }
0x5b: {  	_ =	shalt  }
0x5c: {  	_ =	shalt  }
0x5d: {  	_ =	shalt  }
0x5e: {  	_ =	shalt  }
0x5f: {  	_ =	shalt  }
0x60: {  	_ =	shalt  }
0x61: {  	_ =	shalt  }
0x62: {  	_ =	shalt  }
0x63: {  	_ =	shalt  }
0x64: {  	_ =	shalt  }
0x65: {  	_ =	shalt  }
0x66: {  	_ =	shalt  }
0x67: {  	_ =	shalt  }
0x68: {  	_ =	shalt  }
0x69: {  	_ =	shalt  }
0x6a: {  	_ =	shalt  }
0x6b: {  	_ =	shalt  }
0x6c: {  	_ =	shalt  }
0x6d: {  	_ =	shalt  }
0x6e: {  	_ =	shalt  }
0x6f: {  	_ =	shalt  }
0x70: {  	_ =	shalt  }
0x71: {  	_ =	shalt  }
0x72: {  	_ =	shalt  }
0x73: {  	_ =	shalt  }
0x74: {  	_ =	shalt  }
0x75: {  	_ =	shalt  }
0x76: {  	_ =	shalt  }
0x77: {  	_ =	shalt  }
0x78: {  	_ =	shalt  }
0x79: {  	_ =	shalt  }
0x7a: {  	_ =	shalt  }
0x7b: {  	_ =	shalt  }
0x7c: {  	_ =	shalt  }
0x7d: {  	_ =	shalt  }
0x7e: {  	_ =	shalt  }
0x7f: {  	_ =	shalt  }
0x80: {  	_ =	shalt  }
0x81: {  	_ =	shalt  }
0x82: {  	_ =	shalt  }
0x83: {  	_ =	shalt  }
0x84: {  	_ =	shalt  }
0x85: {  	_ =	shalt  }
0x86: {  	_ =	shalt  }
0x87: {  	_ =	shalt  }
.Lfunc_end0:
.L_simem_size_0:
called_computation_lowered:
.L_overlay_start_0:
0x88: {  	s2 =	sld [smem:$0x3FD9]  }
0x89: {  	s3 =	sld [smem:$0x3FFE];
	_ =	sdelay $0x1  }
0x8a: {  	s1 =	srdreg.scid  }
0x8b: {  	s0 =	sand.u32 $0x1, s1  }
0x8c: {  	s17 =	sshll.u32 s0, $0xA;
	s2 =	sadd.s32 s3, s2  }
0x8d: {  	s2 =	sadd.s32 s2, s17  }
0x8e: {  	[smem:$0x3FC0] =	sst s2  }
0x8f: {  	_ = 	snop  }
0x90: {  	s2 =	sld [smem:$0x3FC9];
	(tm) =	ssettm $0x1  }
0x91: {  	s18 =	sld [smem:$0x3FFB];
	_ =	sdelay $0x3  }
0x92: {  	_ =	strace s18  }
0x93: {  	s3 =	sld [smem:$0x3FFC];
	_ =	sdelay $0x3  }
0x94: {  	_ =	strace s3  }
0x95: {  	s3 =	sld [smem:$0x3FFD];
	_ =	sdelay $0x3  }
0x96: {  	_ =	strace s3  }
0x97: {  	_ =	strace $0x8FFFFFFF  }
0x98: {  	s19 =	sld [smem:$0x3FDB];
	_ =	sdelay $0x1  }
0x99: {  	s4 =	simm.s32 $_scs_section_size  }
0x9a: {  	s5 =	simm.s32 $_size__tile_overlayer_lowered;
	s6 =	simm.s32 $_tile_overlayer_lowered  }
0x9b: {  	s22 =	simm.s32 $0x1BFF;
	s21 =	sshll.u32 s6, $0x1;
	s3 =	sadd.s32 s4, s19  }
0x9c: {  	s7 =	simm.s32 $0x0;
	s20 =	sshll.u32 s5, $0x1;
	s5 =	sadd.s32 s21, s3  }
0x9d: {  	[timem:s7], [sflag:s22] =	dma.local [hbm:s5], s20  }
0x9e: {  	_ =	swait.ge [sflag:s22], s20  }
0x9f: {  	s4 =	ssub.s32 $0x0, s20;
	[sflag:s22] =	ssyncset.done $0x0  }
0xa0: {  	[sflag:s22] =	ssyncadd.s32 s4;
	_ =	sdelay $0x1  }
0xa1: {  	s23 =	simm.s32 $0x1B8B  }
0xa2: {  	_ =	swait.ge [sflag:s23], $0x1  }
0xa3: {  	[sflag:s23] =	ssyncset.done $0x0  }
0xa4: {  	s25 =	simm.s32 $0x1B8E;
	s24 =	sld [smem:$0x3FFE];
	[sflag:s23] =	ssyncadd.s32 $0xFFFFFFFF  }
0xa5: {  	s26 =	simm.s32 $execute0_lowered;
	[smem:$0x3FD2] =	sst s25  }
0xa6: {  	s5 =	sshll.u32 s26, $0x1;
	_ =	strace $0x80000046;
	[dreg:$0x1] =	wrdreg $0xFFFFFFFF  }
0xa7: {  	s28 =	simm.s32 $_size_execute0_lowered;
	s3 =	sadd.s32 s3, s5;
	[dreg:$0x0] =	wrdreg $0x0  }
0xa8: {  	s5 =	sshll.u32 s28, $0x1;
	[dreg:$0x2] =	wrdreg s3  }
0xa9: {  	[dreg:$0x3] =	wrdreg s5  }
0xaa: {  	[dreg:$0x4] =	wrdreg $0xC0  }
0xab: {  	_ =	task [dreg:s7], $0x5FFFF  }
0xac: {  	[dreg:$0x1] =	wrdreg $0xFFFFFFFF  }
0xad: {  	[dreg:$0x0] =	wrdreg $0x60  }
0xae: {  	[dreg:$0x2] =	wrdreg s2  }
0xaf: {  	[dreg:$0x3] =	wrdreg s24  }
0xb0: {  	[dreg:$0x4] =	wrdreg $0x8BA00  }
0xb1: {  	[dreg:$0x5] =	wrdreg $0x12BA00  }
0xb2: {  	[dreg:$0x6] =	wrdreg $0x1CBA00  }
0xb3: {  	[dreg:$0x7] =	wrdreg $0x9  }
0xb4: {  	_ =	task.clear_ibuf [dreg:s7], $0x8FFFF;
	_ =	strace $0x90000046  }
0xb5: {  	s29 =	simm.s32 $0x9;
	_ =	strace $0x80000048  }
0xb6: {  	_ =	swait.ge [sflag:s29], $0x1  }
0xb7: {  	[sflag:s29] =	ssyncadd.s32 $0xFFFFFFFF  }
0xb8: {  	_ =	strace $0x90000048  }
0xb9: {  	_ =	sfence  }
0xba: {  	s30 =	sld [smem:$0x0];
	_ =	sdelay $0x2  }
0xbb: {  	s31 =	sshll.u32 s1, $0xD;
	s1 =	sshrl.u32 s1, $0x2  }
0xbc: {  	s3 =	sand.u32 $0x4000, s31;
	s1 =	sadd.s32 s1, s30  }
0xbd: {  	s0 =	sor.u32 s3, s0;
	s1 =	sshll.u32 s1, $0x11  }
0xbe: {  	s0 =	sor.u32 s1, s0  }
0xbf: {  	s0 =	sadd.s32 $0x8F2B, s0  }
0xc0: {  	[sflag:s0] =	ssyncadd.remote.s32 $0x1  }
0xc1: {  	_ =	sfence.sel $0xFFFF  }
0xc2: {  	[dreg:$0x0] =	wrdreg $0xFFFFFFFF;
	(pc) =	sbr.abs _section_cstart, $3  }
0xc3: {  	[dreg:$0x1] =	wrdreg $0xFFFFFFFF  }
0xc4: {  	_ =	task.clear_ibuf [dreg:s7], $0x2FFFF;
	_ =	strace $0x9FFFFFFF  }
0xc5: {  	(tm) =	ssettm $0x7FFFFFFF  }
tec
execute0_lowered:
.L_overlay_start_1:
0x0: {  	(tag) =	ssettag $0x1  }
0x1: {  	s0 =	rddreg [dreg:$0x0]  }
0x2: {  	s2 =	rddreg [dreg:$0x1]  }
0x3: {  	s1 =	rddreg [dreg:$0x2]  }
0x4: {  	s3 =	rddreg [dreg:$0x3]  }
0x5: {  	s19 =	rddreg [dreg:$0x4]  }
0x6: {  	s4 =	srdreg.scid;
	s17 =	stileid.u32;
	s5 =	simm.s32 $0x0  }
0x7: {  	s28 =	simm.s32 $0x300;
	s29 =	simm.s32 $0x100;
	s7 =	smul.u32 $0xA000, s17  }
0x8: {  	s30 =	simm.s32 $0x4;
	s31 =	simm.s32 $0x2;
	s10 =	smul.u32 $0x280, s17  }
0x9: {  	s4 =	sand.u32 $0x1, s4;
	[smem:$0x7FF] =	sst s5;
	s11 =	smul.u32 $0x27100, s17  }
0xa: {  	s9 =	sadd.s32 $0xC200, s2;
	s13 =	sadd.s32 $0x2200, s2;
	s12 =	smul.u32 $0x13880, s17  }
0xb: {  	s6 =	smul.u32 $0xA0000, s4;
	_ =	strace $0x80000047;
	s25 =	ssub.s32 $0x2, s4  }
0xc: {  	s16 =	sshll.u32 s4, $0x6;
	p0 =	sne.s32 s4, $0x0;
	s24 =	sshrl.u32 s10, $0x3  }
0xd: {  	s15 =	sshrl.u32 s25, $0x1;
	s26 =	sor.u32 s16, s12;
	s16 =	smul.u32 $0x4F80, s17  }
0xe: {  	s11 =	sshrl.u32 s11, $0x2;
	s12 =	sshll.u32 s17, $0x6;
	s17 =	smul.u32 $0x9F0, s17  }
0xf: {  	s10 =	sadd.s32 s10, s19;
	s8 =	sadd.s32 s7, s6;
	s6 =	sadd.s32 $0x16200, s2  }
0x10: {  	s15 =	ssub.s32 s25, s15;
	s18 =	sadd.s32 s11, s1;
	s7 =	sadd.s32 s7, s3  }
0x11: {  	s25 =	simm.s32 $0x280;
	s8 =	sshrl.u32 s8, $0x3;
	[dreg:$0x9] =	wrdreg s7  }
0x12: {  	s19 =	sshrl.u32 s16, $0x3;
	s11 =	sadd.s32 s9, s17;
	s23 =	smax.u32 s15, $0x1  }
0x13: {  	[dreg:$0x6] =	wrdreg s25;
	s25 =	simm.s32 $0x80;
	s14 =	sadd.s32 s8, s2  }
0x14: {  	s2 =	sadd.s32 s24, s2;
	s8 =	sshrl.u32 s26, $0x3;
	s20 =	sadd.s32 $0x10, s19  }
0x15: {  	[dreg:$0xe] =	wrdreg s23;
	s24 =	sshrl.u32 s18, $0x3;
	s26 =	simm.s32 $0x4300  }
0x16: {  	s23 =	simm.s32 $0x6300;
	s19 =	simm.s32 $0x5;
	s0 =	sadd.s32 s0, s8  }
0x17: {  	s8 =	sor.u32 $0x1C0A, s12;
	s12 =	sadd.s32 s13, s17;
	[dreg:$0xf] =	wrdreg s24  }
0x18: {  	s7 =	sadd.s32 s9, s20;
	s21 =	sadd.s32 $0x17600, s14;
	[dreg:$0x7] =	wrdreg s26  }
0x19: {  	s22 =	sadd.s32 $0x3F600, s2;
	s24 =	simm.s32 $0x180;
	[dreg:$0x8] =	wrdreg s0  }
0x1a: {  	v0 =	vimm.f32 $1.000000000e+00;
	v1 =	vlaneseq.u32;
	s26 =	simm.s32 $0x200;
	s2 =	simm.s32 $0x7;
	[dreg:$0xa] =	wrdreg s7  }
0x1b: {  	v2 =	vor.u32 $0x50, v1;
	v3 =	vor.u32 $0x10, v1;
	v4 =	vor.u32 $0x60, v1;
	s9 =	simm.s32 $0x0;
	s0 =	sadd.s32 s13, s20;
	[dreg:$0xc] =	wrdreg s21  }
0x1c: {  	v5 =	vor.u32 $0x20, v1;
	v6 =	vor.u32 $0x70, v1;
	v7 =	vor.u32 $0x30, v1;
	[dreg:$0xd] =	wrdreg s22;
	s20 =	simm.s32 $0x8;
	s22 =	simm.s32 $0xA  }
0x1d: {  	v8 =	vor.u32 $0x80, v1;
	v9 =	vor.u32 $0x40, v1;
	v10 =	vor.u32 $0x90, v1;
	s21 =	simm.s32 $0x3;
	[dreg:$0xb] =	wrdreg s0;
	s0 =	simm.s32 $0x2300  }
.LBB2_1:
0x1e: {  	s4 =	rddreg [dreg:$0x8]  }
0x1f: {  	s7 =	rddreg [dreg:$0xf];
	s13 =	simm.s32 $0x1;
	s14 =	simm.s32 $0x10  }
0x20: {  	[spmem:s7@s20], [sflag:s8] =	dma.strided [hbm:s4@s14], $0x1388, s13, $0x8   }
0x21: {  	_ =	swait.ge [sflag:s22], $0x1388  }
0x22: {  	[sflag:s22] =	ssyncset.done $0x0;
	s15 =	rddreg [dreg:$0x9]  }
0x23: {  	[sflag:s22] =	ssyncadd.s32 $0xFFFFEC78;
	s13 =	sshrl.u32 s15, $0x3  }
0x24: {  	[spmem:s13], [sflag:s8] =	dma.local [hbm:s6], $0x1400  }
0x25: {  	_ =	swait.ge [sflag:s22], $0x1400  }
0x26: {  	[sflag:s22] =	ssyncset.done $0x0  }
0x27: {  	[sflag:s22] =	ssyncadd.s32 $0xFFFFEC00  }
0x28: {  	[tilespmem:s23], [sflag:$0xA] =	stream.linear.gather [hbm4b:s6+s5], $0x2800, $0x38;
	[tilespmem:$0x1CE20] =	vst v63  }
0x29: {  	_ =	swait.ge [sflag:s22], $0x2800  }
0x2a: {  	[sflag:s22] =	ssyncset.done $0x0  }
0x2b: {  	s16 =	sshrl.u32 s10, $0x3;
	[sflag:s22] =	ssyncadd.s32 $0xFFFFD800  }
0x2c: {  	[spmem:s16], [sflag:s8] =	dma.local [hbm:s6], $0x50  }
0x2d: {  	_ =	swait.ge [sflag:s22], $0x50  }
0x2e: {  	[sflag:s22] =	ssyncset.done $0x0  }
0x2f: {  	[sflag:s22] =	ssyncadd.s32 $0xFFFFFFB0  }
0x30: {  	[bflag:$0x0] =	sbarrier.arrive $0xFFFF  }
0x31: {  	[tilespmem:s5], [sflag:$0xA] =	stream.linear.gather [hbm4b:s11+s5], $0x80, $0x38;
	[tilespmem:$0x1CE20] =	vst v63  }
0x32: {  	_ =	swait.ge [sflag:s22], $0x80  }
0x33: {  	[sflag:s22] =	ssyncset.done $0x0  }
0x34: {  	[sflag:s22] =	ssyncadd.s32 $0xFFFFFF80  }
0x35: {  	[tilespmem:s24], [sflag:$0xA] =	stream.linear.gather [hbm4b:s12+s5], $0x80, $0x38;
	[tilespmem:$0x1CE20] =	vst v63  }
0x36: {  	_ =	swait.ge [sflag:s22], $0x80  }
0x37: {  	[sflag:s22] =	ssyncset.done $0x0  }
0x38: {  	s17 =	rddreg [dreg:$0xa];
	[sflag:s22] =	ssyncadd.s32 $0xFFFFFF80  }
0x39: {  	[tilespmem:s25], [sflag:$0x2] =	stream.linear.gather [hbm4b:s17+s5], $0x80, $0x38;
	[tilespmem:$0x1CE20] =	vst v63  }
0x3a: {  	s18 =	rddreg [dreg:$0xb]  }
0x3b: {  	[tilespmem:s26], [sflag:$0x2] =	stream.linear.gather [hbm4b:s18+s5], $0x80, $0x38;
	[tilespmem:$0x1CE20] =	vst v63  }
0x3c: {  	s14 =	simm.s32 $0x0  }
0x3d: {  	[tilespmem:s28], [sflag:$0x4] =	stream.indirect.gather [spmem:s1], $0x40, s5, s25, $0xb8;
	[tilespmem:$0x1CE20] =	vst v63  }
.LBB2_2:
0x3e: {  	p1 =	seq.s32 s14, $0x0  }
0x3f: {  	s15 =	simm.s32 @!p1 $0x9  }
0x40: {  	_ =	swait.ge @!p1 [sflag:s15], $0x2000  }
0x41: {  	s16 =	sadd.s32 s14, s11;
	[sflag:s15] =	ssyncset.done @!p1 $0x0  }
0x42: {  	s17 =	sadd.s32 s14, s12;
	s4 =	sadd.s32 $0x20, s16;
	[sflag:s15] =	ssyncadd.s32 @!p1 $0xFFFFE000  }
0x43: {  	[tilespmem:s29], [sflag:$0x3] =	stream.linear.gather [hbm4b:s4+s5], $0x80, $0x38;
	[tilespmem:$0x1CE20] =	vst v63  }
0x44: {  	s16 =	sadd.s32 $0x20, s17;
	s7 =	rddreg [dreg:$0x6]  }
0x45: {  	[tilespmem:s7], [sflag:$0x3] =	stream.linear.gather [hbm4b:s16+s5], $0x80, $0x38;
	[tilespmem:$0x1CE20] =	vst v63  }
0x46: {  	_ =	swait.ge [sflag:s30], $0x2000  }
0x47: {  	[sflag:s30] =	ssyncset.done $0x0  }
0x48: {  	[sflag:s30] =	ssyncadd.s32 $0xFFFFE000  }
0x49: {  	[spmem:s3] =	stream.indirect.scatter.add.f32 [tilespmem:s28], [sflag:$0x7], $0x40, s24, s25, $0xb8;
	[tilespmem:$0x1CE20] =	vst v63  }
0x4a: {  	_ =	swait.ge [sflag:s31], $0x80  }
0x4b: {  	[sflag:s31] =	ssyncset.done $0x0  }
0x4c: {  	[sflag:s31] =	ssyncadd.s32 $0xFFFFFF80  }
0x4d: {  	_ =	swait.ge [sflag:s31], $0x80  }
0x4e: {  	[sflag:s31] =	ssyncset.done $0x0  }
0x4f: {  	[sflag:s31] =	ssyncadd.s32 $0xFFFFFF80  }
0x50: {  	[tilespmem:s0], [sflag:$0x5] =	stream.indirect.gather [spmem:s1], $0x40, s25, s25, $0xb8;
	[tilespmem:$0x1CE20] =	vst v63  }
0x51: {  	v11 =	vld [tilespmem:$0x180];
	_ =	sdelay $0x7  }
0x52: {  	[tilespmem:v11+s23+$0x0] =	vst.idx.add.f32.msk $0xffff, v0  }
0x53: {  	v11 =	vld [tilespmem:$0x190];
	_ =	sdelay $0x7  }
0x54: {  	[tilespmem:v11+s23+$0x0] =	vst.idx.add.f32.msk $0xffff, v0  }
0x55: {  	v11 =	vld [tilespmem:$0x1A0];
	_ =	sdelay $0x7  }
0x56: {  	[tilespmem:v11+s23+$0x0] =	vst.idx.add.f32.msk $0xffff, v0  }
0x57: {  	v11 =	vld [tilespmem:$0x1B0];
	_ =	sdelay $0x7  }
0x58: {  	[tilespmem:v11+s23+$0x0] =	vst.idx.add.f32.msk $0xffff, v0  }
0x59: {  	v11 =	vld [tilespmem:$0x1C0];
	_ =	sdelay $0x7  }
0x5a: {  	[tilespmem:v11+s23+$0x0] =	vst.idx.add.f32.msk $0xffff, v0  }
0x5b: {  	v11 =	vld [tilespmem:$0x1D0];
	_ =	sdelay $0x7  }
0x5c: {  	[tilespmem:v11+s23+$0x0] =	vst.idx.add.f32.msk $0xffff, v0  }
0x5d: {  	v11 =	vld [tilespmem:$0x1E0];
	_ =	sdelay $0x7  }
0x5e: {  	[tilespmem:v11+s23+$0x0] =	vst.idx.add.f32.msk $0xffff, v0  }
0x5f: {  	v11 =	vld [tilespmem:$0x1F0];
	_ =	sdelay $0x7  }
0x60: {  	[tilespmem:v11+s23+$0x0] =	vst.idx.add.f32.msk $0xffff, v0  }
0x61: {  	p1 =	seq.s32 s14, $0x9C0;
	_ =	swait.ge [sflag:s2], $0x2000  }
0x62: {  	s16 =	sadd.s32 @!p1 s14, s11;
	[sflag:s2] =	ssyncset.done $0x0  }
0x63: {  	s15 =	simm.s32 @!p1 $0x0;
	s17 =	sadd.s32 @!p1 $0x30, s16;
	[sflag:s2] =	ssyncadd.s32 $0xFFFFE000  }
0x64: {  	[tilespmem:s15], [sflag:$0x1] =	stream.linear.gather @!p1 [hbm4b:s17+s15], $0x80, $0x38;
	[tilespmem:$0x1CE20] =	vst v63  }
0x65: {  	s17 =	sadd.s32 @!p1 s14, s12  }
0x66: {  	s7 =	simm.s32 @!p1 $0x180;
	s18 =	sadd.s32 @!p1 $0x30, s17  }
0x67: {  	[tilespmem:s7], [sflag:$0x1] =	stream.linear.gather @!p1 [hbm4b:s18+s15], $0x80, $0x38;
	[tilespmem:$0x1CE20] =	vst v63  }
0x68: {  	_ =	swait.ge [sflag:s19], $0x2000  }
0x69: {  	[sflag:s19] =	ssyncset.done $0x0  }
0x6a: {  	[sflag:s19] =	ssyncadd.s32 $0xFFFFE000  }
0x6b: {  	[spmem:s3] =	stream.indirect.scatter.add.f32 [tilespmem:s0], [sflag:$0x8], $0x40, s26, s25, $0xb8;
	[tilespmem:$0x1CE20] =	vst v63  }
0x6c: {  	_ =	swait.ge [sflag:s21], $0x80  }
0x6d: {  	[sflag:s21] =	ssyncset.done $0x0  }
0x6e: {  	[sflag:s21] =	ssyncadd.s32 $0xFFFFFF80  }
0x6f: {  	_ =	swait.ge [sflag:s21], $0x80  }
0x70: {  	[sflag:s21] =	ssyncset.done $0x0  }
0x71: {  	s18 =	rddreg [dreg:$0x7];
	[sflag:s21] =	ssyncadd.s32 $0xFFFFFF80  }
0x72: {  	[tilespmem:s18], [sflag:$0x6] =	stream.indirect.gather [spmem:s1], $0x40, s29, s25, $0xb8;
	[tilespmem:$0x1CE20] =	vst v63  }
0x73: {  	v11 =	vld [tilespmem:$0x200];
	_ =	sdelay $0x7  }
0x74: {  	[tilespmem:v11+s23+$0x0] =	vst.idx.add.f32.msk $0xffff, v0  }
0x75: {  	v11 =	vld [tilespmem:$0x210];
	_ =	sdelay $0x7  }
0x76: {  	[tilespmem:v11+s23+$0x0] =	vst.idx.add.f32.msk $0xffff, v0  }
0x77: {  	v11 =	vld [tilespmem:$0x220];
	_ =	sdelay $0x7  }
0x78: {  	[tilespmem:v11+s23+$0x0] =	vst.idx.add.f32.msk $0xffff, v0  }
0x79: {  	v11 =	vld [tilespmem:$0x230];
	_ =	sdelay $0x7  }
0x7a: {  	[tilespmem:v11+s23+$0x0] =	vst.idx.add.f32.msk $0xffff, v0  }
0x7b: {  	v11 =	vld [tilespmem:$0x240];
	_ =	sdelay $0x7  }
0x7c: {  	[tilespmem:v11+s23+$0x0] =	vst.idx.add.f32.msk $0xffff, v0  }
0x7d: {  	v11 =	vld [tilespmem:$0x250];
	_ =	sdelay $0x7  }
0x7e: {  	[tilespmem:v11+s23+$0x0] =	vst.idx.add.f32.msk $0xffff, v0  }
0x7f: {  	v11 =	vld [tilespmem:$0x260];
	_ =	sdelay $0x7  }
0x80: {  	[tilespmem:v11+s23+$0x0] =	vst.idx.add.f32.msk $0xffff, v0  }
0x81: {  	v11 =	vld [tilespmem:$0x270];
	_ =	sdelay $0x7  }
0x82: {  	[tilespmem:v11+s23+$0x0] =	vst.idx.add.f32.msk $0xffff, v0  }
0x83: {  	_ =	swait.ge [sflag:s20], $0x2000  }
0x84: {  	[sflag:s20] =	ssyncset.done $0x0  }
0x85: {  	s7 =	simm.s32 @p1 $0x6;
	[sflag:s20] =	ssyncadd.s32 $0xFFFFE000  }
0x86: {  	_ =	swait.ge @p1 [sflag:s7], $0x2000  }
0x87: {  	s4 =	simm.s32 @p1 $0x4300;
	[sflag:s7] =	ssyncset.done @p1 $0x0  }
0x88: {  	s18 =	simm.s32 @p1 $0x280;
	[sflag:s7] =	ssyncadd.s32 @p1 $0xFFFFE000;
	s7 =	simm.s32 @p1 $0x80  }
0x89: {  	[spmem:s3] =	stream.indirect.scatter.add.f32 @p1 [tilespmem:s4], [sflag:$0x9], $0x40, s18, s7, $0xb8;
	[tilespmem:$0x1CE20] =	vst v63  }
0x8a: {  	s4 =	sadd.s32 @!p1 $0x40, s16;
	s7 =	simm.s32 @!p1 $0x80  }
0x8b: {  	[tilespmem:s7], [sflag:$0x2] =	stream.linear.gather @!p1 [hbm4b:s4+s15], $0x80, $0x38;
	[tilespmem:$0x1CE20] =	vst v63  }
0x8c: {  	s16 =	simm.s32 @!p1 $0x200;
	s4 =	sadd.s32 @!p1 $0x40, s17  }
0x8d: {  	[tilespmem:s16], [sflag:$0x2] =	stream.linear.gather @!p1 [hbm4b:s4+s15], $0x80, $0x38;
	[tilespmem:$0x1CE20] =	vst v63  }
0x8e: {  	s4 =	simm.s32 @!p1 $0x6  }
0x8f: {  	_ =	swait.ge @!p1 [sflag:s4], $0x2000  }
0x90: {  	[sflag:s4] =	ssyncset.done @!p1 $0x0  }
0x91: {  	s16 =	simm.s32 @!p1 $0x4300;
	[sflag:s4] =	ssyncadd.s32 @!p1 $0xFFFFE000;
	s4 =	simm.s32 @!p1 $0x280  }
0x92: {  	[spmem:s3] =	stream.indirect.scatter.add.f32 @!p1 [tilespmem:s16], [sflag:$0x9], $0x40, s4, s7, $0xb8;
	[tilespmem:$0x1CE20] =	vst v63  }
0x93: {  	s4 =	simm.s32 @!p1 $0x1  }
0x94: {  	_ =	swait.ge @!p1 [sflag:s4], $0x80  }
0x95: {  	[sflag:s4] =	ssyncset.done @!p1 $0x0  }
0x96: {  	[sflag:s4] =	ssyncadd.s32 @!p1 $0xFFFFFF80  }
0x97: {  	_ =	swait.ge @!p1 [sflag:s4], $0x80  }
0x98: {  	[sflag:s4] =	ssyncset.done @!p1 $0x0  }
0x99: {  	[sflag:s4] =	ssyncadd.s32 @!p1 $0xFFFFFF80;
	s4 =	simm.s32 @!p1 $0x300  }
0x9a: {  	[tilespmem:s4], [sflag:$0x4] =	stream.indirect.gather @!p1 [spmem:s1], $0x40, s15, s7, $0xb8;
	[tilespmem:$0x1CE20] =	vst v63  }
0x9b: {  	v11 =	vld [tilespmem:$0x280];
	_ =	sdelay $0x7  }
0x9c: {  	[tilespmem:v11+s23+$0x0] =	vst.idx.add.f32.msk $0xffff, v0  }
0x9d: {  	v11 =	vld [tilespmem:$0x290];
	_ =	sdelay $0x7  }
0x9e: {  	[tilespmem:v11+s23+$0x0] =	vst.idx.add.f32.msk $0xffff, v0  }
0x9f: {  	v11 =	vld [tilespmem:$0x2A0];
	_ =	sdelay $0x7  }
0xa0: {  	[tilespmem:v11+s23+$0x0] =	vst.idx.add.f32.msk $0xffff, v0  }
0xa1: {  	v11 =	vld [tilespmem:$0x2B0];
	_ =	sdelay $0x7  }
0xa2: {  	[tilespmem:v11+s23+$0x0] =	vst.idx.add.f32.msk $0xffff, v0  }
0xa3: {  	v11 =	vld [tilespmem:$0x2C0];
	_ =	sdelay $0x7  }
0xa4: {  	[tilespmem:v11+s23+$0x0] =	vst.idx.add.f32.msk $0xffff, v0  }
0xa5: {  	v11 =	vld [tilespmem:$0x2D0];
	_ =	sdelay $0x7  }
0xa6: {  	[tilespmem:v11+s23+$0x0] =	vst.idx.add.f32.msk $0xffff, v0  }
0xa7: {  	v11 =	vld [tilespmem:$0x2E0];
	_ =	sdelay $0x7  }
0xa8: {  	[tilespmem:v11+s23+$0x0] =	vst.idx.add.f32.msk $0xffff, v0  }
0xa9: {  	v11 =	vld [tilespmem:$0x2F0];
	_ =	sdelay $0x1  }
0xaa: {  	s14 =	sadd.s32 $0x30, s14  }
0xab: {  	p1 =	sne.s32 s14, $0x9F0  }
.Ltmp0:
0xac: {  	_ = 	snop;
	(pc) =	sbr.rel @p1 .LBB2_2-.Ltmp0, $2  }
0xad: {  	_ =	sdelay $0x2  }
0xae: {  	[tilespmem:v11+s23+$0x0] =	vst.idx.add.f32.msk $0xffff, v0  }
0xaf: {  	s4 =	simm.s32 $0x9  }
0xb0: {  	_ =	swait.ge [sflag:s4], $0x2000  }
0xb1: {  	[sflag:s4] =	ssyncset.done $0x0  }
0xb2: {  	[sflag:s4] =	ssyncadd.s32 $0xFFFFE000  }
0xb3: {  	[tilespmem:$0x8B00] =	vst v1  }
0xb4: {  	[tilespmem:$0x8B50] =	vst v2  }
0xb5: {  	[tilespmem:$0x8B10] =	vst v3  }
0xb6: {  	[tilespmem:$0x8B60] =	vst v4  }
0xb7: {  	[tilespmem:$0x8B20] =	vst v5  }
0xb8: {  	[tilespmem:$0x8B70] =	vst v6  }
0xb9: {  	[tilespmem:$0x8B30] =	vst v7  }
0xba: {  	[tilespmem:$0x8B80] =	vst v8  }
0xbb: {  	[tilespmem:$0x8B40] =	vst v9  }
0xbc: {  	s7 =	simm.s32 $0x50;
	s14 =	simm.s32 $0x8B00;
	[tilespmem:$0x8B90] =	vst v10;
	s4 =	rddreg [dreg:$0x4]  }
0xbd: {  	[spmem:s4] =	stream.indirect.scatter.add.f32 [tilespmem:s23], [sflag:$0xA], $0x40, s14, s7, $0xb8;
	[tilespmem:$0x1CE20] =	vst v63  }
0xbe: {  	_ =	swait.ge [sflag:s22], $0x1400  }
0xbf: {  	[sflag:s22] =	ssyncset.done $0x0  }
0xc0: {  	s16 =	simm.s32 $0x8B50;
	s15 =	simm.s32 $0x7700;
	[sflag:s22] =	ssyncadd.s32 $0xFFFFEC00  }
0xc1: {  	[spmem:s4] =	stream.indirect.scatter.add.f32 [tilespmem:s15], [sflag:$0xA], $0x40, s16, s7, $0xb8;
	[tilespmem:$0x1CE20] =	vst v63  }
0xc2: {  	_ =	swait.ge [sflag:s22], $0x1400  }
0xc3: {  	[sflag:s22] =	ssyncset.done $0x0  }
0xc4: {  	[sflag:s22] =	ssyncadd.s32 $0xFFFFEC00  }
0xc5: {  	[bflag:$0x0] =	sbarrier.arrive $0xFFFF  }
0xc6: {  	s17 =	rddreg [dreg:$0xc]  }
0xc7: {  	[hbm:s17], [sflag:s8] =	dma.local [spmem:s13], $0x1400  }
0xc8: {  	_ =	swait.ge [sflag:s22], $0x1400  }
0xc9: {  	[sflag:s22] =	ssyncset.done $0x0  }
0xca: {  	s4 =	sshrl.u32 @!p0 s10, $0x3;
	s7 =	rddreg [dreg:$0xd];
	[sflag:s22] =	ssyncadd.s32 $0xFFFFEC00  }
0xcb: {  	[hbm:s7], [sflag:s8] =	dma.local @!p0 [spmem:s4], $0x50  }
0xcc: {  	s4 =	simm.s32 @!p0 $0xA  }
0xcd: {  	_ =	swait.ge @!p0 [sflag:s4], $0x50  }
0xce: {  	s9 =	sadd.s32 $0x1, s9;
	s18 =	rddreg [dreg:$0xe]  }
0xcf: {  	p1 =	sne.s32 s9, s18  }
.Ltmp1:
0xd0: {  	_ = 	snop;
	(pc) =	sbr.rel @p1 .LBB2_1-.Ltmp1, $3  }
0xd1: {  	_ =	sdelay $0x1  }
0xd2: {  	[sflag:s4] =	ssyncset.done @!p0 $0x0  }
0xd3: {  	[sflag:s4] =	ssyncadd.s32 @!p0 $0xFFFFFFB0  }
0xd4: {  	_ =	sfence.sel $0x180000  }
0xd5: {  	[bflag:$0x0] =	sbarrier.arrive $0xFFFF  }
0xd6: {  	_ =	strace $0x90000047  }
0xd7: {  	s0 =	stileid.u32;
	[bflag:$0x2] =	sbarrier.arrive $0xFFFF  }
0xd8: {  	p0 =	sne.s32 s0, $0x0;
	s0 =	rddreg [dreg:$0x5]  }
0xd9: {  	s0 =	sadd.s32 @!p0 $0x100000, s0  }
0xda: {  	[sflag:s0] =	ssyncadd.tile.s32 @!p0 $0x1;
	_ =	shalt  }
.Lfunc_end2:
_tile_overlayer_lowered:
.L_overlay_start_2:
0xdb: {  	(tag) =	ssettag $0x2  }
0xdc: {  	s0 =	rddreg [dreg:$0x0];
	s2 =	stileid.u32  }
0xdd: {  	s1 =	rddreg [dreg:$0x1];
	p0 =	sne.s32 s2, $0x0  }
0xde: {  	s3 =	rddreg [dreg:$0x2];
	[bflag:$0x3] =	sbarrier.arrive $0xFFFF;
	s2 =	simm.s32 @!p0 $0x1C0A  }
0xdf: {  	[timem:s3], [sflag:s2] =	dma.local @!p0 [hbm:s0], s1  }
0xe0: {  	s0 =	simm.s32 @!p0 $0xA  }
0xe1: {  	_ =	swait.ge @!p0 [sflag:s0], s1  }
0xe2: {  	s1 =	ssub.s32 @!p0 $0x0, s1;
	[sflag:s0] =	ssyncset.done @!p0 $0x0  }
0xe3: {  	[sflag:s0] =	ssyncadd.s32 @!p0 s1  }
0xe4: {  	[bflag:$0x3] =	sbarrier.arrive $0xFFFF  }
0xe5: {  	_ =	shalt  }

// kernel: kernel.9.cloned.1.call-start
scs
__scs_entry_jumppad:
0x0: {  	(pc) =	sbr.rel $0x88, $3  }
0x1: {  	(tag) =	ssettag $0x0;
	lr =	simm.s32 $0x1  }
0x2: {  	[smem:$0x3F99] =	sst lr;
	_ =	strace $0xD0000000  }
0x3: {  	_ = 	snop  }
0x4: {  	_ = 	snop  }
0x5: {  	_ = 	snop  }
0x6: {  	_ = 	snop  }
0x7: {  	_ = 	snop  }
__scs_overlays_trampoline_lowered:
0x8: {  	[smem:$0x3FA8] =	sst s0  }
0x9: {  	[smem:$0x3FA9] =	sst s1  }
0xa: {  	[smem:$0x3FAA] =	sst s2  }
0xb: {  	[smem:$0x3FAB] =	sst s3  }
0xc: {  	[smem:$0x3FAC] =	sst s4  }
0xd: {  	[smem:$0x3FAD] =	sst s5  }
0xe: {  	[smem:$0x3FAE] =	sst s6  }
0xf: {  	[smem:$0x3FAF] =	sst s7  }
0x10: {  	[smem:$0x3FB0] =	sst s8  }
0x11: {  	[smem:$0x3FB1] =	sst s9;
	s0 =	simm.s32 @!p0 $0x0  }
0x12: {  	s1 =	sld [smem:$0x3F97];
	s0 =	simm.s32 @p0 $0x1  }
0x13: {  	[smem:$0x3FB2] =	sst s0;
	s0 =	simm.s32 @!p1 $0x0  }
0x14: {  	s2 =	sld [smem:$0x3F96];
	s0 =	simm.s32 @p1 $0x1  }
0x15: {  	[smem:$0x3FB3] =	sst s0;
	s0 =	simm.s32 @!p2 $0x0  }
0x16: {  	s3 =	sld [smem:$0x3FDB];
	s0 =	simm.s32 @p2 $0x1  }
0x17: {  	s4 =	simm.s32 $0x1BF5;
	[smem:$0x3FB5] =	sst s0  }
0x18: {  	s0 =	sld [smem:$0x3F98];
	_ =	swait.ge [sflag:s4], $0x0  }
0x19: {  	s7 =	sld [smem:$0x3F99]  }
0x1a: {  	s8 =	sadd.s32 $0xFFFFE003, lr  }
0x1b: {  	s9 =	sadd.s32 $0xFFFFFEF7, lr;
	s5 =	simm.s32 $0xFFFFFFFF;
	p2 =	slt.u32 s8, $0xFFFFF086  }
0x1c: {  	p1 =	slt.u32 s9, $0xF7A;
	s5 =	simm.s32 @!p2 $0x0  }
0x1d: {  	s5 =	simm.s32 @p1 $0x1;
	p0 =	seq.s32 s7, s2  }
0x1e: {  	s7 =	smul.u32 @!p0 $0xF7A, s2;
	p2 =	seq.s32 @!p0 s5, $0x0  }
0x1f: {  	s9 =	smul.u32 $0xF7A, s1;
	s8 =	simm.s32 @!p0 $0x1BF5;
	p2 =	por !p2, p0  }
0x20: {  	[sflag:s8] =	ssyncset.s32 @!p0 $0xFFFFF086;
	s6 =	sadd.s32 @!p0 s3, s7;
	s7 =	simm.s32 @!p0 $0x108  }
0x21: {  	s3 =	sadd.s32 s3, s9;
	s6 =	sadd.s32 @!p0 $0x88, s6;
	s7 =	simm.s32 @p2 $0x1082  }
0x22: {  	[simem:s7], [sflag:s8] =	dma.local @!p0 [hbm:s6], $0xF7A  }
0x23: {  	s9 =	sor.u32 $0xD0000000, s2;
	s6 =	simm.s32 $0x108;
	_ =	swait.ge @!p0 [sflag:s8], $0x0  }
0x24: {  	s3 =	sadd.s32 $0x88, s3;
	s6 =	simm.s32 @!p1 $0x1082;
	[sflag:s4] =	ssyncset.s32 $0xFFFFF086  }
0x25: {  	[simem:s6], [sflag:s4] =	dma.local [hbm:s3], $0xF7A  }
0x26: {  	[smem:$0x3F99] =	sst s1;
	(tag) =	ssettag s2;
	_ =	strace s9  }
0x27: {  	s1 =	sld [smem:$0x3FA9]  }
0x28: {  	s2 =	sld [smem:$0x3FAA]  }
0x29: {  	s4 =	sld [smem:$0x3FAC]  }
0x2a: {  	p0 =	seq.s32 s5, $0x0;
	s5 =	sld [smem:$0x3FAD]  }
0x2b: {  	s6 =	sld [smem:$0x3FAE]  }
0x2c: {  	s7 =	sld [smem:$0x3FAF]  }
0x2d: {  	s3 =	simm.s32 $0x108;
	s8 =	sld [smem:$0x3FB0]  }
0x2e: {  	s3 =	simm.s32 @!p0 $0x1082;
	s9 =	sld [smem:$0x3FB1]  }
0x2f: {  	lr =	sadd.s32 s0, s3;
	s0 =	sld [smem:$0x3FA8]  }
0x30: {  	s3 =	sld [smem:$0x3FAB]  }
0x31: {  	[smem:$0x3FB4] =	sst s10  }
0x32: {  	s10 =	sld [smem:$0x3FB2];
	_ =	sdelay $0x3  }
0x33: {  	p0 =	seq.s32 s10, $0x1;
	s10 =	sld [smem:$0x3FB4];
	_ =	sdelay $0x3  }
0x34: {  	[smem:$0x3FB4] =	sst s10  }
0x35: {  	s10 =	sld [smem:$0x3FB3];
	_ =	sdelay $0x3  }
0x36: {  	p1 =	seq.s32 s10, $0x1;
	s10 =	sld [smem:$0x3FB4];
	_ =	sdelay $0x3  }
0x37: {  	[smem:$0x3FB4] =	sst s10  }
0x38: {  	s10 =	sld [smem:$0x3FB5]  }
0x39: {  	_ = 	snop;
	(pc) =	sbr.ind lr, $3  }
0x3a: {  	_ = 	snop  }
0x3b: {  	_ = 	snop  }
0x3c: {  	p2 =	seq.s32 s10, $0x1;
	s10 =	sld [smem:$0x3FB4]  }
0x3d: {  	_ =	shalt  }
0x3e: {  	_ =	shalt  }
0x3f: {  	_ =	shalt  }
0x40: {  	_ =	shalt  }
0x41: {  	_ =	shalt  }
0x42: {  	_ =	shalt  }
0x43: {  	_ =	shalt  }
0x44: {  	_ =	shalt  }
0x45: {  	_ =	shalt  }
0x46: {  	_ =	shalt  }
0x47: {  	_ =	shalt  }
0x48: {  	_ =	shalt  }
0x49: {  	_ =	shalt  }
0x4a: {  	_ =	shalt  }
0x4b: {  	_ =	shalt  }
0x4c: {  	_ =	shalt  }
0x4d: {  	_ =	shalt  }
0x4e: {  	_ =	shalt  }
0x4f: {  	_ =	shalt  }
0x50: {  	_ =	shalt  }
0x51: {  	_ =	shalt  }
0x52: {  	_ =	shalt  }
0x53: {  	_ =	shalt  }
0x54: {  	_ =	shalt  }
0x55: {  	_ =	shalt  }
0x56: {  	_ =	shalt  }
0x57: {  	_ =	shalt  }
0x58: {  	_ =	shalt  }
0x59: {  	_ =	shalt  }
0x5a: {  	_ =	shalt  }
0x5b: {  	_ =	shalt  }
0x5c: {  	_ =	shalt  }
0x5d: {  	_ =	shalt  }
0x5e: {  	_ =	shalt  }
0x5f: {  	_ =	shalt  }
0x60: {  	_ =	shalt  }
0x61: {  	_ =	shalt  }
0x62: {  	_ =	shalt  }
0x63: {  	_ =	shalt  }
0x64: {  	_ =	shalt  }
0x65: {  	_ =	shalt  }
0x66: {  	_ =	shalt  }
0x67: {  	_ =	shalt  }
0x68: {  	_ =	shalt  }
0x69: {  	_ =	shalt  }
0x6a: {  	_ =	shalt  }
0x6b: {  	_ =	shalt  }
0x6c: {  	_ =	shalt  }
0x6d: {  	_ =	shalt  }
0x6e: {  	_ =	shalt  }
0x6f: {  	_ =	shalt  }
0x70: {  	_ =	shalt  }
0x71: {  	_ =	shalt  }
0x72: {  	_ =	shalt  }
0x73: {  	_ =	shalt  }
0x74: {  	_ =	shalt  }
0x75: {  	_ =	shalt  }
0x76: {  	_ =	shalt  }
0x77: {  	_ =	shalt  }
0x78: {  	_ =	shalt  }
0x79: {  	_ =	shalt  }
0x7a: {  	_ =	shalt  }
0x7b: {  	_ =	shalt  }
0x7c: {  	_ =	shalt  }
0x7d: {  	_ =	shalt  }
0x7e: {  	_ =	shalt  }
0x7f: {  	_ =	shalt  }
0x80: {  	_ =	shalt  }
0x81: {  	_ =	shalt  }
0x82: {  	_ =	shalt  }
0x83: {  	_ =	shalt  }
0x84: {  	_ =	shalt  }
0x85: {  	_ =	shalt  }
0x86: {  	_ =	shalt  }
0x87: {  	_ =	shalt  }
.Lfunc_end0:
.L_simem_size_0:
called_computation.1_lowered:
.L_overlay_start_0:
0x88: {  	s2 =	sld [smem:$0x3FD9]  }
0x89: {  	s3 =	sld [smem:$0x3FFE];
	_ =	sdelay $0x1  }
0x8a: {  	s1 =	srdreg.scid  }
0x8b: {  	s0 =	sand.u32 $0x1, s1  }
0x8c: {  	s16 =	sshll.u32 s0, $0xA;
	s2 =	sadd.s32 s3, s2  }
0x8d: {  	s2 =	sadd.s32 s2, s16  }
0x8e: {  	[smem:$0x3FC0] =	sst s2  }
0x8f: {  	_ = 	snop  }
0x90: {  	(tm) =	ssettm $0x1  }
0x91: {  	s17 =	sld [smem:$0x3FFB];
	_ =	sdelay $0x3  }
0x92: {  	_ =	strace s17  }
0x93: {  	s2 =	sld [smem:$0x3FFC];
	_ =	sdelay $0x3  }
0x94: {  	_ =	strace s2  }
0x95: {  	s2 =	sld [smem:$0x3FFD];
	_ =	sdelay $0x3  }
0x96: {  	_ =	strace s2  }
0x97: {  	_ =	strace $0x8FFFFFFF  }
0x98: {  	s18 =	sld [smem:$0x3FDB];
	_ =	sdelay $0x1  }
0x99: {  	s19 =	simm.s32 $_scs_section_size  }
0x9a: {  	s4 =	simm.s32 $_size__tile_overlayer_lowered;
	s5 =	simm.s32 $_tile_overlayer_lowered  }
0x9b: {  	s22 =	simm.s32 $0x1BFF;
	s21 =	sshll.u32 s5, $0x1;
	s2 =	sadd.s32 s19, s18  }
0x9c: {  	s6 =	simm.s32 $0x0;
	s20 =	sshll.u32 s4, $0x1;
	s4 =	sadd.s32 s21, s2  }
0x9d: {  	[timem:s6], [sflag:s22] =	dma.local [hbm:s4], s20  }
0x9e: {  	_ =	swait.ge [sflag:s22], s20  }
0x9f: {  	s3 =	ssub.s32 $0x0, s20;
	[sflag:s22] =	ssyncset.done $0x0  }
0xa0: {  	[sflag:s22] =	ssyncadd.s32 s3;
	_ =	sdelay $0x1  }
0xa1: {  	s23 =	simm.s32 $0x1B8B  }
0xa2: {  	_ =	swait.ge [sflag:s23], $0x1  }
0xa3: {  	[sflag:s23] =	ssyncset.done $0x0  }
0xa4: {  	s25 =	simm.s32 $0x1B8E;
	s24 =	sld [smem:$0x3FFE];
	[sflag:s23] =	ssyncadd.s32 $0xFFFFFFFF  }
0xa5: {  	s26 =	simm.s32 $execute0_lowered;
	[smem:$0x3FD2] =	sst s25  }
0xa6: {  	s4 =	sshll.u32 s26, $0x1;
	_ =	strace $0x80000049;
	[dreg:$0x1] =	wrdreg $0xFFFFFFFF  }
0xa7: {  	s28 =	simm.s32 $_size_execute0_lowered;
	s2 =	sadd.s32 s2, s4;
	[dreg:$0x0] =	wrdreg $0x0  }
0xa8: {  	s4 =	sshll.u32 s28, $0x1;
	[dreg:$0x2] =	wrdreg s2  }
0xa9: {  	[dreg:$0x3] =	wrdreg s4  }
0xaa: {  	[dreg:$0x4] =	wrdreg $0xC0  }
0xab: {  	_ =	task [dreg:s6], $0x5FFFF  }
0xac: {  	[dreg:$0x1] =	wrdreg $0xFFFFFFFF  }
0xad: {  	[dreg:$0x0] =	wrdreg $0x60  }
0xae: {  	[dreg:$0x2] =	wrdreg s24  }
0xaf: {  	[dreg:$0x3] =	wrdreg $0x8BA00  }
0xb0: {  	[dreg:$0x4] =	wrdreg $0x12BA00  }
0xb1: {  	[dreg:$0x5] =	wrdreg $0x1CBA00  }
0xb2: {  	[dreg:$0x6] =	wrdreg $0x9  }
0xb3: {  	_ =	task.clear_ibuf [dreg:s6], $0x7FFFF;
	_ =	strace $0x90000049  }
0xb4: {  	s29 =	simm.s32 $0x9;
	_ =	strace $0x8000004B  }
0xb5: {  	_ =	swait.ge [sflag:s29], $0x1  }
0xb6: {  	[sflag:s29] =	ssyncadd.s32 $0xFFFFFFFF  }
0xb7: {  	_ =	strace $0x9000004B  }
0xb8: {  	_ =	sfence  }
0xb9: {  	s30 =	sld [smem:$0x0];
	_ =	sdelay $0x2  }
0xba: {  	s31 =	sshll.u32 s1, $0xD;
	s1 =	sshrl.u32 s1, $0x2  }
0xbb: {  	s3 =	sand.u32 $0x4000, s31;
	s1 =	sadd.s32 s1, s30  }
0xbc: {  	s0 =	sor.u32 s3, s0;
	s1 =	sshll.u32 s1, $0x11  }
0xbd: {  	s0 =	sor.u32 s1, s0  }
0xbe: {  	s0 =	sadd.s32 $0x8F2B, s0  }
0xbf: {  	[sflag:s0] =	ssyncadd.remote.s32 $0x1  }
0xc0: {  	_ =	sfence.sel $0xFFFF  }
0xc1: {  	[dreg:$0x0] =	wrdreg $0xFFFFFFFF;
	(pc) =	sbr.abs _section_cstart, $3  }
0xc2: {  	[dreg:$0x1] =	wrdreg $0xFFFFFFFF  }
0xc3: {  	_ =	task.clear_ibuf [dreg:s6], $0x2FFFF;
	_ =	strace $0x9FFFFFFF  }
0xc4: {  	(tm) =	ssettm $0x7FFFFFFF  }
0xc5: {  	_ =	shalt  }
tec
execute0_lowered:
.L_overlay_start_1:
0x0: {  	(tag) =	ssettag $0x1  }
0x1: {  	s0 =	rddreg [dreg:$0x0]  }
0x2: {  	s1 =	rddreg [dreg:$0x1]  }
0x3: {  	s2 =	rddreg [dreg:$0x2]  }
0x4: {  	s16 =	rddreg [dreg:$0x3];
	s5 =	simm.s32 $0x0  }
0x5: {  	s3 =	srdreg.scid;
	s13 =	stileid.u32;
	s25 =	simm.s32 $0x280  }
0x6: {  	s26 =	simm.s32 $0x4300;
	s28 =	simm.s32 $0x100;
	s29 =	simm.s32 $0x4  }
0x7: {  	s30 =	simm.s32 $0x2;
	s31 =	simm.s32 $0x2300;
	[smem:$0x7FF] =	sst s5  }
0x8: {  	s3 =	sand.u32 $0x1, s3;
	s7 =	smul.u32 $0xA000, s13;
	s8 =	sadd.s32 $0xC200, s0  }
0x9: {  	s10 =	sadd.s32 $0x2200, s0;
	s11 =	smul.u32 $0x280, s13;
	s6 =	sadd.s32 $0x16200, s0  }
0xa: {  	s9 =	sadd.s32 $0x3F600, s0;
	s19 =	smul.u32 $0x4F80, s13;
	s21 =	sshll.u32 s13, $0x6  }
0xb: {  	s13 =	smul.u32 $0x9F0, s13;
	_ =	strace $0x8000004A;
	[dreg:$0x7] =	wrdreg s9  }
0xc: {  	s4 =	smul.u32 $0xA0000, s3;
	s12 =	ssub.s32 $0x2, s3;
	[dreg:$0x5] =	wrdreg s25  }
0xd: {  	s9 =	sor.u32 $0x1C0A, s21;
	s21 =	simm.s32 $0x6300;
	[dreg:$0x6] =	wrdreg s26  }
0xe: {  	p0 =	sne.s32 s3, $0x0;
	s25 =	simm.s32 $0x200;
	s26 =	simm.s32 $0x300  }
0xf: {  	s3 =	simm.s32 $0x3;
	s17 =	sshrl.u32 s11, $0x3;
	s18 =	sshrl.u32 s12, $0x1  }
0x10: {  	s15 =	sadd.s32 s7, s1;
	s22 =	sshrl.u32 s19, $0x3;
	s11 =	sadd.s32 s11, s16  }
0x11: {  	s4 =	sadd.s32 s7, s4;
	s14 =	ssub.s32 s12, s18;
	s7 =	sadd.s32 s7, s2  }
0x12: {  	s12 =	sadd.s32 s8, s13;
	s13 =	sadd.s32 s10, s13;
	[dreg:$0xa] =	wrdreg s11  }
0x13: {  	s24 =	sshrl.u32 s15, $0x3;
	s4 =	sshrl.u32 s4, $0x3;
	[dreg:$0x9] =	wrdreg s7  }
0x14: {  	s7 =	sadd.s32 $0x10, s22;
	s23 =	smax.u32 s14, $0x1;
	[dreg:$0x10] =	wrdreg s24  }
0x15: {  	s22 =	simm.s32 $0x1CE20;
	s8 =	sadd.s32 s8, s7;
	[dreg:$0xf] =	wrdreg s23  }
0x16: {  	s4 =	sadd.s32 s4, s0;
	s7 =	sadd.s32 s10, s7;
	[dreg:$0xb] =	wrdreg s8  }
0x17: {  	s24 =	simm.s32 $0x80;
	s20 =	sadd.s32 $0x17600, s4;
	[dreg:$0xc] =	wrdreg s7  }
0x18: {  	v0 =	vlaneseq.u32;
	s0 =	sadd.s32 s17, s0;
	s4 =	sadd.s32 $0x40200, s4;
	[dreg:$0x8] =	wrdreg s20  }
0x19: {  	v1 =	vor.u32 $0x50, v0;
	v2 =	vor.u32 $0x10, v0;
	v3 =	vor.u32 $0x60, v0;
	s14 =	simm.s32 $0x0;
	s0 =	sadd.s32 $0x3FC00, s0;
	[dreg:$0xd] =	wrdreg s4  }
0x1a: {  	v4 =	vor.u32 $0x20, v0;
	v5 =	vor.u32 $0x70, v0;
	v6 =	vor.u32 $0x30, v0;
	s23 =	simm.s32 $0x180;
	s7 =	simm.s32 $0x8;
	[dreg:$0xe] =	wrdreg s0  }
0x1b: {  	v7 =	vor.u32 $0x80, v0;
	v8 =	vor.u32 $0x40, v0;
	v9 =	vor.u32 $0x90, v0;
	s20 =	simm.s32 $0xA;
	s0 =	simm.s32 $0x7;
	s4 =	simm.s32 $0x5  }
.LBB2_1:
0x1c: {  	s8 =	rddreg [dreg:$0x8]  }
0x1d: {  	s10 =	rddreg [dreg:$0x10]  }
0x1e: {  	[spmem:s10], [sflag:s9] =	dma.local [hbm:s8], $0x1400  }
0x1f: {  	_ =	swait.ge [sflag:s20], $0x1400  }
0x20: {  	[sflag:s20] =	ssyncset.done $0x0;
	s16 =	rddreg [dreg:$0x9]  }
0x21: {  	[sflag:s20] =	ssyncadd.s32 $0xFFFFEC00;
	s15 =	sshrl.u32 s16, $0x3  }
0x22: {  	[spmem:s15], [sflag:s9] =	dma.local [hbm:s6], $0x1400  }
0x23: {  	_ =	swait.ge [sflag:s20], $0x1400  }
0x24: {  	[sflag:s20] =	ssyncset.done $0x0  }
0x25: {  	[sflag:s20] =	ssyncadd.s32 $0xFFFFEC00  }
0x26: {  	[tilespmem:s21], [sflag:$0xA] =	stream.linear.gather [hbm4b:s6+s5], $0x2800, $0x38;
	[tilespmem:$0x1F620] =	vst v63  }
0x27: {  	_ =	swait.ge [sflag:s20], $0x2800  }
0x28: {  	[sflag:s20] =	ssyncset.done $0x0  }
0x29: {  	s16 =	sshrl.u32 s11, $0x3;
	[sflag:s20] =	ssyncadd.s32 $0xFFFFD800  }
0x2a: {  	[spmem:s16], [sflag:s9] =	dma.local [hbm:s6], $0x50  }
0x2b: {  	_ =	swait.ge [sflag:s20], $0x50  }
0x2c: {  	[sflag:s20] =	ssyncset.done $0x0  }
0x2d: {  	s17 =	rddreg [dreg:$0x7];
	[sflag:s20] =	ssyncadd.s32 $0xFFFFFFB0  }
0x2e: {  	[tilespmem:s22], [sflag:$0xA] =	stream.linear.gather [hbm4b:s17+s5], $0x2800, $0x38;
	[tilespmem:$0x1F620] =	vst v63  }
0x2f: {  	_ =	swait.ge [sflag:s20], $0x2800  }
0x30: {  	[sflag:s20] =	ssyncset.done $0x0  }
0x31: {  	[sflag:s20] =	ssyncadd.s32 $0xFFFFD800  }
0x32: {  	[bflag:$0x0] =	sbarrier.arrive $0xFFFF  }
0x33: {  	[tilespmem:s5], [sflag:$0xA] =	stream.linear.gather [hbm4b:s12+s5], $0x80, $0x38;
	[tilespmem:$0x1F620] =	vst v63  }
0x34: {  	_ =	swait.ge [sflag:s20], $0x80  }
0x35: {  	[sflag:s20] =	ssyncset.done $0x0  }
0x36: {  	[sflag:s20] =	ssyncadd.s32 $0xFFFFFF80  }
0x37: {  	[tilespmem:s23], [sflag:$0xA] =	stream.linear.gather [hbm4b:s13+s5], $0x80, $0x38;
	[tilespmem:$0x1F620] =	vst v63  }
0x38: {  	_ =	swait.ge [sflag:s20], $0x80  }
0x39: {  	[sflag:s20] =	ssyncset.done $0x0  }
0x3a: {  	s18 =	rddreg [dreg:$0xb];
	[sflag:s20] =	ssyncadd.s32 $0xFFFFFF80  }
0x3b: {  	[tilespmem:s24], [sflag:$0x2] =	stream.linear.gather [hbm4b:s18+s5], $0x80, $0x38;
	[tilespmem:$0x1F620] =	vst v63  }
0x3c: {  	s19 =	rddreg [dreg:$0xc]  }
0x3d: {  	[tilespmem:s25], [sflag:$0x2] =	stream.linear.gather [hbm4b:s19+s5], $0x80, $0x38;
	[tilespmem:$0x1F620] =	vst v63  }
0x3e: {  	s16 =	simm.s32 $0x0  }
0x3f: {  	[tilespmem:s26], [sflag:$0x4] =	stream.indirect.gather [spmem:s1], $0x40, s5, s24, $0xb8;
	[tilespmem:$0x1F620] =	vst v63  }
.LBB2_2:
0x40: {  	p1 =	seq.s32 s16, $0x0  }
0x41: {  	s17 =	simm.s32 @!p1 $0x9  }
0x42: {  	_ =	swait.ge @!p1 [sflag:s17], $0x2000  }
0x43: {  	s18 =	sadd.s32 s16, s12;
	[sflag:s17] =	ssyncset.done @!p1 $0x0  }
0x44: {  	s10 =	sadd.s32 s16, s13;
	s19 =	sadd.s32 $0x20, s18;
	[sflag:s17] =	ssyncadd.s32 @!p1 $0xFFFFE000  }
0x45: {  	[tilespmem:s28], [sflag:$0x3] =	stream.linear.gather [hbm4b:s19+s5], $0x80, $0x38;
	[tilespmem:$0x1F620] =	vst v63  }
0x46: {  	s18 =	sadd.s32 $0x20, s10;
	s8 =	rddreg [dreg:$0x5]  }
0x47: {  	[tilespmem:s8], [sflag:$0x3] =	stream.linear.gather [hbm4b:s18+s5], $0x80, $0x38;
	[tilespmem:$0x1F620] =	vst v63  }
0x48: {  	_ =	swait.ge [sflag:s29], $0x2000  }
0x49: {  	[sflag:s29] =	ssyncset.done $0x0  }
0x4a: {  	[sflag:s29] =	ssyncadd.s32 $0xFFFFE000  }
0x4b: {  	[spmem:s2] =	stream.indirect.scatter.add.f32 [tilespmem:s26], [sflag:$0x7], $0x40, s23, s24, $0xb8;
	[tilespmem:$0x1F620] =	vst v63  }
0x4c: {  	_ =	swait.ge [sflag:s30], $0x80  }
0x4d: {  	[sflag:s30] =	ssyncset.done $0x0  }
0x4e: {  	[sflag:s30] =	ssyncadd.s32 $0xFFFFFF80  }
0x4f: {  	_ =	swait.ge [sflag:s30], $0x80  }
0x50: {  	[sflag:s30] =	ssyncset.done $0x0  }
0x51: {  	[sflag:s30] =	ssyncadd.s32 $0xFFFFFF80  }
0x52: {  	[tilespmem:s31], [sflag:$0x5] =	stream.indirect.gather [spmem:s1], $0x40, s24, s24, $0xb8;
	[tilespmem:$0x1F620] =	vst v63  }
0x53: {  	v10 =	vld [tilespmem:$0x0];
	_ =	sdelay $0x4  }
0x54: {  	v11 =	vld [tilespmem:$0x180];
	_ =	sdelay $0x2  }
0x55: {  	v10 =	vld.idx.msk [tilespmem:v10+s22+$0x0], $0xffff;
	_ =	sdelay $0x4  }
0x56: {  	[tilespmem:v11+s21+$0x0] =	vst.idx.add.f32.msk $0xffff, v10  }
0x57: {  	v10 =	vld [tilespmem:$0x10];
	_ =	sdelay $0x4  }
0x58: {  	v11 =	vld [tilespmem:$0x190];
	_ =	sdelay $0x2  }
0x59: {  	v10 =	vld.idx.msk [tilespmem:v10+s22+$0x0], $0xffff;
	_ =	sdelay $0x4  }
0x5a: {  	[tilespmem:v11+s21+$0x0] =	vst.idx.add.f32.msk $0xffff, v10  }
0x5b: {  	v10 =	vld [tilespmem:$0x20];
	_ =	sdelay $0x4  }
0x5c: {  	v11 =	vld [tilespmem:$0x1A0];
	_ =	sdelay $0x2  }
0x5d: {  	v10 =	vld.idx.msk [tilespmem:v10+s22+$0x0], $0xffff;
	_ =	sdelay $0x4  }
0x5e: {  	[tilespmem:v11+s21+$0x0] =	vst.idx.add.f32.msk $0xffff, v10  }
0x5f: {  	v10 =	vld [tilespmem:$0x30];
	_ =	sdelay $0x4  }
0x60: {  	v11 =	vld [tilespmem:$0x1B0];
	_ =	sdelay $0x2  }
0x61: {  	v10 =	vld.idx.msk [tilespmem:v10+s22+$0x0], $0xffff;
	_ =	sdelay $0x4  }
0x62: {  	[tilespmem:v11+s21+$0x0] =	vst.idx.add.f32.msk $0xffff, v10  }
0x63: {  	v10 =	vld [tilespmem:$0x40];
	_ =	sdelay $0x4  }
0x64: {  	v11 =	vld [tilespmem:$0x1C0];
	_ =	sdelay $0x2  }
0x65: {  	v10 =	vld.idx.msk [tilespmem:v10+s22+$0x0], $0xffff;
	_ =	sdelay $0x4  }
0x66: {  	[tilespmem:v11+s21+$0x0] =	vst.idx.add.f32.msk $0xffff, v10  }
0x67: {  	v10 =	vld [tilespmem:$0x50];
	_ =	sdelay $0x4  }
0x68: {  	v11 =	vld [tilespmem:$0x1D0];
	_ =	sdelay $0x2  }
0x69: {  	v10 =	vld.idx.msk [tilespmem:v10+s22+$0x0], $0xffff;
	_ =	sdelay $0x4  }
0x6a: {  	[tilespmem:v11+s21+$0x0] =	vst.idx.add.f32.msk $0xffff, v10  }
0x6b: {  	v10 =	vld [tilespmem:$0x60];
	_ =	sdelay $0x4  }
0x6c: {  	v11 =	vld [tilespmem:$0x1E0];
	_ =	sdelay $0x2  }
0x6d: {  	v10 =	vld.idx.msk [tilespmem:v10+s22+$0x0], $0xffff;
	_ =	sdelay $0x4  }
0x6e: {  	[tilespmem:v11+s21+$0x0] =	vst.idx.add.f32.msk $0xffff, v10  }
0x6f: {  	v10 =	vld [tilespmem:$0x70];
	_ =	sdelay $0x4  }
0x70: {  	v11 =	vld [tilespmem:$0x1F0];
	_ =	sdelay $0x2  }
0x71: {  	v10 =	vld.idx.msk [tilespmem:v10+s22+$0x0], $0xffff;
	_ =	sdelay $0x4  }
0x72: {  	[tilespmem:v11+s21+$0x0] =	vst.idx.add.f32.msk $0xffff, v10  }
0x73: {  	p1 =	seq.s32 s16, $0x9C0;
	_ =	swait.ge [sflag:s0], $0x2000  }
0x74: {  	s18 =	sadd.s32 @!p1 s16, s12;
	[sflag:s0] =	ssyncset.done $0x0  }
0x75: {  	s17 =	simm.s32 @!p1 $0x0;
	s19 =	sadd.s32 @!p1 $0x30, s18;
	[sflag:s0] =	ssyncadd.s32 $0xFFFFE000  }
0x76: {  	[tilespmem:s17], [sflag:$0x1] =	stream.linear.gather @!p1 [hbm4b:s19+s17], $0x80, $0x38;
	[tilespmem:$0x1F620] =	vst v63  }
0x77: {  	s19 =	sadd.s32 @!p1 s16, s13  }
0x78: {  	s8 =	simm.s32 @!p1 $0x180;
	s10 =	sadd.s32 @!p1 $0x30, s19  }
0x79: {  	[tilespmem:s8], [sflag:$0x1] =	stream.linear.gather @!p1 [hbm4b:s10+s17], $0x80, $0x38;
	[tilespmem:$0x1F620] =	vst v63  }
0x7a: {  	_ =	swait.ge [sflag:s4], $0x2000  }
0x7b: {  	[sflag:s4] =	ssyncset.done $0x0  }
0x7c: {  	[sflag:s4] =	ssyncadd.s32 $0xFFFFE000  }
0x7d: {  	[spmem:s2] =	stream.indirect.scatter.add.f32 [tilespmem:s31], [sflag:$0x8], $0x40, s25, s24, $0xb8;
	[tilespmem:$0x1F620] =	vst v63  }
0x7e: {  	_ =	swait.ge [sflag:s3], $0x80  }
0x7f: {  	[sflag:s3] =	ssyncset.done $0x0  }
0x80: {  	[sflag:s3] =	ssyncadd.s32 $0xFFFFFF80  }
0x81: {  	_ =	swait.ge [sflag:s3], $0x80  }
0x82: {  	[sflag:s3] =	ssyncset.done $0x0  }
0x83: {  	s11 =	rddreg [dreg:$0x6];
	[sflag:s3] =	ssyncadd.s32 $0xFFFFFF80  }
0x84: {  	[tilespmem:s11], [sflag:$0x6] =	stream.indirect.gather [spmem:s1], $0x40, s28, s24, $0xb8;
	[tilespmem:$0x1F620] =	vst v63  }
0x85: {  	v10 =	vld [tilespmem:$0x80];
	_ =	sdelay $0x4  }
0x86: {  	v11 =	vld [tilespmem:$0x200];
	_ =	sdelay $0x2  }
0x87: {  	v10 =	vld.idx.msk [tilespmem:v10+s22+$0x0], $0xffff;
	_ =	sdelay $0x4  }
0x88: {  	[tilespmem:v11+s21+$0x0] =	vst.idx.add.f32.msk $0xffff, v10  }
0x89: {  	v10 =	vld [tilespmem:$0x90];
	_ =	sdelay $0x4  }
0x8a: {  	v11 =	vld [tilespmem:$0x210];
	_ =	sdelay $0x2  }
0x8b: {  	v10 =	vld.idx.msk [tilespmem:v10+s22+$0x0], $0xffff;
	_ =	sdelay $0x4  }
0x8c: {  	[tilespmem:v11+s21+$0x0] =	vst.idx.add.f32.msk $0xffff, v10  }
0x8d: {  	v10 =	vld [tilespmem:$0xA0];
	_ =	sdelay $0x4  }
0x8e: {  	v11 =	vld [tilespmem:$0x220];
	_ =	sdelay $0x2  }
0x8f: {  	v10 =	vld.idx.msk [tilespmem:v10+s22+$0x0], $0xffff;
	_ =	sdelay $0x4  }
0x90: {  	[tilespmem:v11+s21+$0x0] =	vst.idx.add.f32.msk $0xffff, v10  }
0x91: {  	v10 =	vld [tilespmem:$0xB0];
	_ =	sdelay $0x4  }
0x92: {  	v11 =	vld [tilespmem:$0x230];
	_ =	sdelay $0x2  }
0x93: {  	v10 =	vld.idx.msk [tilespmem:v10+s22+$0x0], $0xffff;
	_ =	sdelay $0x4  }
0x94: {  	[tilespmem:v11+s21+$0x0] =	vst.idx.add.f32.msk $0xffff, v10  }
0x95: {  	v10 =	vld [tilespmem:$0xC0];
	_ =	sdelay $0x4  }
0x96: {  	v11 =	vld [tilespmem:$0x240];
	_ =	sdelay $0x2  }
0x97: {  	v10 =	vld.idx.msk [tilespmem:v10+s22+$0x0], $0xffff;
	_ =	sdelay $0x4  }
0x98: {  	[tilespmem:v11+s21+$0x0] =	vst.idx.add.f32.msk $0xffff, v10  }
0x99: {  	v10 =	vld [tilespmem:$0xD0];
	_ =	sdelay $0x4  }
0x9a: {  	v11 =	vld [tilespmem:$0x250];
	_ =	sdelay $0x2  }
0x9b: {  	v10 =	vld.idx.msk [tilespmem:v10+s22+$0x0], $0xffff;
	_ =	sdelay $0x4  }
0x9c: {  	[tilespmem:v11+s21+$0x0] =	vst.idx.add.f32.msk $0xffff, v10  }
0x9d: {  	v10 =	vld [tilespmem:$0xE0];
	_ =	sdelay $0x4  }
0x9e: {  	v11 =	vld [tilespmem:$0x260];
	_ =	sdelay $0x2  }
0x9f: {  	v10 =	vld.idx.msk [tilespmem:v10+s22+$0x0], $0xffff;
	_ =	sdelay $0x4  }
0xa0: {  	[tilespmem:v11+s21+$0x0] =	vst.idx.add.f32.msk $0xffff, v10  }
0xa1: {  	v10 =	vld [tilespmem:$0xF0];
	_ =	sdelay $0x4  }
0xa2: {  	v11 =	vld [tilespmem:$0x270];
	_ =	sdelay $0x2  }
0xa3: {  	v10 =	vld.idx.msk [tilespmem:v10+s22+$0x0], $0xffff;
	_ =	sdelay $0x4  }
0xa4: {  	[tilespmem:v11+s21+$0x0] =	vst.idx.add.f32.msk $0xffff, v10  }
0xa5: {  	_ =	swait.ge [sflag:s7], $0x2000  }
0xa6: {  	[sflag:s7] =	ssyncset.done $0x0  }
0xa7: {  	s8 =	simm.s32 @p1 $0x6;
	[sflag:s7] =	ssyncadd.s32 $0xFFFFE000  }
0xa8: {  	_ =	swait.ge @p1 [sflag:s8], $0x2000  }
0xa9: {  	s10 =	simm.s32 @p1 $0x280;
	[sflag:s8] =	ssyncset.done @p1 $0x0  }
0xaa: {  	s11 =	simm.s32 @p1 $0x4300;
	[sflag:s8] =	ssyncadd.s32 @p1 $0xFFFFE000;
	s8 =	simm.s32 @p1 $0x80  }
0xab: {  	[spmem:s2] =	stream.indirect.scatter.add.f32 @p1 [tilespmem:s11], [sflag:$0x9], $0x40, s10, s8, $0xb8;
	[tilespmem:$0x1F620] =	vst v63  }
0xac: {  	s8 =	sadd.s32 @!p1 $0x40, s18;
	s10 =	simm.s32 @!p1 $0x80  }
0xad: {  	[tilespmem:s10], [sflag:$0x2] =	stream.linear.gather @!p1 [hbm4b:s8+s17], $0x80, $0x38;
	[tilespmem:$0x1F620] =	vst v63  }
0xae: {  	s11 =	simm.s32 @!p1 $0x200;
	s8 =	sadd.s32 @!p1 $0x40, s19  }
0xaf: {  	[tilespmem:s11], [sflag:$0x2] =	stream.linear.gather @!p1 [hbm4b:s8+s17], $0x80, $0x38;
	[tilespmem:$0x1F620] =	vst v63  }
0xb0: {  	s8 =	simm.s32 @!p1 $0x6  }
0xb1: {  	_ =	swait.ge @!p1 [sflag:s8], $0x2000  }
0xb2: {  	[sflag:s8] =	ssyncset.done @!p1 $0x0  }
0xb3: {  	s11 =	simm.s32 @!p1 $0x4300;
	[sflag:s8] =	ssyncadd.s32 @!p1 $0xFFFFE000;
	s8 =	simm.s32 @!p1 $0x280  }
0xb4: {  	[spmem:s2] =	stream.indirect.scatter.add.f32 @!p1 [tilespmem:s11], [sflag:$0x9], $0x40, s8, s10, $0xb8;
	[tilespmem:$0x1F620] =	vst v63  }
0xb5: {  	s8 =	simm.s32 @!p1 $0x1  }
0xb6: {  	_ =	swait.ge @!p1 [sflag:s8], $0x80  }
0xb7: {  	[sflag:s8] =	ssyncset.done @!p1 $0x0  }
0xb8: {  	[sflag:s8] =	ssyncadd.s32 @!p1 $0xFFFFFF80  }
0xb9: {  	_ =	swait.ge @!p1 [sflag:s8], $0x80  }
0xba: {  	[sflag:s8] =	ssyncset.done @!p1 $0x0  }
0xbb: {  	[sflag:s8] =	ssyncadd.s32 @!p1 $0xFFFFFF80;
	s8 =	simm.s32 @!p1 $0x300  }
0xbc: {  	[tilespmem:s8], [sflag:$0x4] =	stream.indirect.gather @!p1 [spmem:s1], $0x40, s17, s10, $0xb8;
	[tilespmem:$0x1F620] =	vst v63  }
0xbd: {  	v10 =	vld [tilespmem:$0x100];
	_ =	sdelay $0x4  }
0xbe: {  	v11 =	vld [tilespmem:$0x280];
	_ =	sdelay $0x2  }
0xbf: {  	v10 =	vld.idx.msk [tilespmem:v10+s22+$0x0], $0xffff;
	_ =	sdelay $0x4  }
0xc0: {  	[tilespmem:v11+s21+$0x0] =	vst.idx.add.f32.msk $0xffff, v10  }
0xc1: {  	v10 =	vld [tilespmem:$0x110];
	_ =	sdelay $0x4  }
0xc2: {  	v11 =	vld [tilespmem:$0x290];
	_ =	sdelay $0x2  }
0xc3: {  	v10 =	vld.idx.msk [tilespmem:v10+s22+$0x0], $0xffff;
	_ =	sdelay $0x4  }
0xc4: {  	[tilespmem:v11+s21+$0x0] =	vst.idx.add.f32.msk $0xffff, v10  }
0xc5: {  	v10 =	vld [tilespmem:$0x120];
	_ =	sdelay $0x4  }
0xc6: {  	v11 =	vld [tilespmem:$0x2A0];
	_ =	sdelay $0x2  }
0xc7: {  	v10 =	vld.idx.msk [tilespmem:v10+s22+$0x0], $0xffff;
	_ =	sdelay $0x4  }
0xc8: {  	[tilespmem:v11+s21+$0x0] =	vst.idx.add.f32.msk $0xffff, v10  }
0xc9: {  	v10 =	vld [tilespmem:$0x130];
	_ =	sdelay $0x4  }
0xca: {  	v11 =	vld [tilespmem:$0x2B0];
	_ =	sdelay $0x2  }
0xcb: {  	v10 =	vld.idx.msk [tilespmem:v10+s22+$0x0], $0xffff;
	_ =	sdelay $0x4  }
0xcc: {  	[tilespmem:v11+s21+$0x0] =	vst.idx.add.f32.msk $0xffff, v10  }
0xcd: {  	v10 =	vld [tilespmem:$0x140];
	_ =	sdelay $0x4  }
0xce: {  	v11 =	vld [tilespmem:$0x2C0];
	_ =	sdelay $0x2  }
0xcf: {  	v10 =	vld.idx.msk [tilespmem:v10+s22+$0x0], $0xffff;
	_ =	sdelay $0x4  }
0xd0: {  	[tilespmem:v11+s21+$0x0] =	vst.idx.add.f32.msk $0xffff, v10  }
0xd1: {  	v10 =	vld [tilespmem:$0x150];
	_ =	sdelay $0x4  }
0xd2: {  	v11 =	vld [tilespmem:$0x2D0];
	_ =	sdelay $0x2  }
0xd3: {  	v10 =	vld.idx.msk [tilespmem:v10+s22+$0x0], $0xffff;
	_ =	sdelay $0x4  }
0xd4: {  	[tilespmem:v11+s21+$0x0] =	vst.idx.add.f32.msk $0xffff, v10  }
0xd5: {  	v10 =	vld [tilespmem:$0x160];
	_ =	sdelay $0x4  }
0xd6: {  	v11 =	vld [tilespmem:$0x2E0];
	_ =	sdelay $0x2  }
0xd7: {  	v10 =	vld.idx.msk [tilespmem:v10+s22+$0x0], $0xffff;
	_ =	sdelay $0x4  }
0xd8: {  	[tilespmem:v11+s21+$0x0] =	vst.idx.add.f32.msk $0xffff, v10  }
0xd9: {  	v10 =	vld [tilespmem:$0x170];
	_ =	sdelay $0x4  }
0xda: {  	v11 =	vld [tilespmem:$0x2F0];
	_ =	sdelay $0x1  }
0xdb: {  	s16 =	sadd.s32 $0x30, s16  }
0xdc: {  	p1 =	sne.s32 s16, $0x9F0;
	v10 =	vld.idx.msk [tilespmem:v10+s22+$0x0], $0xffff  }
.Ltmp0:
0xdd: {  	_ = 	snop;
	(pc) =	sbr.rel @p1 .LBB2_2-.Ltmp0, $2  }
0xde: {  	_ =	sdelay $0x2  }
0xdf: {  	[tilespmem:v11+s21+$0x0] =	vst.idx.add.f32.msk $0xffff, v10  }
0xe0: {  	s8 =	simm.s32 $0x9  }
0xe1: {  	_ =	swait.ge [sflag:s8], $0x2000  }
0xe2: {  	[sflag:s8] =	ssyncset.done $0x0  }
0xe3: {  	[sflag:s8] =	ssyncadd.s32 $0xFFFFE000  }
0xe4: {  	[tilespmem:$0x8B00] =	vst v0  }
0xe5: {  	[tilespmem:$0x8B50] =	vst v1  }
0xe6: {  	[tilespmem:$0x8B10] =	vst v2  }
0xe7: {  	[tilespmem:$0x8B60] =	vst v3  }
0xe8: {  	[tilespmem:$0x8B20] =	vst v4  }
0xe9: {  	[tilespmem:$0x8B70] =	vst v5  }
0xea: {  	[tilespmem:$0x8B30] =	vst v6  }
0xeb: {  	[tilespmem:$0x8B80] =	vst v7  }
0xec: {  	[tilespmem:$0x8B40] =	vst v8  }
0xed: {  	s10 =	simm.s32 $0x50;
	s11 =	simm.s32 $0x8B00;
	[tilespmem:$0x8B90] =	vst v9;
	s8 =	rddreg [dreg:$0x3]  }
0xee: {  	[spmem:s8] =	stream.indirect.scatter.add.f32 [tilespmem:s21], [sflag:$0xA], $0x40, s11, s10, $0xb8;
	[tilespmem:$0x1F620] =	vst v63  }
0xef: {  	_ =	swait.ge [sflag:s20], $0x1400  }
0xf0: {  	[sflag:s20] =	ssyncset.done $0x0  }
0xf1: {  	s17 =	simm.s32 $0x8B50;
	s16 =	simm.s32 $0x7700;
	[sflag:s20] =	ssyncadd.s32 $0xFFFFEC00  }
0xf2: {  	[spmem:s8] =	stream.indirect.scatter.add.f32 [tilespmem:s16], [sflag:$0xA], $0x40, s17, s10, $0xb8;
	[tilespmem:$0x1F620] =	vst v63  }
0xf3: {  	_ =	swait.ge [sflag:s20], $0x1400  }
0xf4: {  	[sflag:s20] =	ssyncset.done $0x0  }
0xf5: {  	[sflag:s20] =	ssyncadd.s32 $0xFFFFEC00  }
0xf6: {  	[bflag:$0x0] =	sbarrier.arrive $0xFFFF  }
0xf7: {  	s18 =	rddreg [dreg:$0xd]  }
0xf8: {  	[hbm:s18], [sflag:s9] =	dma.local [spmem:s15], $0x1400  }
0xf9: {  	_ =	swait.ge [sflag:s20], $0x1400  }
0xfa: {  	[sflag:s20] =	ssyncset.done $0x0;
	s11 =	rddreg [dreg:$0xa]  }
0xfb: {  	s10 =	rddreg [dreg:$0xe];
	[sflag:s20] =	ssyncadd.s32 $0xFFFFEC00;
	s8 =	sshrl.u32 @!p0 s11, $0x3  }
0xfc: {  	[hbm:s10], [sflag:s9] =	dma.local @!p0 [spmem:s8], $0x50  }
0xfd: {  	s8 =	simm.s32 @!p0 $0xA  }
0xfe: {  	_ =	swait.ge @!p0 [sflag:s8], $0x50  }
0xff: {  	s14 =	sadd.s32 $0x1, s14;
	s19 =	rddreg [dreg:$0xf]  }
0x100: {  	p1 =	sne.s32 s14, s19  }
.Ltmp1:
0x101: {  	_ = 	snop;
	(pc) =	sbr.rel @p1 .LBB2_1-.Ltmp1, $3  }
0x102: {  	_ =	sdelay $0x1  }
0x103: {  	[sflag:s8] =	ssyncset.done @!p0 $0x0  }
0x104: {  	[sflag:s8] =	ssyncadd.s32 @!p0 $0xFFFFFFB0  }
0x105: {  	_ =	sfence.sel $0x180000  }
0x106: {  	[bflag:$0x0] =	sbarrier.arrive $0xFFFF  }
0x107: {  	_ =	strace $0x9000004A  }
0x108: {  	s0 =	stileid.u32;
	[bflag:$0x2] =	sbarrier.arrive $0xFFFF  }
0x109: {  	p0 =	sne.s32 s0, $0x0;
	s0 =	rddreg [dreg:$0x4]  }
0x10a: {  	s0 =	sadd.s32 @!p0 $0x100000, s0  }
0x10b: {  	[sflag:s0] =	ssyncadd.tile.s32 @!p0 $0x1;
	_ =	shalt  }
.Lfunc_end2:
_tile_overlayer_lowered:
.L_overlay_start_2:
0x10c: {  	(tag) =	ssettag $0x2  }
0x10d: {  	s0 =	rddreg [dreg:$0x0];
	s2 =	stileid.u32  }
0x10e: {  	s1 =	rddreg [dreg:$0x1];
	p0 =	sne.s32 s2, $0x0  }
0x10f: {  	s3 =	rddreg [dreg:$0x2];
	[bflag:$0x3] =	sbarrier.arrive $0xFFFF;
	s2 =	simm.s32 @!p0 $0x1C0A  }
0x110: {  	[timem:s3], [sflag:s2] =	dma.local @!p0 [hbm:s0], s1  }
0x111: {  	s0 =	simm.s32 @!p0 $0xA  }
0x112: {  	_ =	swait.ge @!p0 [sflag:s0], s1  }
0x113: {  	s1 =	ssub.s32 @!p0 $0x0, s1;
	[sflag:s0] =	ssyncset.done @!p0 $0x0  }
0x114: {  	[sflag:s0] =	ssyncadd.s32 @!p0 s1  }
0x115: {  	[bflag:$0x3] =	sbarrier.arrive $0xFFFF  }
0x116: {  	_ =	shalt  }

</sc_bundles>
